<compile_context>
chip_gen: v7x
topology: tpu7x:2x2x1
jax: 0.10.2.dev20260603
libtpu: 0.0.44.dev20260713+nightly
codegen_flags: <defaults>
</compile_context>

<pallas_src>
import jax
import jax.numpy as jnp
from jax import lax
from jax.experimental import pallas as pl
from jax.experimental.pallas import tpu as pltpu
from jax.experimental.pallas import tpu_sc as plsc

VOCAB = 1000000
EMBED = 32
B = 16384
C = 5

_INFO = plsc.get_sparse_core_info()
NC = _INFO.num_cores
NS = _INFO.num_subcores
NW = NC * NS
BPW = B // NW
PPW = BPW * C
CHUNK = 128
TCH = BPW // CHUNK
CCH = PPW // CHUNK
GRP = 16


def _sc_kernel(tgt_idx_hbm, ctx_idx_hbm, lbl_hbm, emb_hbm,
               out_hbm,
               tgt_idx_v, ctx_idx_v, lbl_v, t_rows, c_rows, out_v, sem):
    wid = lax.axis_index("s") * NC + lax.axis_index("c")

    pltpu.sync_copy(tgt_idx_hbm.at[wid], tgt_idx_v)
    pltpu.sync_copy(ctx_idx_hbm.at[wid], ctx_idx_v)
    pltpu.sync_copy(lbl_hbm.at[pl.ds(wid * PPW, PPW)], lbl_v)

    dmas = []
    for j in range(TCH):
        dmas.append(pltpu.async_copy(
            emb_hbm.at[tgt_idx_v.at[j]],
            t_rows.at[pl.ds(j * CHUNK, CHUNK)], sem))
    for j in range(CCH):
        dmas.append(pltpu.async_copy(
            emb_hbm.at[ctx_idx_v.at[j]],
            c_rows.at[pl.ds(j * CHUNK, CHUNK)], sem))
    for dma in dmas:
        dma.wait()

    iota = lax.iota(jnp.int32, NS)

    def group_body(g, carry):
        b0 = g * GRP
        rows = b0 + iota
        pair0 = rows * C
        acc = [jnp.zeros((NS,), jnp.float32) for _ in range(C)]
        ctx_row = [pair0 + c for c in range(C)]
        for e in range(EMBED):
            col = jnp.full((NS,), e, jnp.int32)
            tv = plsc.load_gather(t_rows, [rows, col])
            for c in range(C):
                cv = plsc.load_gather(c_rows, [ctx_row[c], col])
                acc[c] = acc[c] + tv * cv
        for c in range(C):
            pos = pair0 + c
            lblv = plsc.load_gather(lbl_v, [pos])
            plsc.store_scatter(out_v, [pos], acc[c] * lblv)
        return carry

    lax.fori_loop(0, BPW // GRP, group_body, 0)

    pltpu.sync_copy(out_v, out_hbm.at[pl.ds(wid * PPW, PPW)])


def kernel(target, context, label, emb_target, emb_context):
    tgt2d = target.reshape(NW, TCH, CHUNK)
    ctx2d = (context + VOCAB).reshape(NW, CCH, CHUNK)
    lblf = label.astype(jnp.float32).reshape(B * C)

    emb = jnp.concatenate([emb_target, emb_context], axis=0)

    mesh = plsc.VectorSubcoreMesh(core_axis_name="c", subcore_axis_name="s")
    out = pl.kernel(
        _sc_kernel,
        mesh=mesh,
        compiler_params=pltpu.CompilerParams(needs_layout_passes=False,
                                             use_tc_tiling_on_sc=False),
        out_type=jax.ShapeDtypeStruct((B * C,), jnp.float32),
        scratch_types=[
            pltpu.VMEM((TCH, CHUNK), jnp.int32),
            pltpu.VMEM((CCH, CHUNK), jnp.int32),
            pltpu.VMEM((PPW,), jnp.float32),
            pltpu.VMEM((BPW, EMBED), jnp.float32),
            pltpu.VMEM((PPW, EMBED), jnp.float32),
            pltpu.VMEM((PPW,), jnp.float32),
            pltpu.SemaphoreType.DMA,
        ],
    )(tgt2d, ctx2d, lblf, emb)
    return out.reshape(B, C)

# --- scband reference (transcript-rebuilt; emitter-appended) ---
"""Pipeline reference for scband-skip-gram-model-84275848282166 (READ-ONLY COPY).

The authoritative reference and input builder live on the scoring server;
editing this copy changes nothing except your own understanding.
"""

import jax, jax.numpy as jnp
import numpy as np

VOCAB = 1000000
EMBED = 32
B = 16384
C = 5


def setup_inputs(seed: int = 0) -> dict:
    key = jax.random.key(seed)
    k1, k2, k3, k4, k5 = jax.random.split(key, 5)
    target = jax.random.randint(k1, (B,), 0, VOCAB, dtype=jnp.int64 if jax.config.jax_enable_x64 else jnp.int32).astype(jnp.int32)
    context = jax.random.randint(k2, (B, C), 0, VOCAB).astype(jnp.int32)
    label = jax.random.randint(k3, (B, C), 0, 2).astype(jnp.int32)
    emb_target = jax.random.normal(k4, (VOCAB, EMBED), dtype=jnp.float32) * 0.05
    emb_context = jax.random.normal(k5, (VOCAB, EMBED), dtype=jnp.float32) * 0.05
    return {"target": target, "context": context, "label": label,
            "emb_target": emb_target, "emb_context": emb_context}


def reference(target, context, label, emb_target, emb_context):
    # Embedding lookups (SparseCore-friendly gathers)
    target_emb = jnp.take(emb_target, target, axis=0)          # [B, E]
    context_emb = jnp.take(emb_context, context, axis=0)       # [B, C, E]
    # dots = einsum('be,bce->bc')
    dots = jnp.einsum('be,bce->bc', target_emb, context_emb)   # [B, C]
    return dots * label.astype(jnp.float32)

if __name__ == "__main__":
    import jax
    _d = setup_inputs()
    print(jax.jit(kernel)(*tuple(_d.values())))

</pallas_src>

<mosaic_0001>
#map = affine_map<(d0, d1) -> (0, 0, 0)>
#map1 = affine_map<(d0, d1) -> (0)>
#map2 = affine_map<(d0, d1) -> (0, 0)>
module attributes {stable_mosaic.version = 14 : i64} {
  func.func @_sc_kernel(%arg0: i32, %arg1: i32, %arg2: memref<32x4x128xi32, #tpu.memory_space<hbm>>, %arg3: memref<32x20x128xi32, #tpu.memory_space<hbm>>, %arg4: memref<81920xf32, #tpu.memory_space<hbm>>, %arg5: memref<2000000x32xf32, #tpu.memory_space<hbm>>, %arg6: memref<81920xf32, #tpu.memory_space<hbm>>, %arg7: memref<4x128xi32, #tpu.memory_space<vmem>>, %arg8: memref<20x128xi32, #tpu.memory_space<vmem>>, %arg9: memref<2560xf32, #tpu.memory_space<vmem>>, %arg10: memref<512x32xf32, #tpu.memory_space<vmem>>, %arg11: memref<2560x32xf32, #tpu.memory_space<vmem>>, %arg12: memref<2560xf32, #tpu.memory_space<vmem>>, %arg13: memref<!tpu.dma_semaphore, #tpu.memory_space<semaphore_mem>>) attributes {dimension_semantics = [#tpu.dimension_semantics<core_parallel>, #tpu.dimension_semantics<subcore_parallel>], iteration_bounds = array<i64: 2, 16>, scalar_prefetch = 0 : i64, scratch_operands = 7 : i64, tpu.core_type = #tpu.core_type<sc_vector_subcore>, window_params = [{transform_indices = #map}, {transform_indices = #map}, {transform_indices = #map1}, {transform_indices = #map2}, {transform_indices = #map1}]} {
    %mul3A = arith.constant 2 : i32
    %mul3A_0 = arith.muli %arg1, %mul3A : i32
    %add3A = arith.addi %mul3A_0, %arg0 : i32
    "tpu.region"() ({
      %run_scoped3A = tpu.sem_alloc : memref<!tpu.dma_semaphore, #tpu.memory_space<semaphore_mem>>
      %dma_start3A_488 = arith.constant 0 : i32
      %dma_start3A_489 = arith.constant 0 : i32
      %dma_start3A_490 = tpu.memref_slice %arg2[%add3A, %dma_start3A_488, %dma_start3A_489] : memref<32x4x128xi32, #tpu.memory_space<hbm>> -> memref<1x4x128xi32, #tpu.memory_space<hbm>>
      %dma_start3A_491 = tpu.memref_squeeze %dma_start3A_490 : memref<1x4x128xi32, #tpu.memory_space<hbm>> -> memref<4x128xi32, #tpu.memory_space<hbm>>
      %dma_start3A_492 = arith.constant 0 : i32
      %dma_start3A_493 = arith.constant 0 : i32
      %dma_start3A_494 = tpu.memref_slice %arg2[%add3A, %dma_start3A_492, %dma_start3A_493] : memref<32x4x128xi32, #tpu.memory_space<hbm>> -> memref<1x4x128xi32, #tpu.memory_space<hbm>>
      %dma_start3A_495 = tpu.memref_squeeze %dma_start3A_494 : memref<1x4x128xi32, #tpu.memory_space<hbm>> -> memref<4x128xi32, #tpu.memory_space<hbm>>
      tpu.enqueue_dma source(%dma_start3A_495 : memref<4x128xi32, #tpu.memory_space<hbm>>) target(%arg7 : memref<4x128xi32, #tpu.memory_space<vmem>>) target_semaphore(%run_scoped3A : memref<!tpu.dma_semaphore, #tpu.memory_space<semaphore_mem>>)
      %dma_wait3A_496 = arith.constant 0 : i32
      %dma_wait3A_497 = arith.constant 0 : i32
      %dma_wait3A_498 = tpu.memref_slice %arg2[%add3A, %dma_wait3A_496, %dma_wait3A_497] : memref<32x4x128xi32, #tpu.memory_space<hbm>> -> memref<1x4x128xi32, #tpu.memory_space<hbm>>
      %dma_wait3A_499 = tpu.memref_squeeze %dma_wait3A_498 : memref<1x4x128xi32, #tpu.memory_space<hbm>> -> memref<4x128xi32, #tpu.memory_space<hbm>>
      %dma_wait3A_500 = arith.constant 0 : i32
      %dma_wait3A_501 = arith.constant 0 : i32
      %dma_wait3A_502 = tpu.memref_slice %arg2[%add3A, %dma_wait3A_500, %dma_wait3A_501] : memref<32x4x128xi32, #tpu.memory_space<hbm>> -> memref<1x4x128xi32, #tpu.memory_space<hbm>>
      %dma_wait3A_503 = tpu.memref_squeeze %dma_wait3A_502 : memref<1x4x128xi32, #tpu.memory_space<hbm>> -> memref<4x128xi32, #tpu.memory_space<hbm>>
      tpu.wait_dma2 semaphore(%run_scoped3A : memref<!tpu.dma_semaphore, #tpu.memory_space<semaphore_mem>>) src(%dma_wait3A_503 : memref<4x128xi32, #tpu.memory_space<hbm>>) dst(%arg7 : memref<4x128xi32, #tpu.memory_space<vmem>>)
      tpu.yield
    }) : () -> ()
    "tpu.region"() ({
      %run_scoped3A = tpu.sem_alloc : memref<!tpu.dma_semaphore, #tpu.memory_space<semaphore_mem>>
      %dma_start3A_488 = arith.constant 0 : i32
      %dma_start3A_489 = arith.constant 0 : i32
      %dma_start3A_490 = tpu.memref_slice %arg3[%add3A, %dma_start3A_488, %dma_start3A_489] : memref<32x20x128xi32, #tpu.memory_space<hbm>> -> memref<1x20x128xi32, #tpu.memory_space<hbm>>
      %dma_start3A_491 = tpu.memref_squeeze %dma_start3A_490 : memref<1x20x128xi32, #tpu.memory_space<hbm>> -> memref<20x128xi32, #tpu.memory_space<hbm>>
      %dma_start3A_492 = arith.constant 0 : i32
      %dma_start3A_493 = arith.constant 0 : i32
      %dma_start3A_494 = tpu.memref_slice %arg3[%add3A, %dma_start3A_492, %dma_start3A_493] : memref<32x20x128xi32, #tpu.memory_space<hbm>> -> memref<1x20x128xi32, #tpu.memory_space<hbm>>
      %dma_start3A_495 = tpu.memref_squeeze %dma_start3A_494 : memref<1x20x128xi32, #tpu.memory_space<hbm>> -> memref<20x128xi32, #tpu.memory_space<hbm>>
      tpu.enqueue_dma source(%dma_start3A_495 : memref<20x128xi32, #tpu.memory_space<hbm>>) target(%arg8 : memref<20x128xi32, #tpu.memory_space<vmem>>) target_semaphore(%run_scoped3A : memref<!tpu.dma_semaphore, #tpu.memory_space<semaphore_mem>>)
      %dma_wait3A_496 = arith.constant 0 : i32
      %dma_wait3A_497 = arith.constant 0 : i32
      %dma_wait3A_498 = tpu.memref_slice %arg3[%add3A, %dma_wait3A_496, %dma_wait3A_497] : memref<32x20x128xi32, #tpu.memory_space<hbm>> -> memref<1x20x128xi32, #tpu.memory_space<hbm>>
      %dma_wait3A_499 = tpu.memref_squeeze %dma_wait3A_498 : memref<1x20x128xi32, #tpu.memory_space<hbm>> -> memref<20x128xi32, #tpu.memory_space<hbm>>
      %dma_wait3A_500 = arith.constant 0 : i32
      %dma_wait3A_501 = arith.constant 0 : i32
      %dma_wait3A_502 = tpu.memref_slice %arg3[%add3A, %dma_wait3A_500, %dma_wait3A_501] : memref<32x20x128xi32, #tpu.memory_space<hbm>> -> memref<1x20x128xi32, #tpu.memory_space<hbm>>
      %dma_wait3A_503 = tpu.memref_squeeze %dma_wait3A_502 : memref<1x20x128xi32, #tpu.memory_space<hbm>> -> memref<20x128xi32, #tpu.memory_space<hbm>>
      tpu.wait_dma2 semaphore(%run_scoped3A : memref<!tpu.dma_semaphore, #tpu.memory_space<semaphore_mem>>) src(%dma_wait3A_503 : memref<20x128xi32, #tpu.memory_space<hbm>>) dst(%arg8 : memref<20x128xi32, #tpu.memory_space<vmem>>)
      tpu.yield
    }) : () -> ()
    %mul3A_1 = arith.constant 2560 : i32
    %mul3A_2 = arith.muli %add3A, %mul3A_1 : i32
    "tpu.region"() ({
      %run_scoped3A = tpu.sem_alloc : memref<!tpu.dma_semaphore, #tpu.memory_space<semaphore_mem>>
      %dma_start3A_488 = tpu.memref_slice %arg4[%mul3A_2] : memref<81920xf32, #tpu.memory_space<hbm>> -> memref<2560xf32, #tpu.memory_space<hbm>>
      %dma_start3A_489 = tpu.memref_slice %arg4[%mul3A_2] : memref<81920xf32, #tpu.memory_space<hbm>> -> memref<2560xf32, #tpu.memory_space<hbm>>
      tpu.enqueue_dma source(%dma_start3A_489 : memref<2560xf32, #tpu.memory_space<hbm>>) target(%arg9 : memref<2560xf32, #tpu.memory_space<vmem>>) target_semaphore(%run_scoped3A : memref<!tpu.dma_semaphore, #tpu.memory_space<semaphore_mem>>)
      %dma_wait3A_490 = tpu.memref_slice %arg4[%mul3A_2] : memref<81920xf32, #tpu.memory_space<hbm>> -> memref<2560xf32, #tpu.memory_space<hbm>>
      %dma_wait3A_491 = tpu.memref_slice %arg4[%mul3A_2] : memref<81920xf32, #tpu.memory_space<hbm>> -> memref<2560xf32, #tpu.memory_space<hbm>>
      tpu.wait_dma2 semaphore(%run_scoped3A : memref<!tpu.dma_semaphore, #tpu.memory_space<semaphore_mem>>) src(%dma_wait3A_491 : memref<2560xf32, #tpu.memory_space<hbm>>) dst(%arg9 : memref<2560xf32, #tpu.memory_space<vmem>>)
      tpu.yield
    }) : () -> ()
    %dma_start3A = arith.constant 0 : i32
    %dma_start3A_3 = arith.constant 0 : i32
    %dma_start3A_4 = arith.constant 0 : i32
    %dma_start3A_5 = tpu.memref_slice %arg10[%dma_start3A_3, %dma_start3A_4] : memref<512x32xf32, #tpu.memory_space<vmem>> -> memref<128x32xf32, #tpu.memory_space<vmem>>
    %dma_start3A_6 = arith.constant 0 : i32
    %dma_start3A_7 = tpu.memref_slice %arg7[%dma_start3A, %dma_start3A_6] : memref<4x128xi32, #tpu.memory_space<vmem>> -> memref<1x128xi32, #tpu.memory_space<vmem>>
    %dma_start3A_8 = tpu.memref_squeeze %dma_start3A_7 : memref<1x128xi32, #tpu.memory_space<vmem>> -> memref<128xi32, #tpu.memory_space<vmem>>
    %dma_start3A_9 = arith.constant 0 : i32
    %dma_start3A_10 = arith.constant 0 : i32
    %dma_start3A_11 = tpu.memref_slice %arg5[%dma_start3A_9, %dma_start3A_10] : memref<2000000x32xf32, #tpu.memory_space<hbm>> -> memref<2000000x32xf32, #tpu.memory_space<hbm>>
    tpu.enqueue_indirect_dma source(%dma_start3A_11 : memref<2000000x32xf32, #tpu.memory_space<hbm>>) target(%dma_start3A_5 : memref<128x32xf32, #tpu.memory_space<vmem>>) offsets(%dma_start3A_8 : memref<128xi32, #tpu.memory_space<vmem>>) semaphore(%arg13 : memref<!tpu.dma_semaphore, #tpu.memory_space<semaphore_mem>>)
    %dma_start3A_12 = arith.constant 1 : i32
    %dma_start3A_13 = arith.constant 128 : i32
    %dma_start3A_14 = arith.constant 0 : i32
    %dma_start3A_15 = tpu.memref_slice %arg10[%dma_start3A_13, %dma_start3A_14] : memref<512x32xf32, #tpu.memory_space<vmem>> -> memref<128x32xf32, #tpu.memory_space<vmem>>
    %dma_start3A_16 = arith.constant 0 : i32
    %dma_start3A_17 = tpu.memref_slice %arg7[%dma_start3A_12, %dma_start3A_16] : memref<4x128xi32, #tpu.memory_space<vmem>> -> memref<1x128xi32, #tpu.memory_space<vmem>>
    %dma_start3A_18 = tpu.memref_squeeze %dma_start3A_17 : memref<1x128xi32, #tpu.memory_space<vmem>> -> memref<128xi32, #tpu.memory_space<vmem>>
    %dma_start3A_19 = arith.constant 0 : i32
    %dma_start3A_20 = arith.constant 0 : i32
    %dma_start3A_21 = tpu.memref_slice %arg5[%dma_start3A_19, %dma_start3A_20] : memref<2000000x32xf32, #tpu.memory_space<hbm>> -> memref<2000000x32xf32, #tpu.memory_space<hbm>>
    tpu.enqueue_indirect_dma source(%dma_start3A_21 : memref<2000000x32xf32, #tpu.memory_space<hbm>>) target(%dma_start3A_15 : memref<128x32xf32, #tpu.memory_space<vmem>>) offsets(%dma_start3A_18 : memref<128xi32, #tpu.memory_space<vmem>>) semaphore(%arg13 : memref<!tpu.dma_semaphore, #tpu.memory_space<semaphore_mem>>)
    %dma_start3A_22 = arith.constant 2 : i32
    %dma_start3A_23 = arith.constant 256 : i32
    %dma_start3A_24 = arith.constant 0 : i32
    %dma_start3A_25 = tpu.memref_slice %arg10[%dma_start3A_23, %dma_start3A_24] : memref<512x32xf32, #tpu.memory_space<vmem>> -> memref<128x32xf32, #tpu.memory_space<vmem>>
    %dma_start3A_26 = arith.constant 0 : i32
    %dma_start3A_27 = tpu.memref_slice %arg7[%dma_start3A_22, %dma_start3A_26] : memref<4x128xi32, #tpu.memory_space<vmem>> -> memref<1x128xi32, #tpu.memory_space<vmem>>
    %dma_start3A_28 = tpu.memref_squeeze %dma_start3A_27 : memref<1x128xi32, #tpu.memory_space<vmem>> -> memref<128xi32, #tpu.memory_space<vmem>>
    %dma_start3A_29 = arith.constant 0 : i32
    %dma_start3A_30 = arith.constant 0 : i32
    %dma_start3A_31 = tpu.memref_slice %arg5[%dma_start3A_29, %dma_start3A_30] : memref<2000000x32xf32, #tpu.memory_space<hbm>> -> memref<2000000x32xf32, #tpu.memory_space<hbm>>
    tpu.enqueue_indirect_dma source(%dma_start3A_31 : memref<2000000x32xf32, #tpu.memory_space<hbm>>) target(%dma_start3A_25 : memref<128x32xf32, #tpu.memory_space<vmem>>) offsets(%dma_start3A_28 : memref<128xi32, #tpu.memory_space<vmem>>) semaphore(%arg13 : memref<!tpu.dma_semaphore, #tpu.memory_space<semaphore_mem>>)
    %dma_start3A_32 = arith.constant 3 : i32
    %dma_start3A_33 = arith.constant 384 : i32
    %dma_start3A_34 = arith.constant 0 : i32
    %dma_start3A_35 = tpu.memref_slice %arg10[%dma_start3A_33, %dma_start3A_34] : memref<512x32xf32, #tpu.memory_space<vmem>> -> memref<128x32xf32, #tpu.memory_space<vmem>>
    %dma_start3A_36 = arith.constant 0 : i32
    %dma_start3A_37 = tpu.memref_slice %arg7[%dma_start3A_32, %dma_start3A_36] : memref<4x128xi32, #tpu.memory_space<vmem>> -> memref<1x128xi32, #tpu.memory_space<vmem>>
    %dma_start3A_38 = tpu.memref_squeeze %dma_start3A_37 : memref<1x128xi32, #tpu.memory_space<vmem>> -> memref<128xi32, #tpu.memory_space<vmem>>
    %dma_start3A_39 = arith.constant 0 : i32
    %dma_start3A_40 = arith.constant 0 : i32
    %dma_start3A_41 = tpu.memref_slice %arg5[%dma_start3A_39, %dma_start3A_40] : memref<2000000x32xf32, #tpu.memory_space<hbm>> -> memref<2000000x32xf32, #tpu.memory_space<hbm>>
    tpu.enqueue_indirect_dma source(%dma_start3A_41 : memref<2000000x32xf32, #tpu.memory_space<hbm>>) target(%dma_start3A_35 : memref<128x32xf32, #tpu.memory_space<vmem>>) offsets(%dma_start3A_38 : memref<128xi32, #tpu.memory_space<vmem>>) semaphore(%arg13 : memref<!tpu.dma_semaphore, #tpu.memory_space<semaphore_mem>>)
    %dma_start3A_42 = arith.constant 0 : i32
    %dma_start3A_43 = arith.constant 0 : i32
    %dma_start3A_44 = arith.constant 0 : i32
    %dma_start3A_45 = tpu.memref_slice %arg11[%dma_start3A_43, %dma_start3A_44] : memref<2560x32xf32, #tpu.memory_space<vmem>> -> memref<128x32xf32, #tpu.memory_space<vmem>>
    %dma_start3A_46 = arith.constant 0 : i32
    %dma_start3A_47 = tpu.memref_slice %arg8[%dma_start3A_42, %dma_start3A_46] : memref<20x128xi32, #tpu.memory_space<vmem>> -> memref<1x128xi32, #tpu.memory_space<vmem>>
    %dma_start3A_48 = tpu.memref_squeeze %dma_start3A_47 : memref<1x128xi32, #tpu.memory_space<vmem>> -> memref<128xi32, #tpu.memory_space<vmem>>
    %dma_start3A_49 = arith.constant 0 : i32
    %dma_start3A_50 = arith.constant 0 : i32
    %dma_start3A_51 = tpu.memref_slice %arg5[%dma_start3A_49, %dma_start3A_50] : memref<2000000x32xf32, #tpu.memory_space<hbm>> -> memref<2000000x32xf32, #tpu.memory_space<hbm>>
    tpu.enqueue_indirect_dma source(%dma_start3A_51 : memref<2000000x32xf32, #tpu.memory_space<hbm>>) target(%dma_start3A_45 : memref<128x32xf32, #tpu.memory_space<vmem>>) offsets(%dma_start3A_48 : memref<128xi32, #tpu.memory_space<vmem>>) semaphore(%arg13 : memref<!tpu.dma_semaphore, #tpu.memory_space<semaphore_mem>>)
    %dma_start3A_52 = arith.constant 1 : i32
    %dma_start3A_53 = arith.constant 128 : i32
    %dma_start3A_54 = arith.constant 0 : i32
    %dma_start3A_55 = tpu.memref_slice %arg11[%dma_start3A_53, %dma_start3A_54] : memref<2560x32xf32, #tpu.memory_space<vmem>> -> memref<128x32xf32, #tpu.memory_space<vmem>>
    %dma_start3A_56 = arith.constant 0 : i32
    %dma_start3A_57 = tpu.memref_slice %arg8[%dma_start3A_52, %dma_start3A_56] : memref<20x128xi32, #tpu.memory_space<vmem>> -> memref<1x128xi32, #tpu.memory_space<vmem>>
    %dma_start3A_58 = tpu.memref_squeeze %dma_start3A_57 : memref<1x128xi32, #tpu.memory_space<vmem>> -> memref<128xi32, #tpu.memory_space<vmem>>
    %dma_start3A_59 = arith.constant 0 : i32
    %dma_start3A_60 = arith.constant 0 : i32
    %dma_start3A_61 = tpu.memref_slice %arg5[%dma_start3A_59, %dma_start3A_60] : memref<2000000x32xf32, #tpu.memory_space<hbm>> -> memref<2000000x32xf32, #tpu.memory_space<hbm>>
    tpu.enqueue_indirect_dma source(%dma_start3A_61 : memref<2000000x32xf32, #tpu.memory_space<hbm>>) target(%dma_start3A_55 : memref<128x32xf32, #tpu.memory_space<vmem>>) offsets(%dma_start3A_58 : memref<128xi32, #tpu.memory_space<vmem>>) semaphore(%arg13 : memref<!tpu.dma_semaphore, #tpu.memory_space<semaphore_mem>>)
    %dma_start3A_62 = arith.constant 2 : i32
    %dma_start3A_63 = arith.constant 256 : i32
    %dma_start3A_64 = arith.constant 0 : i32
    %dma_start3A_65 = tpu.memref_slice %arg11[%dma_start3A_63, %dma_start3A_64] : memref<2560x32xf32, #tpu.memory_space<vmem>> -> memref<128x32xf32, #tpu.memory_space<vmem>>
    %dma_start3A_66 = arith.constant 0 : i32
    %dma_start3A_67 = tpu.memref_slice %arg8[%dma_start3A_62, %dma_start3A_66] : memref<20x128xi32, #tpu.memory_space<vmem>> -> memref<1x128xi32, #tpu.memory_space<vmem>>
    %dma_start3A_68 = tpu.memref_squeeze %dma_start3A_67 : memref<1x128xi32, #tpu.memory_space<vmem>> -> memref<128xi32, #tpu.memory_space<vmem>>
    %dma_start3A_69 = arith.constant 0 : i32
    %dma_start3A_70 = arith.constant 0 : i32
    %dma_start3A_71 = tpu.memref_slice %arg5[%dma_start3A_69, %dma_start3A_70] : memref<2000000x32xf32, #tpu.memory_space<hbm>> -> memref<2000000x32xf32, #tpu.memory_space<hbm>>
    tpu.enqueue_indirect_dma source(%dma_start3A_71 : memref<2000000x32xf32, #tpu.memory_space<hbm>>) target(%dma_start3A_65 : memref<128x32xf32, #tpu.memory_space<vmem>>) offsets(%dma_start3A_68 : memref<128xi32, #tpu.memory_space<vmem>>) semaphore(%arg13 : memref<!tpu.dma_semaphore, #tpu.memory_space<semaphore_mem>>)
    %dma_start3A_72 = arith.constant 3 : i32
    %dma_start3A_73 = arith.constant 384 : i32
    %dma_start3A_74 = arith.constant 0 : i32
    %dma_start3A_75 = tpu.memref_slice %arg11[%dma_start3A_73, %dma_start3A_74] : memref<2560x32xf32, #tpu.memory_space<vmem>> -> memref<128x32xf32, #tpu.memory_space<vmem>>
    %dma_start3A_76 = arith.constant 0 : i32
    %dma_start3A_77 = tpu.memref_slice %arg8[%dma_start3A_72, %dma_start3A_76] : memref<20x128xi32, #tpu.memory_space<vmem>> -> memref<1x128xi32, #tpu.memory_space<vmem>>
    %dma_start3A_78 = tpu.memref_squeeze %dma_start3A_77 : memref<1x128xi32, #tpu.memory_space<vmem>> -> memref<128xi32, #tpu.memory_space<vmem>>
    %dma_start3A_79 = arith.constant 0 : i32
    %dma_start3A_80 = arith.constant 0 : i32
    %dma_start3A_81 = tpu.memref_slice %arg5[%dma_start3A_79, %dma_start3A_80] : memref<2000000x32xf32, #tpu.memory_space<hbm>> -> memref<2000000x32xf32, #tpu.memory_space<hbm>>
    tpu.enqueue_indirect_dma source(%dma_start3A_81 : memref<2000000x32xf32, #tpu.memory_space<hbm>>) target(%dma_start3A_75 : memref<128x32xf32, #tpu.memory_space<vmem>>) offsets(%dma_start3A_78 : memref<128xi32, #tpu.memory_space<vmem>>) semaphore(%arg13 : memref<!tpu.dma_semaphore, #tpu.memory_space<semaphore_mem>>)
    %dma_start3A_82 = arith.constant 4 : i32
    %dma_start3A_83 = arith.constant 512 : i32
    %dma_start3A_84 = arith.constant 0 : i32
    %dma_start3A_85 = tpu.memref_slice %arg11[%dma_start3A_83, %dma_start3A_84] : memref<2560x32xf32, #tpu.memory_space<vmem>> -> memref<128x32xf32, #tpu.memory_space<vmem>>
    %dma_start3A_86 = arith.constant 0 : i32
    %dma_start3A_87 = tpu.memref_slice %arg8[%dma_start3A_82, %dma_start3A_86] : memref<20x128xi32, #tpu.memory_space<vmem>> -> memref<1x128xi32, #tpu.memory_space<vmem>>
    %dma_start3A_88 = tpu.memref_squeeze %dma_start3A_87 : memref<1x128xi32, #tpu.memory_space<vmem>> -> memref<128xi32, #tpu.memory_space<vmem>>
    %dma_start3A_89 = arith.constant 0 : i32
    %dma_start3A_90 = arith.constant 0 : i32
    %dma_start3A_91 = tpu.memref_slice %arg5[%dma_start3A_89, %dma_start3A_90] : memref<2000000x32xf32, #tpu.memory_space<hbm>> -> memref<2000000x32xf32, #tpu.memory_space<hbm>>
    tpu.enqueue_indirect_dma source(%dma_start3A_91 : memref<2000000x32xf32, #tpu.memory_space<hbm>>) target(%dma_start3A_85 : memref<128x32xf32, #tpu.memory_space<vmem>>) offsets(%dma_start3A_88 : memref<128xi32, #tpu.memory_space<vmem>>) semaphore(%arg13 : memref<!tpu.dma_semaphore, #tpu.memory_space<semaphore_mem>>)
    %dma_start3A_92 = arith.constant 5 : i32
    %dma_start3A_93 = arith.constant 640 : i32
    %dma_start3A_94 = arith.constant 0 : i32
    %dma_start3A_95 = tpu.memref_slice %arg11[%dma_start3A_93, %dma_start3A_94] : memref<2560x32xf32, #tpu.memory_space<vmem>> -> memref<128x32xf32, #tpu.memory_space<vmem>>
    %dma_start3A_96 = arith.constant 0 : i32
    %dma_start3A_97 = tpu.memref_slice %arg8[%dma_start3A_92, %dma_start3A_96] : memref<20x128xi32, #tpu.memory_space<vmem>> -> memref<1x128xi32, #tpu.memory_space<vmem>>
    %dma_start3A_98 = tpu.memref_squeeze %dma_start3A_97 : memref<1x128xi32, #tpu.memory_space<vmem>> -> memref<128xi32, #tpu.memory_space<vmem>>
    %dma_start3A_99 = arith.constant 0 : i32
    %dma_start3A_100 = arith.constant 0 : i32
    %dma_start3A_101 = tpu.memref_slice %arg5[%dma_start3A_99, %dma_start3A_100] : memref<2000000x32xf32, #tpu.memory_space<hbm>> -> memref<2000000x32xf32, #tpu.memory_space<hbm>>
    tpu.enqueue_indirect_dma source(%dma_start3A_101 : memref<2000000x32xf32, #tpu.memory_space<hbm>>) target(%dma_start3A_95 : memref<128x32xf32, #tpu.memory_space<vmem>>) offsets(%dma_start3A_98 : memref<128xi32, #tpu.memory_space<vmem>>) semaphore(%arg13 : memref<!tpu.dma_semaphore, #tpu.memory_space<semaphore_mem>>)
    %dma_start3A_102 = arith.constant 6 : i32
    %dma_start3A_103 = arith.constant 768 : i32
    %dma_start3A_104 = arith.constant 0 : i32
    %dma_start3A_105 = tpu.memref_slice %arg11[%dma_start3A_103, %dma_start3A_104] : memref<2560x32xf32, #tpu.memory_space<vmem>> -> memref<128x32xf32, #tpu.memory_space<vmem>>
    %dma_start3A_106 = arith.constant 0 : i32
    %dma_start3A_107 = tpu.memref_slice %arg8[%dma_start3A_102, %dma_start3A_106] : memref<20x128xi32, #tpu.memory_space<vmem>> -> memref<1x128xi32, #tpu.memory_space<vmem>>
    %dma_start3A_108 = tpu.memref_squeeze %dma_start3A_107 : memref<1x128xi32, #tpu.memory_space<vmem>> -> memref<128xi32, #tpu.memory_space<vmem>>
    %dma_start3A_109 = arith.constant 0 : i32
    %dma_start3A_110 = arith.constant 0 : i32
    %dma_start3A_111 = tpu.memref_slice %arg5[%dma_start3A_109, %dma_start3A_110] : memref<2000000x32xf32, #tpu.memory_space<hbm>> -> memref<2000000x32xf32, #tpu.memory_space<hbm>>
    tpu.enqueue_indirect_dma source(%dma_start3A_111 : memref<2000000x32xf32, #tpu.memory_space<hbm>>) target(%dma_start3A_105 : memref<128x32xf32, #tpu.memory_space<vmem>>) offsets(%dma_start3A_108 : memref<128xi32, #tpu.memory_space<vmem>>) semaphore(%arg13 : memref<!tpu.dma_semaphore, #tpu.memory_space<semaphore_mem>>)
    %dma_start3A_112 = arith.constant 7 : i32
    %dma_start3A_113 = arith.constant 896 : i32
    %dma_start3A_114 = arith.constant 0 : i32
    %dma_start3A_115 = tpu.memref_slice %arg11[%dma_start3A_113, %dma_start3A_114] : memref<2560x32xf32, #tpu.memory_space<vmem>> -> memref<128x32xf32, #tpu.memory_space<vmem>>
    %dma_start3A_116 = arith.constant 0 : i32
    %dma_start3A_117 = tpu.memref_slice %arg8[%dma_start3A_112, %dma_start3A_116] : memref<20x128xi32, #tpu.memory_space<vmem>> -> memref<1x128xi32, #tpu.memory_space<vmem>>
    %dma_start3A_118 = tpu.memref_squeeze %dma_start3A_117 : memref<1x128xi32, #tpu.memory_space<vmem>> -> memref<128xi32, #tpu.memory_space<vmem>>
    %dma_start3A_119 = arith.constant 0 : i32
    %dma_start3A_120 = arith.constant 0 : i32
    %dma_start3A_121 = tpu.memref_slice %arg5[%dma_start3A_119, %dma_start3A_120] : memref<2000000x32xf32, #tpu.memory_space<hbm>> -> memref<2000000x32xf32, #tpu.memory_space<hbm>>
    tpu.enqueue_indirect_dma source(%dma_start3A_121 : memref<2000000x32xf32, #tpu.memory_space<hbm>>) target(%dma_start3A_115 : memref<128x32xf32, #tpu.memory_space<vmem>>) offsets(%dma_start3A_118 : memref<128xi32, #tpu.memory_space<vmem>>) semaphore(%arg13 : memref<!tpu.dma_semaphore, #tpu.memory_space<semaphore_mem>>)
    %dma_start3A_122 = arith.constant 8 : i32
    %dma_start3A_123 = arith.constant 1024 : i32
    %dma_start3A_124 = arith.constant 0 : i32
    %dma_start3A_125 = tpu.memref_slice %arg11[%dma_start3A_123, %dma_start3A_124] : memref<2560x32xf32, #tpu.memory_space<vmem>> -> memref<128x32xf32, #tpu.memory_space<vmem>>
    %dma_start3A_126 = arith.constant 0 : i32
    %dma_start3A_127 = tpu.memref_slice %arg8[%dma_start3A_122, %dma_start3A_126] : memref<20x128xi32, #tpu.memory_space<vmem>> -> memref<1x128xi32, #tpu.memory_space<vmem>>
    %dma_start3A_128 = tpu.memref_squeeze %dma_start3A_127 : memref<1x128xi32, #tpu.memory_space<vmem>> -> memref<128xi32, #tpu.memory_space<vmem>>
    %dma_start3A_129 = arith.constant 0 : i32
    %dma_start3A_130 = arith.constant 0 : i32
    %dma_start3A_131 = tpu.memref_slice %arg5[%dma_start3A_129, %dma_start3A_130] : memref<2000000x32xf32, #tpu.memory_space<hbm>> -> memref<2000000x32xf32, #tpu.memory_space<hbm>>
    tpu.enqueue_indirect_dma source(%dma_start3A_131 : memref<2000000x32xf32, #tpu.memory_space<hbm>>) target(%dma_start3A_125 : memref<128x32xf32, #tpu.memory_space<vmem>>) offsets(%dma_start3A_128 : memref<128xi32, #tpu.memory_space<vmem>>) semaphore(%arg13 : memref<!tpu.dma_semaphore, #tpu.memory_space<semaphore_mem>>)
    %dma_start3A_132 = arith.constant 9 : i32
    %dma_start3A_133 = arith.constant 1152 : i32
    %dma_start3A_134 = arith.constant 0 : i32
    %dma_start3A_135 = tpu.memref_slice %arg11[%dma_start3A_133, %dma_start3A_134] : memref<2560x32xf32, #tpu.memory_space<vmem>> -> memref<128x32xf32, #tpu.memory_space<vmem>>
    %dma_start3A_136 = arith.constant 0 : i32
    %dma_start3A_137 = tpu.memref_slice %arg8[%dma_start3A_132, %dma_start3A_136] : memref<20x128xi32, #tpu.memory_space<vmem>> -> memref<1x128xi32, #tpu.memory_space<vmem>>
    %dma_start3A_138 = tpu.memref_squeeze %dma_start3A_137 : memref<1x128xi32, #tpu.memory_space<vmem>> -> memref<128xi32, #tpu.memory_space<vmem>>
    %dma_start3A_139 = arith.constant 0 : i32
    %dma_start3A_140 = arith.constant 0 : i32
    %dma_start3A_141 = tpu.memref_slice %arg5[%dma_start3A_139, %dma_start3A_140] : memref<2000000x32xf32, #tpu.memory_space<hbm>> -> memref<2000000x32xf32, #tpu.memory_space<hbm>>
    tpu.enqueue_indirect_dma source(%dma_start3A_141 : memref<2000000x32xf32, #tpu.memory_space<hbm>>) target(%dma_start3A_135 : memref<128x32xf32, #tpu.memory_space<vmem>>) offsets(%dma_start3A_138 : memref<128xi32, #tpu.memory_space<vmem>>) semaphore(%arg13 : memref<!tpu.dma_semaphore, #tpu.memory_space<semaphore_mem>>)
    %dma_start3A_142 = arith.constant 10 : i32
    %dma_start3A_143 = arith.constant 1280 : i32
    %dma_start3A_144 = arith.constant 0 : i32
    %dma_start3A_145 = tpu.memref_slice %arg11[%dma_start3A_143, %dma_start3A_144] : memref<2560x32xf32, #tpu.memory_space<vmem>> -> memref<128x32xf32, #tpu.memory_space<vmem>>
    %dma_start3A_146 = arith.constant 0 : i32
    %dma_start3A_147 = tpu.memref_slice %arg8[%dma_start3A_142, %dma_start3A_146] : memref<20x128xi32, #tpu.memory_space<vmem>> -> memref<1x128xi32, #tpu.memory_space<vmem>>
    %dma_start3A_148 = tpu.memref_squeeze %dma_start3A_147 : memref<1x128xi32, #tpu.memory_space<vmem>> -> memref<128xi32, #tpu.memory_space<vmem>>
    %dma_start3A_149 = arith.constant 0 : i32
    %dma_start3A_150 = arith.constant 0 : i32
    %dma_start3A_151 = tpu.memref_slice %arg5[%dma_start3A_149, %dma_start3A_150] : memref<2000000x32xf32, #tpu.memory_space<hbm>> -> memref<2000000x32xf32, #tpu.memory_space<hbm>>
    tpu.enqueue_indirect_dma source(%dma_start3A_151 : memref<2000000x32xf32, #tpu.memory_space<hbm>>) target(%dma_start3A_145 : memref<128x32xf32, #tpu.memory_space<vmem>>) offsets(%dma_start3A_148 : memref<128xi32, #tpu.memory_space<vmem>>) semaphore(%arg13 : memref<!tpu.dma_semaphore, #tpu.memory_space<semaphore_mem>>)
    %dma_start3A_152 = arith.constant 11 : i32
    %dma_start3A_153 = arith.constant 1408 : i32
    %dma_start3A_154 = arith.constant 0 : i32
    %dma_start3A_155 = tpu.memref_slice %arg11[%dma_start3A_153, %dma_start3A_154] : memref<2560x32xf32, #tpu.memory_space<vmem>> -> memref<128x32xf32, #tpu.memory_space<vmem>>
    %dma_start3A_156 = arith.constant 0 : i32
    %dma_start3A_157 = tpu.memref_slice %arg8[%dma_start3A_152, %dma_start3A_156] : memref<20x128xi32, #tpu.memory_space<vmem>> -> memref<1x128xi32, #tpu.memory_space<vmem>>
    %dma_start3A_158 = tpu.memref_squeeze %dma_start3A_157 : memref<1x128xi32, #tpu.memory_space<vmem>> -> memref<128xi32, #tpu.memory_space<vmem>>
    %dma_start3A_159 = arith.constant 0 : i32
    %dma_start3A_160 = arith.constant 0 : i32
    %dma_start3A_161 = tpu.memref_slice %arg5[%dma_start3A_159, %dma_start3A_160] : memref<2000000x32xf32, #tpu.memory_space<hbm>> -> memref<2000000x32xf32, #tpu.memory_space<hbm>>
    tpu.enqueue_indirect_dma source(%dma_start3A_161 : memref<2000000x32xf32, #tpu.memory_space<hbm>>) target(%dma_start3A_155 : memref<128x32xf32, #tpu.memory_space<vmem>>) offsets(%dma_start3A_158 : memref<128xi32, #tpu.memory_space<vmem>>) semaphore(%arg13 : memref<!tpu.dma_semaphore, #tpu.memory_space<semaphore_mem>>)
    %dma_start3A_162 = arith.constant 12 : i32
    %dma_start3A_163 = arith.constant 1536 : i32
    %dma_start3A_164 = arith.constant 0 : i32
    %dma_start3A_165 = tpu.memref_slice %arg11[%dma_start3A_163, %dma_start3A_164] : memref<2560x32xf32, #tpu.memory_space<vmem>> -> memref<128x32xf32, #tpu.memory_space<vmem>>
    %dma_start3A_166 = arith.constant 0 : i32
    %dma_start3A_167 = tpu.memref_slice %arg8[%dma_start3A_162, %dma_start3A_166] : memref<20x128xi32, #tpu.memory_space<vmem>> -> memref<1x128xi32, #tpu.memory_space<vmem>>
    %dma_start3A_168 = tpu.memref_squeeze %dma_start3A_167 : memref<1x128xi32, #tpu.memory_space<vmem>> -> memref<128xi32, #tpu.memory_space<vmem>>
    %dma_start3A_169 = arith.constant 0 : i32
    %dma_start3A_170 = arith.constant 0 : i32
    %dma_start3A_171 = tpu.memref_slice %arg5[%dma_start3A_169, %dma_start3A_170] : memref<2000000x32xf32, #tpu.memory_space<hbm>> -> memref<2000000x32xf32, #tpu.memory_space<hbm>>
    tpu.enqueue_indirect_dma source(%dma_start3A_171 : memref<2000000x32xf32, #tpu.memory_space<hbm>>) target(%dma_start3A_165 : memref<128x32xf32, #tpu.memory_space<vmem>>) offsets(%dma_start3A_168 : memref<128xi32, #tpu.memory_space<vmem>>) semaphore(%arg13 : memref<!tpu.dma_semaphore, #tpu.memory_space<semaphore_mem>>)
    %dma_start3A_172 = arith.constant 13 : i32
    %dma_start3A_173 = arith.constant 1664 : i32
    %dma_start3A_174 = arith.constant 0 : i32
    %dma_start3A_175 = tpu.memref_slice %arg11[%dma_start3A_173, %dma_start3A_174] : memref<2560x32xf32, #tpu.memory_space<vmem>> -> memref<128x32xf32, #tpu.memory_space<vmem>>
    %dma_start3A_176 = arith.constant 0 : i32
    %dma_start3A_177 = tpu.memref_slice %arg8[%dma_start3A_172, %dma_start3A_176] : memref<20x128xi32, #tpu.memory_space<vmem>> -> memref<1x128xi32, #tpu.memory_space<vmem>>
    %dma_start3A_178 = tpu.memref_squeeze %dma_start3A_177 : memref<1x128xi32, #tpu.memory_space<vmem>> -> memref<128xi32, #tpu.memory_space<vmem>>
    %dma_start3A_179 = arith.constant 0 : i32
    %dma_start3A_180 = arith.constant 0 : i32
    %dma_start3A_181 = tpu.memref_slice %arg5[%dma_start3A_179, %dma_start3A_180] : memref<2000000x32xf32, #tpu.memory_space<hbm>> -> memref<2000000x32xf32, #tpu.memory_space<hbm>>
    tpu.enqueue_indirect_dma source(%dma_start3A_181 : memref<2000000x32xf32, #tpu.memory_space<hbm>>) target(%dma_start3A_175 : memref<128x32xf32, #tpu.memory_space<vmem>>) offsets(%dma_start3A_178 : memref<128xi32, #tpu.memory_space<vmem>>) semaphore(%arg13 : memref<!tpu.dma_semaphore, #tpu.memory_space<semaphore_mem>>)
    %dma_start3A_182 = arith.constant 14 : i32
    %dma_start3A_183 = arith.constant 1792 : i32
    %dma_start3A_184 = arith.constant 0 : i32
    %dma_start3A_185 = tpu.memref_slice %arg11[%dma_start3A_183, %dma_start3A_184] : memref<2560x32xf32, #tpu.memory_space<vmem>> -> memref<128x32xf32, #tpu.memory_space<vmem>>
    %dma_start3A_186 = arith.constant 0 : i32
    %dma_start3A_187 = tpu.memref_slice %arg8[%dma_start3A_182, %dma_start3A_186] : memref<20x128xi32, #tpu.memory_space<vmem>> -> memref<1x128xi32, #tpu.memory_space<vmem>>
    %dma_start3A_188 = tpu.memref_squeeze %dma_start3A_187 : memref<1x128xi32, #tpu.memory_space<vmem>> -> memref<128xi32, #tpu.memory_space<vmem>>
    %dma_start3A_189 = arith.constant 0 : i32
    %dma_start3A_190 = arith.constant 0 : i32
    %dma_start3A_191 = tpu.memref_slice %arg5[%dma_start3A_189, %dma_start3A_190] : memref<2000000x32xf32, #tpu.memory_space<hbm>> -> memref<2000000x32xf32, #tpu.memory_space<hbm>>
    tpu.enqueue_indirect_dma source(%dma_start3A_191 : memref<2000000x32xf32, #tpu.memory_space<hbm>>) target(%dma_start3A_185 : memref<128x32xf32, #tpu.memory_space<vmem>>) offsets(%dma_start3A_188 : memref<128xi32, #tpu.memory_space<vmem>>) semaphore(%arg13 : memref<!tpu.dma_semaphore, #tpu.memory_space<semaphore_mem>>)
    %dma_start3A_192 = arith.constant 15 : i32
    %dma_start3A_193 = arith.constant 1920 : i32
    %dma_start3A_194 = arith.constant 0 : i32
    %dma_start3A_195 = tpu.memref_slice %arg11[%dma_start3A_193, %dma_start3A_194] : memref<2560x32xf32, #tpu.memory_space<vmem>> -> memref<128x32xf32, #tpu.memory_space<vmem>>
    %dma_start3A_196 = arith.constant 0 : i32
    %dma_start3A_197 = tpu.memref_slice %arg8[%dma_start3A_192, %dma_start3A_196] : memref<20x128xi32, #tpu.memory_space<vmem>> -> memref<1x128xi32, #tpu.memory_space<vmem>>
    %dma_start3A_198 = tpu.memref_squeeze %dma_start3A_197 : memref<1x128xi32, #tpu.memory_space<vmem>> -> memref<128xi32, #tpu.memory_space<vmem>>
    %dma_start3A_199 = arith.constant 0 : i32
    %dma_start3A_200 = arith.constant 0 : i32
    %dma_start3A_201 = tpu.memref_slice %arg5[%dma_start3A_199, %dma_start3A_200] : memref<2000000x32xf32, #tpu.memory_space<hbm>> -> memref<2000000x32xf32, #tpu.memory_space<hbm>>
    tpu.enqueue_indirect_dma source(%dma_start3A_201 : memref<2000000x32xf32, #tpu.memory_space<hbm>>) target(%dma_start3A_195 : memref<128x32xf32, #tpu.memory_space<vmem>>) offsets(%dma_start3A_198 : memref<128xi32, #tpu.memory_space<vmem>>) semaphore(%arg13 : memref<!tpu.dma_semaphore, #tpu.memory_space<semaphore_mem>>)
    %dma_start3A_202 = arith.constant 16 : i32
    %dma_start3A_203 = arith.constant 2048 : i32
    %dma_start3A_204 = arith.constant 0 : i32
    %dma_start3A_205 = tpu.memref_slice %arg11[%dma_start3A_203, %dma_start3A_204] : memref<2560x32xf32, #tpu.memory_space<vmem>> -> memref<128x32xf32, #tpu.memory_space<vmem>>
    %dma_start3A_206 = arith.constant 0 : i32
    %dma_start3A_207 = tpu.memref_slice %arg8[%dma_start3A_202, %dma_start3A_206] : memref<20x128xi32, #tpu.memory_space<vmem>> -> memref<1x128xi32, #tpu.memory_space<vmem>>
    %dma_start3A_208 = tpu.memref_squeeze %dma_start3A_207 : memref<1x128xi32, #tpu.memory_space<vmem>> -> memref<128xi32, #tpu.memory_space<vmem>>
    %dma_start3A_209 = arith.constant 0 : i32
    %dma_start3A_210 = arith.constant 0 : i32
    %dma_start3A_211 = tpu.memref_slice %arg5[%dma_start3A_209, %dma_start3A_210] : memref<2000000x32xf32, #tpu.memory_space<hbm>> -> memref<2000000x32xf32, #tpu.memory_space<hbm>>
    tpu.enqueue_indirect_dma source(%dma_start3A_211 : memref<2000000x32xf32, #tpu.memory_space<hbm>>) target(%dma_start3A_205 : memref<128x32xf32, #tpu.memory_space<vmem>>) offsets(%dma_start3A_208 : memref<128xi32, #tpu.memory_space<vmem>>) semaphore(%arg13 : memref<!tpu.dma_semaphore, #tpu.memory_space<semaphore_mem>>)
    %dma_start3A_212 = arith.constant 17 : i32
    %dma_start3A_213 = arith.constant 2176 : i32
    %dma_start3A_214 = arith.constant 0 : i32
    %dma_start3A_215 = tpu.memref_slice %arg11[%dma_start3A_213, %dma_start3A_214] : memref<2560x32xf32, #tpu.memory_space<vmem>> -> memref<128x32xf32, #tpu.memory_space<vmem>>
    %dma_start3A_216 = arith.constant 0 : i32
    %dma_start3A_217 = tpu.memref_slice %arg8[%dma_start3A_212, %dma_start3A_216] : memref<20x128xi32, #tpu.memory_space<vmem>> -> memref<1x128xi32, #tpu.memory_space<vmem>>
    %dma_start3A_218 = tpu.memref_squeeze %dma_start3A_217 : memref<1x128xi32, #tpu.memory_space<vmem>> -> memref<128xi32, #tpu.memory_space<vmem>>
    %dma_start3A_219 = arith.constant 0 : i32
    %dma_start3A_220 = arith.constant 0 : i32
    %dma_start3A_221 = tpu.memref_slice %arg5[%dma_start3A_219, %dma_start3A_220] : memref<2000000x32xf32, #tpu.memory_space<hbm>> -> memref<2000000x32xf32, #tpu.memory_space<hbm>>
    tpu.enqueue_indirect_dma source(%dma_start3A_221 : memref<2000000x32xf32, #tpu.memory_space<hbm>>) target(%dma_start3A_215 : memref<128x32xf32, #tpu.memory_space<vmem>>) offsets(%dma_start3A_218 : memref<128xi32, #tpu.memory_space<vmem>>) semaphore(%arg13 : memref<!tpu.dma_semaphore, #tpu.memory_space<semaphore_mem>>)
    %dma_start3A_222 = arith.constant 18 : i32
    %dma_start3A_223 = arith.constant 2304 : i32
    %dma_start3A_224 = arith.constant 0 : i32
    %dma_start3A_225 = tpu.memref_slice %arg11[%dma_start3A_223, %dma_start3A_224] : memref<2560x32xf32, #tpu.memory_space<vmem>> -> memref<128x32xf32, #tpu.memory_space<vmem>>
    %dma_start3A_226 = arith.constant 0 : i32
    %dma_start3A_227 = tpu.memref_slice %arg8[%dma_start3A_222, %dma_start3A_226] : memref<20x128xi32, #tpu.memory_space<vmem>> -> memref<1x128xi32, #tpu.memory_space<vmem>>
    %dma_start3A_228 = tpu.memref_squeeze %dma_start3A_227 : memref<1x128xi32, #tpu.memory_space<vmem>> -> memref<128xi32, #tpu.memory_space<vmem>>
    %dma_start3A_229 = arith.constant 0 : i32
    %dma_start3A_230 = arith.constant 0 : i32
    %dma_start3A_231 = tpu.memref_slice %arg5[%dma_start3A_229, %dma_start3A_230] : memref<2000000x32xf32, #tpu.memory_space<hbm>> -> memref<2000000x32xf32, #tpu.memory_space<hbm>>
    tpu.enqueue_indirect_dma source(%dma_start3A_231 : memref<2000000x32xf32, #tpu.memory_space<hbm>>) target(%dma_start3A_225 : memref<128x32xf32, #tpu.memory_space<vmem>>) offsets(%dma_start3A_228 : memref<128xi32, #tpu.memory_space<vmem>>) semaphore(%arg13 : memref<!tpu.dma_semaphore, #tpu.memory_space<semaphore_mem>>)
    %dma_start3A_232 = arith.constant 19 : i32
    %dma_start3A_233 = arith.constant 2432 : i32
    %dma_start3A_234 = arith.constant 0 : i32
    %dma_start3A_235 = tpu.memref_slice %arg11[%dma_start3A_233, %dma_start3A_234] : memref<2560x32xf32, #tpu.memory_space<vmem>> -> memref<128x32xf32, #tpu.memory_space<vmem>>
    %dma_start3A_236 = arith.constant 0 : i32
    %dma_start3A_237 = tpu.memref_slice %arg8[%dma_start3A_232, %dma_start3A_236] : memref<20x128xi32, #tpu.memory_space<vmem>> -> memref<1x128xi32, #tpu.memory_space<vmem>>
    %dma_start3A_238 = tpu.memref_squeeze %dma_start3A_237 : memref<1x128xi32, #tpu.memory_space<vmem>> -> memref<128xi32, #tpu.memory_space<vmem>>
    %dma_start3A_239 = arith.constant 0 : i32
    %dma_start3A_240 = arith.constant 0 : i32
    %dma_start3A_241 = tpu.memref_slice %arg5[%dma_start3A_239, %dma_start3A_240] : memref<2000000x32xf32, #tpu.memory_space<hbm>> -> memref<2000000x32xf32, #tpu.memory_space<hbm>>
    tpu.enqueue_indirect_dma source(%dma_start3A_241 : memref<2000000x32xf32, #tpu.memory_space<hbm>>) target(%dma_start3A_235 : memref<128x32xf32, #tpu.memory_space<vmem>>) offsets(%dma_start3A_238 : memref<128xi32, #tpu.memory_space<vmem>>) semaphore(%arg13 : memref<!tpu.dma_semaphore, #tpu.memory_space<semaphore_mem>>)
    %dma_wait3A = arith.constant 0 : i32
    %dma_wait3A_242 = arith.constant 0 : i32
    %dma_wait3A_243 = arith.constant 0 : i32
    %dma_wait3A_244 = tpu.memref_slice %arg10[%dma_wait3A_242, %dma_wait3A_243] : memref<512x32xf32, #tpu.memory_space<vmem>> -> memref<128x32xf32, #tpu.memory_space<vmem>>
    %dma_wait3A_245 = arith.constant 0 : i32
    %dma_wait3A_246 = tpu.memref_slice %arg7[%dma_wait3A, %dma_wait3A_245] : memref<4x128xi32, #tpu.memory_space<vmem>> -> memref<1x128xi32, #tpu.memory_space<vmem>>
    %dma_wait3A_247 = tpu.memref_squeeze %dma_wait3A_246 : memref<1x128xi32, #tpu.memory_space<vmem>> -> memref<128xi32, #tpu.memory_space<vmem>>
    %dma_wait3A_248 = arith.constant 0 : i32
    %dma_wait3A_249 = arith.constant 0 : i32
    %dma_wait3A_250 = tpu.memref_slice %arg5[%dma_wait3A_248, %dma_wait3A_249] : memref<2000000x32xf32, #tpu.memory_space<hbm>> -> memref<2000000x32xf32, #tpu.memory_space<hbm>>
    tpu.wait_indirect_dma semaphore(%arg13 : memref<!tpu.dma_semaphore, #tpu.memory_space<semaphore_mem>>) src(%dma_wait3A_250 : memref<2000000x32xf32, #tpu.memory_space<hbm>>) dst(%dma_wait3A_244 : memref<128x32xf32, #tpu.memory_space<vmem>>)
    %dma_wait3A_251 = arith.constant 1 : i32
    %dma_wait3A_252 = arith.constant 128 : i32
    %dma_wait3A_253 = arith.constant 0 : i32
    %dma_wait3A_254 = tpu.memref_slice %arg10[%dma_wait3A_252, %dma_wait3A_253] : memref<512x32xf32, #tpu.memory_space<vmem>> -> memref<128x32xf32, #tpu.memory_space<vmem>>
    %dma_wait3A_255 = arith.constant 0 : i32
    %dma_wait3A_256 = tpu.memref_slice %arg7[%dma_wait3A_251, %dma_wait3A_255] : memref<4x128xi32, #tpu.memory_space<vmem>> -> memref<1x128xi32, #tpu.memory_space<vmem>>
    %dma_wait3A_257 = tpu.memref_squeeze %dma_wait3A_256 : memref<1x128xi32, #tpu.memory_space<vmem>> -> memref<128xi32, #tpu.memory_space<vmem>>
    %dma_wait3A_258 = arith.constant 0 : i32
    %dma_wait3A_259 = arith.constant 0 : i32
    %dma_wait3A_260 = tpu.memref_slice %arg5[%dma_wait3A_258, %dma_wait3A_259] : memref<2000000x32xf32, #tpu.memory_space<hbm>> -> memref<2000000x32xf32, #tpu.memory_space<hbm>>
    tpu.wait_indirect_dma semaphore(%arg13 : memref<!tpu.dma_semaphore, #tpu.memory_space<semaphore_mem>>) src(%dma_wait3A_260 : memref<2000000x32xf32, #tpu.memory_space<hbm>>) dst(%dma_wait3A_254 : memref<128x32xf32, #tpu.memory_space<vmem>>)
    %dma_wait3A_261 = arith.constant 2 : i32
    %dma_wait3A_262 = arith.constant 256 : i32
    %dma_wait3A_263 = arith.constant 0 : i32
    %dma_wait3A_264 = tpu.memref_slice %arg10[%dma_wait3A_262, %dma_wait3A_263] : memref<512x32xf32, #tpu.memory_space<vmem>> -> memref<128x32xf32, #tpu.memory_space<vmem>>
    %dma_wait3A_265 = arith.constant 0 : i32
    %dma_wait3A_266 = tpu.memref_slice %arg7[%dma_wait3A_261, %dma_wait3A_265] : memref<4x128xi32, #tpu.memory_space<vmem>> -> memref<1x128xi32, #tpu.memory_space<vmem>>
    %dma_wait3A_267 = tpu.memref_squeeze %dma_wait3A_266 : memref<1x128xi32, #tpu.memory_space<vmem>> -> memref<128xi32, #tpu.memory_space<vmem>>
    %dma_wait3A_268 = arith.constant 0 : i32
    %dma_wait3A_269 = arith.constant 0 : i32
    %dma_wait3A_270 = tpu.memref_slice %arg5[%dma_wait3A_268, %dma_wait3A_269] : memref<2000000x32xf32, #tpu.memory_space<hbm>> -> memref<2000000x32xf32, #tpu.memory_space<hbm>>
    tpu.wait_indirect_dma semaphore(%arg13 : memref<!tpu.dma_semaphore, #tpu.memory_space<semaphore_mem>>) src(%dma_wait3A_270 : memref<2000000x32xf32, #tpu.memory_space<hbm>>) dst(%dma_wait3A_264 : memref<128x32xf32, #tpu.memory_space<vmem>>)
    %dma_wait3A_271 = arith.constant 3 : i32
    %dma_wait3A_272 = arith.constant 384 : i32
    %dma_wait3A_273 = arith.constant 0 : i32
    %dma_wait3A_274 = tpu.memref_slice %arg10[%dma_wait3A_272, %dma_wait3A_273] : memref<512x32xf32, #tpu.memory_space<vmem>> -> memref<128x32xf32, #tpu.memory_space<vmem>>
    %dma_wait3A_275 = arith.constant 0 : i32
    %dma_wait3A_276 = tpu.memref_slice %arg7[%dma_wait3A_271, %dma_wait3A_275] : memref<4x128xi32, #tpu.memory_space<vmem>> -> memref<1x128xi32, #tpu.memory_space<vmem>>
    %dma_wait3A_277 = tpu.memref_squeeze %dma_wait3A_276 : memref<1x128xi32, #tpu.memory_space<vmem>> -> memref<128xi32, #tpu.memory_space<vmem>>
    %dma_wait3A_278 = arith.constant 0 : i32
    %dma_wait3A_279 = arith.constant 0 : i32
    %dma_wait3A_280 = tpu.memref_slice %arg5[%dma_wait3A_278, %dma_wait3A_279] : memref<2000000x32xf32, #tpu.memory_space<hbm>> -> memref<2000000x32xf32, #tpu.memory_space<hbm>>
    tpu.wait_indirect_dma semaphore(%arg13 : memref<!tpu.dma_semaphore, #tpu.memory_space<semaphore_mem>>) src(%dma_wait3A_280 : memref<2000000x32xf32, #tpu.memory_space<hbm>>) dst(%dma_wait3A_274 : memref<128x32xf32, #tpu.memory_space<vmem>>)
    %dma_wait3A_281 = arith.constant 0 : i32
    %dma_wait3A_282 = arith.constant 0 : i32
    %dma_wait3A_283 = arith.constant 0 : i32
    %dma_wait3A_284 = tpu.memref_slice %arg11[%dma_wait3A_282, %dma_wait3A_283] : memref<2560x32xf32, #tpu.memory_space<vmem>> -> memref<128x32xf32, #tpu.memory_space<vmem>>
    %dma_wait3A_285 = arith.constant 0 : i32
    %dma_wait3A_286 = tpu.memref_slice %arg8[%dma_wait3A_281, %dma_wait3A_285] : memref<20x128xi32, #tpu.memory_space<vmem>> -> memref<1x128xi32, #tpu.memory_space<vmem>>
    %dma_wait3A_287 = tpu.memref_squeeze %dma_wait3A_286 : memref<1x128xi32, #tpu.memory_space<vmem>> -> memref<128xi32, #tpu.memory_space<vmem>>
    %dma_wait3A_288 = arith.constant 0 : i32
    %dma_wait3A_289 = arith.constant 0 : i32
    %dma_wait3A_290 = tpu.memref_slice %arg5[%dma_wait3A_288, %dma_wait3A_289] : memref<2000000x32xf32, #tpu.memory_space<hbm>> -> memref<2000000x32xf32, #tpu.memory_space<hbm>>
    tpu.wait_indirect_dma semaphore(%arg13 : memref<!tpu.dma_semaphore, #tpu.memory_space<semaphore_mem>>) src(%dma_wait3A_290 : memref<2000000x32xf32, #tpu.memory_space<hbm>>) dst(%dma_wait3A_284 : memref<128x32xf32, #tpu.memory_space<vmem>>)
    %dma_wait3A_291 = arith.constant 1 : i32
    %dma_wait3A_292 = arith.constant 128 : i32
    %dma_wait3A_293 = arith.constant 0 : i32
    %dma_wait3A_294 = tpu.memref_slice %arg11[%dma_wait3A_292, %dma_wait3A_293] : memref<2560x32xf32, #tpu.memory_space<vmem>> -> memref<128x32xf32, #tpu.memory_space<vmem>>
    %dma_wait3A_295 = arith.constant 0 : i32
    %dma_wait3A_296 = tpu.memref_slice %arg8[%dma_wait3A_291, %dma_wait3A_295] : memref<20x128xi32, #tpu.memory_space<vmem>> -> memref<1x128xi32, #tpu.memory_space<vmem>>
    %dma_wait3A_297 = tpu.memref_squeeze %dma_wait3A_296 : memref<1x128xi32, #tpu.memory_space<vmem>> -> memref<128xi32, #tpu.memory_space<vmem>>
    %dma_wait3A_298 = arith.constant 0 : i32
    %dma_wait3A_299 = arith.constant 0 : i32
    %dma_wait3A_300 = tpu.memref_slice %arg5[%dma_wait3A_298, %dma_wait3A_299] : memref<2000000x32xf32, #tpu.memory_space<hbm>> -> memref<2000000x32xf32, #tpu.memory_space<hbm>>
    tpu.wait_indirect_dma semaphore(%arg13 : memref<!tpu.dma_semaphore, #tpu.memory_space<semaphore_mem>>) src(%dma_wait3A_300 : memref<2000000x32xf32, #tpu.memory_space<hbm>>) dst(%dma_wait3A_294 : memref<128x32xf32, #tpu.memory_space<vmem>>)
    %dma_wait3A_301 = arith.constant 2 : i32
    %dma_wait3A_302 = arith.constant 256 : i32
    %dma_wait3A_303 = arith.constant 0 : i32
    %dma_wait3A_304 = tpu.memref_slice %arg11[%dma_wait3A_302, %dma_wait3A_303] : memref<2560x32xf32, #tpu.memory_space<vmem>> -> memref<128x32xf32, #tpu.memory_space<vmem>>
    %dma_wait3A_305 = arith.constant 0 : i32
    %dma_wait3A_306 = tpu.memref_slice %arg8[%dma_wait3A_301, %dma_wait3A_305] : memref<20x128xi32, #tpu.memory_space<vmem>> -> memref<1x128xi32, #tpu.memory_space<vmem>>
    %dma_wait3A_307 = tpu.memref_squeeze %dma_wait3A_306 : memref<1x128xi32, #tpu.memory_space<vmem>> -> memref<128xi32, #tpu.memory_space<vmem>>
    %dma_wait3A_308 = arith.constant 0 : i32
    %dma_wait3A_309 = arith.constant 0 : i32
    %dma_wait3A_310 = tpu.memref_slice %arg5[%dma_wait3A_308, %dma_wait3A_309] : memref<2000000x32xf32, #tpu.memory_space<hbm>> -> memref<2000000x32xf32, #tpu.memory_space<hbm>>
    tpu.wait_indirect_dma semaphore(%arg13 : memref<!tpu.dma_semaphore, #tpu.memory_space<semaphore_mem>>) src(%dma_wait3A_310 : memref<2000000x32xf32, #tpu.memory_space<hbm>>) dst(%dma_wait3A_304 : memref<128x32xf32, #tpu.memory_space<vmem>>)
    %dma_wait3A_311 = arith.constant 3 : i32
    %dma_wait3A_312 = arith.constant 384 : i32
    %dma_wait3A_313 = arith.constant 0 : i32
    %dma_wait3A_314 = tpu.memref_slice %arg11[%dma_wait3A_312, %dma_wait3A_313] : memref<2560x32xf32, #tpu.memory_space<vmem>> -> memref<128x32xf32, #tpu.memory_space<vmem>>
    %dma_wait3A_315 = arith.constant 0 : i32
    %dma_wait3A_316 = tpu.memref_slice %arg8[%dma_wait3A_311, %dma_wait3A_315] : memref<20x128xi32, #tpu.memory_space<vmem>> -> memref<1x128xi32, #tpu.memory_space<vmem>>
    %dma_wait3A_317 = tpu.memref_squeeze %dma_wait3A_316 : memref<1x128xi32, #tpu.memory_space<vmem>> -> memref<128xi32, #tpu.memory_space<vmem>>
    %dma_wait3A_318 = arith.constant 0 : i32
    %dma_wait3A_319 = arith.constant 0 : i32
    %dma_wait3A_320 = tpu.memref_slice %arg5[%dma_wait3A_318, %dma_wait3A_319] : memref<2000000x32xf32, #tpu.memory_space<hbm>> -> memref<2000000x32xf32, #tpu.memory_space<hbm>>
    tpu.wait_indirect_dma semaphore(%arg13 : memref<!tpu.dma_semaphore, #tpu.memory_space<semaphore_mem>>) src(%dma_wait3A_320 : memref<2000000x32xf32, #tpu.memory_space<hbm>>) dst(%dma_wait3A_314 : memref<128x32xf32, #tpu.memory_space<vmem>>)
    %dma_wait3A_321 = arith.constant 4 : i32
    %dma_wait3A_322 = arith.constant 512 : i32
    %dma_wait3A_323 = arith.constant 0 : i32
    %dma_wait3A_324 = tpu.memref_slice %arg11[%dma_wait3A_322, %dma_wait3A_323] : memref<2560x32xf32, #tpu.memory_space<vmem>> -> memref<128x32xf32, #tpu.memory_space<vmem>>
    %dma_wait3A_325 = arith.constant 0 : i32
    %dma_wait3A_326 = tpu.memref_slice %arg8[%dma_wait3A_321, %dma_wait3A_325] : memref<20x128xi32, #tpu.memory_space<vmem>> -> memref<1x128xi32, #tpu.memory_space<vmem>>
    %dma_wait3A_327 = tpu.memref_squeeze %dma_wait3A_326 : memref<1x128xi32, #tpu.memory_space<vmem>> -> memref<128xi32, #tpu.memory_space<vmem>>
    %dma_wait3A_328 = arith.constant 0 : i32
    %dma_wait3A_329 = arith.constant 0 : i32
    %dma_wait3A_330 = tpu.memref_slice %arg5[%dma_wait3A_328, %dma_wait3A_329] : memref<2000000x32xf32, #tpu.memory_space<hbm>> -> memref<2000000x32xf32, #tpu.memory_space<hbm>>
    tpu.wait_indirect_dma semaphore(%arg13 : memref<!tpu.dma_semaphore, #tpu.memory_space<semaphore_mem>>) src(%dma_wait3A_330 : memref<2000000x32xf32, #tpu.memory_space<hbm>>) dst(%dma_wait3A_324 : memref<128x32xf32, #tpu.memory_space<vmem>>)
    %dma_wait3A_331 = arith.constant 5 : i32
    %dma_wait3A_332 = arith.constant 640 : i32
    %dma_wait3A_333 = arith.constant 0 : i32
    %dma_wait3A_334 = tpu.memref_slice %arg11[%dma_wait3A_332, %dma_wait3A_333] : memref<2560x32xf32, #tpu.memory_space<vmem>> -> memref<128x32xf32, #tpu.memory_space<vmem>>
    %dma_wait3A_335 = arith.constant 0 : i32
    %dma_wait3A_336 = tpu.memref_slice %arg8[%dma_wait3A_331, %dma_wait3A_335] : memref<20x128xi32, #tpu.memory_space<vmem>> -> memref<1x128xi32, #tpu.memory_space<vmem>>
    %dma_wait3A_337 = tpu.memref_squeeze %dma_wait3A_336 : memref<1x128xi32, #tpu.memory_space<vmem>> -> memref<128xi32, #tpu.memory_space<vmem>>
    %dma_wait3A_338 = arith.constant 0 : i32
    %dma_wait3A_339 = arith.constant 0 : i32
    %dma_wait3A_340 = tpu.memref_slice %arg5[%dma_wait3A_338, %dma_wait3A_339] : memref<2000000x32xf32, #tpu.memory_space<hbm>> -> memref<2000000x32xf32, #tpu.memory_space<hbm>>
    tpu.wait_indirect_dma semaphore(%arg13 : memref<!tpu.dma_semaphore, #tpu.memory_space<semaphore_mem>>) src(%dma_wait3A_340 : memref<2000000x32xf32, #tpu.memory_space<hbm>>) dst(%dma_wait3A_334 : memref<128x32xf32, #tpu.memory_space<vmem>>)
    %dma_wait3A_341 = arith.constant 6 : i32
    %dma_wait3A_342 = arith.constant 768 : i32
    %dma_wait3A_343 = arith.constant 0 : i32
    %dma_wait3A_344 = tpu.memref_slice %arg11[%dma_wait3A_342, %dma_wait3A_343] : memref<2560x32xf32, #tpu.memory_space<vmem>> -> memref<128x32xf32, #tpu.memory_space<vmem>>
    %dma_wait3A_345 = arith.constant 0 : i32
    %dma_wait3A_346 = tpu.memref_slice %arg8[%dma_wait3A_341, %dma_wait3A_345] : memref<20x128xi32, #tpu.memory_space<vmem>> -> memref<1x128xi32, #tpu.memory_space<vmem>>
    %dma_wait3A_347 = tpu.memref_squeeze %dma_wait3A_346 : memref<1x128xi32, #tpu.memory_space<vmem>> -> memref<128xi32, #tpu.memory_space<vmem>>
    %dma_wait3A_348 = arith.constant 0 : i32
    %dma_wait3A_349 = arith.constant 0 : i32
    %dma_wait3A_350 = tpu.memref_slice %arg5[%dma_wait3A_348, %dma_wait3A_349] : memref<2000000x32xf32, #tpu.memory_space<hbm>> -> memref<2000000x32xf32, #tpu.memory_space<hbm>>
    tpu.wait_indirect_dma semaphore(%arg13 : memref<!tpu.dma_semaphore, #tpu.memory_space<semaphore_mem>>) src(%dma_wait3A_350 : memref<2000000x32xf32, #tpu.memory_space<hbm>>) dst(%dma_wait3A_344 : memref<128x32xf32, #tpu.memory_space<vmem>>)
    %dma_wait3A_351 = arith.constant 7 : i32
    %dma_wait3A_352 = arith.constant 896 : i32
    %dma_wait3A_353 = arith.constant 0 : i32
    %dma_wait3A_354 = tpu.memref_slice %arg11[%dma_wait3A_352, %dma_wait3A_353] : memref<2560x32xf32, #tpu.memory_space<vmem>> -> memref<128x32xf32, #tpu.memory_space<vmem>>
    %dma_wait3A_355 = arith.constant 0 : i32
    %dma_wait3A_356 = tpu.memref_slice %arg8[%dma_wait3A_351, %dma_wait3A_355] : memref<20x128xi32, #tpu.memory_space<vmem>> -> memref<1x128xi32, #tpu.memory_space<vmem>>
    %dma_wait3A_357 = tpu.memref_squeeze %dma_wait3A_356 : memref<1x128xi32, #tpu.memory_space<vmem>> -> memref<128xi32, #tpu.memory_space<vmem>>
    %dma_wait3A_358 = arith.constant 0 : i32
    %dma_wait3A_359 = arith.constant 0 : i32
    %dma_wait3A_360 = tpu.memref_slice %arg5[%dma_wait3A_358, %dma_wait3A_359] : memref<2000000x32xf32, #tpu.memory_space<hbm>> -> memref<2000000x32xf32, #tpu.memory_space<hbm>>
    tpu.wait_indirect_dma semaphore(%arg13 : memref<!tpu.dma_semaphore, #tpu.memory_space<semaphore_mem>>) src(%dma_wait3A_360 : memref<2000000x32xf32, #tpu.memory_space<hbm>>) dst(%dma_wait3A_354 : memref<128x32xf32, #tpu.memory_space<vmem>>)
    %dma_wait3A_361 = arith.constant 8 : i32
    %dma_wait3A_362 = arith.constant 1024 : i32
    %dma_wait3A_363 = arith.constant 0 : i32
    %dma_wait3A_364 = tpu.memref_slice %arg11[%dma_wait3A_362, %dma_wait3A_363] : memref<2560x32xf32, #tpu.memory_space<vmem>> -> memref<128x32xf32, #tpu.memory_space<vmem>>
    %dma_wait3A_365 = arith.constant 0 : i32
    %dma_wait3A_366 = tpu.memref_slice %arg8[%dma_wait3A_361, %dma_wait3A_365] : memref<20x128xi32, #tpu.memory_space<vmem>> -> memref<1x128xi32, #tpu.memory_space<vmem>>
    %dma_wait3A_367 = tpu.memref_squeeze %dma_wait3A_366 : memref<1x128xi32, #tpu.memory_space<vmem>> -> memref<128xi32, #tpu.memory_space<vmem>>
    %dma_wait3A_368 = arith.constant 0 : i32
    %dma_wait3A_369 = arith.constant 0 : i32
    %dma_wait3A_370 = tpu.memref_slice %arg5[%dma_wait3A_368, %dma_wait3A_369] : memref<2000000x32xf32, #tpu.memory_space<hbm>> -> memref<2000000x32xf32, #tpu.memory_space<hbm>>
    tpu.wait_indirect_dma semaphore(%arg13 : memref<!tpu.dma_semaphore, #tpu.memory_space<semaphore_mem>>) src(%dma_wait3A_370 : memref<2000000x32xf32, #tpu.memory_space<hbm>>) dst(%dma_wait3A_364 : memref<128x32xf32, #tpu.memory_space<vmem>>)
    %dma_wait3A_371 = arith.constant 9 : i32
    %dma_wait3A_372 = arith.constant 1152 : i32
    %dma_wait3A_373 = arith.constant 0 : i32
    %dma_wait3A_374 = tpu.memref_slice %arg11[%dma_wait3A_372, %dma_wait3A_373] : memref<2560x32xf32, #tpu.memory_space<vmem>> -> memref<128x32xf32, #tpu.memory_space<vmem>>
    %dma_wait3A_375 = arith.constant 0 : i32
    %dma_wait3A_376 = tpu.memref_slice %arg8[%dma_wait3A_371, %dma_wait3A_375] : memref<20x128xi32, #tpu.memory_space<vmem>> -> memref<1x128xi32, #tpu.memory_space<vmem>>
    %dma_wait3A_377 = tpu.memref_squeeze %dma_wait3A_376 : memref<1x128xi32, #tpu.memory_space<vmem>> -> memref<128xi32, #tpu.memory_space<vmem>>
    %dma_wait3A_378 = arith.constant 0 : i32
    %dma_wait3A_379 = arith.constant 0 : i32
    %dma_wait3A_380 = tpu.memref_slice %arg5[%dma_wait3A_378, %dma_wait3A_379] : memref<2000000x32xf32, #tpu.memory_space<hbm>> -> memref<2000000x32xf32, #tpu.memory_space<hbm>>
    tpu.wait_indirect_dma semaphore(%arg13 : memref<!tpu.dma_semaphore, #tpu.memory_space<semaphore_mem>>) src(%dma_wait3A_380 : memref<2000000x32xf32, #tpu.memory_space<hbm>>) dst(%dma_wait3A_374 : memref<128x32xf32, #tpu.memory_space<vmem>>)
    %dma_wait3A_381 = arith.constant 10 : i32
    %dma_wait3A_382 = arith.constant 1280 : i32
    %dma_wait3A_383 = arith.constant 0 : i32
    %dma_wait3A_384 = tpu.memref_slice %arg11[%dma_wait3A_382, %dma_wait3A_383] : memref<2560x32xf32, #tpu.memory_space<vmem>> -> memref<128x32xf32, #tpu.memory_space<vmem>>
    %dma_wait3A_385 = arith.constant 0 : i32
    %dma_wait3A_386 = tpu.memref_slice %arg8[%dma_wait3A_381, %dma_wait3A_385] : memref<20x128xi32, #tpu.memory_space<vmem>> -> memref<1x128xi32, #tpu.memory_space<vmem>>
    %dma_wait3A_387 = tpu.memref_squeeze %dma_wait3A_386 : memref<1x128xi32, #tpu.memory_space<vmem>> -> memref<128xi32, #tpu.memory_space<vmem>>
    %dma_wait3A_388 = arith.constant 0 : i32
    %dma_wait3A_389 = arith.constant 0 : i32
    %dma_wait3A_390 = tpu.memref_slice %arg5[%dma_wait3A_388, %dma_wait3A_389] : memref<2000000x32xf32, #tpu.memory_space<hbm>> -> memref<2000000x32xf32, #tpu.memory_space<hbm>>
    tpu.wait_indirect_dma semaphore(%arg13 : memref<!tpu.dma_semaphore, #tpu.memory_space<semaphore_mem>>) src(%dma_wait3A_390 : memref<2000000x32xf32, #tpu.memory_space<hbm>>) dst(%dma_wait3A_384 : memref<128x32xf32, #tpu.memory_space<vmem>>)
    %dma_wait3A_391 = arith.constant 11 : i32
    %dma_wait3A_392 = arith.constant 1408 : i32
    %dma_wait3A_393 = arith.constant 0 : i32
    %dma_wait3A_394 = tpu.memref_slice %arg11[%dma_wait3A_392, %dma_wait3A_393] : memref<2560x32xf32, #tpu.memory_space<vmem>> -> memref<128x32xf32, #tpu.memory_space<vmem>>
    %dma_wait3A_395 = arith.constant 0 : i32
    %dma_wait3A_396 = tpu.memref_slice %arg8[%dma_wait3A_391, %dma_wait3A_395] : memref<20x128xi32, #tpu.memory_space<vmem>> -> memref<1x128xi32, #tpu.memory_space<vmem>>
    %dma_wait3A_397 = tpu.memref_squeeze %dma_wait3A_396 : memref<1x128xi32, #tpu.memory_space<vmem>> -> memref<128xi32, #tpu.memory_space<vmem>>
    %dma_wait3A_398 = arith.constant 0 : i32
    %dma_wait3A_399 = arith.constant 0 : i32
    %dma_wait3A_400 = tpu.memref_slice %arg5[%dma_wait3A_398, %dma_wait3A_399] : memref<2000000x32xf32, #tpu.memory_space<hbm>> -> memref<2000000x32xf32, #tpu.memory_space<hbm>>
    tpu.wait_indirect_dma semaphore(%arg13 : memref<!tpu.dma_semaphore, #tpu.memory_space<semaphore_mem>>) src(%dma_wait3A_400 : memref<2000000x32xf32, #tpu.memory_space<hbm>>) dst(%dma_wait3A_394 : memref<128x32xf32, #tpu.memory_space<vmem>>)
    %dma_wait3A_401 = arith.constant 12 : i32
    %dma_wait3A_402 = arith.constant 1536 : i32
    %dma_wait3A_403 = arith.constant 0 : i32
    %dma_wait3A_404 = tpu.memref_slice %arg11[%dma_wait3A_402, %dma_wait3A_403] : memref<2560x32xf32, #tpu.memory_space<vmem>> -> memref<128x32xf32, #tpu.memory_space<vmem>>
    %dma_wait3A_405 = arith.constant 0 : i32
    %dma_wait3A_406 = tpu.memref_slice %arg8[%dma_wait3A_401, %dma_wait3A_405] : memref<20x128xi32, #tpu.memory_space<vmem>> -> memref<1x128xi32, #tpu.memory_space<vmem>>
    %dma_wait3A_407 = tpu.memref_squeeze %dma_wait3A_406 : memref<1x128xi32, #tpu.memory_space<vmem>> -> memref<128xi32, #tpu.memory_space<vmem>>
    %dma_wait3A_408 = arith.constant 0 : i32
    %dma_wait3A_409 = arith.constant 0 : i32
    %dma_wait3A_410 = tpu.memref_slice %arg5[%dma_wait3A_408, %dma_wait3A_409] : memref<2000000x32xf32, #tpu.memory_space<hbm>> -> memref<2000000x32xf32, #tpu.memory_space<hbm>>
    tpu.wait_indirect_dma semaphore(%arg13 : memref<!tpu.dma_semaphore, #tpu.memory_space<semaphore_mem>>) src(%dma_wait3A_410 : memref<2000000x32xf32, #tpu.memory_space<hbm>>) dst(%dma_wait3A_404 : memref<128x32xf32, #tpu.memory_space<vmem>>)
    %dma_wait3A_411 = arith.constant 13 : i32
    %dma_wait3A_412 = arith.constant 1664 : i32
    %dma_wait3A_413 = arith.constant 0 : i32
    %dma_wait3A_414 = tpu.memref_slice %arg11[%dma_wait3A_412, %dma_wait3A_413] : memref<2560x32xf32, #tpu.memory_space<vmem>> -> memref<128x32xf32, #tpu.memory_space<vmem>>
    %dma_wait3A_415 = arith.constant 0 : i32
    %dma_wait3A_416 = tpu.memref_slice %arg8[%dma_wait3A_411, %dma_wait3A_415] : memref<20x128xi32, #tpu.memory_space<vmem>> -> memref<1x128xi32, #tpu.memory_space<vmem>>
    %dma_wait3A_417 = tpu.memref_squeeze %dma_wait3A_416 : memref<1x128xi32, #tpu.memory_space<vmem>> -> memref<128xi32, #tpu.memory_space<vmem>>
    %dma_wait3A_418 = arith.constant 0 : i32
    %dma_wait3A_419 = arith.constant 0 : i32
    %dma_wait3A_420 = tpu.memref_slice %arg5[%dma_wait3A_418, %dma_wait3A_419] : memref<2000000x32xf32, #tpu.memory_space<hbm>> -> memref<2000000x32xf32, #tpu.memory_space<hbm>>
    tpu.wait_indirect_dma semaphore(%arg13 : memref<!tpu.dma_semaphore, #tpu.memory_space<semaphore_mem>>) src(%dma_wait3A_420 : memref<2000000x32xf32, #tpu.memory_space<hbm>>) dst(%dma_wait3A_414 : memref<128x32xf32, #tpu.memory_space<vmem>>)
    %dma_wait3A_421 = arith.constant 14 : i32
    %dma_wait3A_422 = arith.constant 1792 : i32
    %dma_wait3A_423 = arith.constant 0 : i32
    %dma_wait3A_424 = tpu.memref_slice %arg11[%dma_wait3A_422, %dma_wait3A_423] : memref<2560x32xf32, #tpu.memory_space<vmem>> -> memref<128x32xf32, #tpu.memory_space<vmem>>
    %dma_wait3A_425 = arith.constant 0 : i32
    %dma_wait3A_426 = tpu.memref_slice %arg8[%dma_wait3A_421, %dma_wait3A_425] : memref<20x128xi32, #tpu.memory_space<vmem>> -> memref<1x128xi32, #tpu.memory_space<vmem>>
    %dma_wait3A_427 = tpu.memref_squeeze %dma_wait3A_426 : memref<1x128xi32, #tpu.memory_space<vmem>> -> memref<128xi32, #tpu.memory_space<vmem>>
    %dma_wait3A_428 = arith.constant 0 : i32
    %dma_wait3A_429 = arith.constant 0 : i32
    %dma_wait3A_430 = tpu.memref_slice %arg5[%dma_wait3A_428, %dma_wait3A_429] : memref<2000000x32xf32, #tpu.memory_space<hbm>> -> memref<2000000x32xf32, #tpu.memory_space<hbm>>
    tpu.wait_indirect_dma semaphore(%arg13 : memref<!tpu.dma_semaphore, #tpu.memory_space<semaphore_mem>>) src(%dma_wait3A_430 : memref<2000000x32xf32, #tpu.memory_space<hbm>>) dst(%dma_wait3A_424 : memref<128x32xf32, #tpu.memory_space<vmem>>)
    %dma_wait3A_431 = arith.constant 15 : i32
    %dma_wait3A_432 = arith.constant 1920 : i32
    %dma_wait3A_433 = arith.constant 0 : i32
    %dma_wait3A_434 = tpu.memref_slice %arg11[%dma_wait3A_432, %dma_wait3A_433] : memref<2560x32xf32, #tpu.memory_space<vmem>> -> memref<128x32xf32, #tpu.memory_space<vmem>>
    %dma_wait3A_435 = arith.constant 0 : i32
    %dma_wait3A_436 = tpu.memref_slice %arg8[%dma_wait3A_431, %dma_wait3A_435] : memref<20x128xi32, #tpu.memory_space<vmem>> -> memref<1x128xi32, #tpu.memory_space<vmem>>
    %dma_wait3A_437 = tpu.memref_squeeze %dma_wait3A_436 : memref<1x128xi32, #tpu.memory_space<vmem>> -> memref<128xi32, #tpu.memory_space<vmem>>
    %dma_wait3A_438 = arith.constant 0 : i32
    %dma_wait3A_439 = arith.constant 0 : i32
    %dma_wait3A_440 = tpu.memref_slice %arg5[%dma_wait3A_438, %dma_wait3A_439] : memref<2000000x32xf32, #tpu.memory_space<hbm>> -> memref<2000000x32xf32, #tpu.memory_space<hbm>>
    tpu.wait_indirect_dma semaphore(%arg13 : memref<!tpu.dma_semaphore, #tpu.memory_space<semaphore_mem>>) src(%dma_wait3A_440 : memref<2000000x32xf32, #tpu.memory_space<hbm>>) dst(%dma_wait3A_434 : memref<128x32xf32, #tpu.memory_space<vmem>>)
    %dma_wait3A_441 = arith.constant 16 : i32
    %dma_wait3A_442 = arith.constant 2048 : i32
    %dma_wait3A_443 = arith.constant 0 : i32
    %dma_wait3A_444 = tpu.memref_slice %arg11[%dma_wait3A_442, %dma_wait3A_443] : memref<2560x32xf32, #tpu.memory_space<vmem>> -> memref<128x32xf32, #tpu.memory_space<vmem>>
    %dma_wait3A_445 = arith.constant 0 : i32
    %dma_wait3A_446 = tpu.memref_slice %arg8[%dma_wait3A_441, %dma_wait3A_445] : memref<20x128xi32, #tpu.memory_space<vmem>> -> memref<1x128xi32, #tpu.memory_space<vmem>>
    %dma_wait3A_447 = tpu.memref_squeeze %dma_wait3A_446 : memref<1x128xi32, #tpu.memory_space<vmem>> -> memref<128xi32, #tpu.memory_space<vmem>>
    %dma_wait3A_448 = arith.constant 0 : i32
    %dma_wait3A_449 = arith.constant 0 : i32
    %dma_wait3A_450 = tpu.memref_slice %arg5[%dma_wait3A_448, %dma_wait3A_449] : memref<2000000x32xf32, #tpu.memory_space<hbm>> -> memref<2000000x32xf32, #tpu.memory_space<hbm>>
    tpu.wait_indirect_dma semaphore(%arg13 : memref<!tpu.dma_semaphore, #tpu.memory_space<semaphore_mem>>) src(%dma_wait3A_450 : memref<2000000x32xf32, #tpu.memory_space<hbm>>) dst(%dma_wait3A_444 : memref<128x32xf32, #tpu.memory_space<vmem>>)
    %dma_wait3A_451 = arith.constant 17 : i32
    %dma_wait3A_452 = arith.constant 2176 : i32
    %dma_wait3A_453 = arith.constant 0 : i32
    %dma_wait3A_454 = tpu.memref_slice %arg11[%dma_wait3A_452, %dma_wait3A_453] : memref<2560x32xf32, #tpu.memory_space<vmem>> -> memref<128x32xf32, #tpu.memory_space<vmem>>
    %dma_wait3A_455 = arith.constant 0 : i32
    %dma_wait3A_456 = tpu.memref_slice %arg8[%dma_wait3A_451, %dma_wait3A_455] : memref<20x128xi32, #tpu.memory_space<vmem>> -> memref<1x128xi32, #tpu.memory_space<vmem>>
    %dma_wait3A_457 = tpu.memref_squeeze %dma_wait3A_456 : memref<1x128xi32, #tpu.memory_space<vmem>> -> memref<128xi32, #tpu.memory_space<vmem>>
    %dma_wait3A_458 = arith.constant 0 : i32
    %dma_wait3A_459 = arith.constant 0 : i32
    %dma_wait3A_460 = tpu.memref_slice %arg5[%dma_wait3A_458, %dma_wait3A_459] : memref<2000000x32xf32, #tpu.memory_space<hbm>> -> memref<2000000x32xf32, #tpu.memory_space<hbm>>
    tpu.wait_indirect_dma semaphore(%arg13 : memref<!tpu.dma_semaphore, #tpu.memory_space<semaphore_mem>>) src(%dma_wait3A_460 : memref<2000000x32xf32, #tpu.memory_space<hbm>>) dst(%dma_wait3A_454 : memref<128x32xf32, #tpu.memory_space<vmem>>)
    %dma_wait3A_461 = arith.constant 18 : i32
    %dma_wait3A_462 = arith.constant 2304 : i32
    %dma_wait3A_463 = arith.constant 0 : i32
    %dma_wait3A_464 = tpu.memref_slice %arg11[%dma_wait3A_462, %dma_wait3A_463] : memref<2560x32xf32, #tpu.memory_space<vmem>> -> memref<128x32xf32, #tpu.memory_space<vmem>>
    %dma_wait3A_465 = arith.constant 0 : i32
    %dma_wait3A_466 = tpu.memref_slice %arg8[%dma_wait3A_461, %dma_wait3A_465] : memref<20x128xi32, #tpu.memory_space<vmem>> -> memref<1x128xi32, #tpu.memory_space<vmem>>
    %dma_wait3A_467 = tpu.memref_squeeze %dma_wait3A_466 : memref<1x128xi32, #tpu.memory_space<vmem>> -> memref<128xi32, #tpu.memory_space<vmem>>
    %dma_wait3A_468 = arith.constant 0 : i32
    %dma_wait3A_469 = arith.constant 0 : i32
    %dma_wait3A_470 = tpu.memref_slice %arg5[%dma_wait3A_468, %dma_wait3A_469] : memref<2000000x32xf32, #tpu.memory_space<hbm>> -> memref<2000000x32xf32, #tpu.memory_space<hbm>>
    tpu.wait_indirect_dma semaphore(%arg13 : memref<!tpu.dma_semaphore, #tpu.memory_space<semaphore_mem>>) src(%dma_wait3A_470 : memref<2000000x32xf32, #tpu.memory_space<hbm>>) dst(%dma_wait3A_464 : memref<128x32xf32, #tpu.memory_space<vmem>>)
    %dma_wait3A_471 = arith.constant 19 : i32
    %dma_wait3A_472 = arith.constant 2432 : i32
    %dma_wait3A_473 = arith.constant 0 : i32
    %dma_wait3A_474 = tpu.memref_slice %arg11[%dma_wait3A_472, %dma_wait3A_473] : memref<2560x32xf32, #tpu.memory_space<vmem>> -> memref<128x32xf32, #tpu.memory_space<vmem>>
    %dma_wait3A_475 = arith.constant 0 : i32
    %dma_wait3A_476 = tpu.memref_slice %arg8[%dma_wait3A_471, %dma_wait3A_475] : memref<20x128xi32, #tpu.memory_space<vmem>> -> memref<1x128xi32, #tpu.memory_space<vmem>>
    %dma_wait3A_477 = tpu.memref_squeeze %dma_wait3A_476 : memref<1x128xi32, #tpu.memory_space<vmem>> -> memref<128xi32, #tpu.memory_space<vmem>>
    %dma_wait3A_478 = arith.constant 0 : i32
    %dma_wait3A_479 = arith.constant 0 : i32
    %dma_wait3A_480 = tpu.memref_slice %arg5[%dma_wait3A_478, %dma_wait3A_479] : memref<2000000x32xf32, #tpu.memory_space<hbm>> -> memref<2000000x32xf32, #tpu.memory_space<hbm>>
    tpu.wait_indirect_dma semaphore(%arg13 : memref<!tpu.dma_semaphore, #tpu.memory_space<semaphore_mem>>) src(%dma_wait3A_480 : memref<2000000x32xf32, #tpu.memory_space<hbm>>) dst(%dma_wait3A_474 : memref<128x32xf32, #tpu.memory_space<vmem>>)
    %iota3A = tpu.iota {dimensions = array<i32: 0>} : vector<16xi32>
    %scan3A = arith.constant 0 : i32
    %scan3A_481 = arith.constant 0 : i32
    %scan3A_482 = arith.constant 32 : i32
    %scan3A_483 = arith.addi %scan3A_481, %scan3A_482 : i32
    %scan3A_484 = arith.constant 1 : i32
    scf.for %scan3A_488 = %scan3A_481 to %scan3A_483 step %scan3A_484  : i32 {
      %mul3A_489 = arith.constant 16 : i32
      %mul3A_490 = arith.muli %scan3A_488, %mul3A_489 : i32
      %add3A_491 = vector.broadcast %mul3A_490 : i32 to vector<16xi32>
      %add3A_492 = arith.addi %add3A_491, %iota3A : vector<16xi32>
      %mul3A_493 = arith.constant 5 : i32
      %mul3A_494 = vector.broadcast %mul3A_493 : i32 to vector<16xi32>
      %mul3A_495 = arith.muli %add3A_492, %mul3A_494 : vector<16xi32>
      %broadcast_in_dim3A = arith.constant 0.000000e+00 : f32
      %broadcast_in_dim3A_496 = vector.broadcast %broadcast_in_dim3A : f32 to vector<16xf32>
      %broadcast_in_dim3A_497 = arith.constant 0.000000e+00 : f32
      %broadcast_in_dim3A_498 = vector.broadcast %broadcast_in_dim3A_497 : f32 to vector<16xf32>
      %broadcast_in_dim3A_499 = arith.constant 0.000000e+00 : f32
      %broadcast_in_dim3A_500 = vector.broadcast %broadcast_in_dim3A_499 : f32 to vector<16xf32>
      %broadcast_in_dim3A_501 = arith.constant 0.000000e+00 : f32
      %broadcast_in_dim3A_502 = vector.broadcast %broadcast_in_dim3A_501 : f32 to vector<16xf32>
      %broadcast_in_dim3A_503 = arith.constant 0.000000e+00 : f32
      %broadcast_in_dim3A_504 = vector.broadcast %broadcast_in_dim3A_503 : f32 to vector<16xf32>
      %add3A_505 = arith.constant 0 : i32
      %add3A_506 = vector.broadcast %add3A_505 : i32 to vector<16xi32>
      %add3A_507 = arith.addi %mul3A_495, %add3A_506 : vector<16xi32>
      %add3A_508 = arith.constant 1 : i32
      %add3A_509 = vector.broadcast %add3A_508 : i32 to vector<16xi32>
      %add3A_510 = arith.addi %mul3A_495, %add3A_509 : vector<16xi32>
      %add3A_511 = arith.constant 2 : i32
      %add3A_512 = vector.broadcast %add3A_511 : i32 to vector<16xi32>
      %add3A_513 = arith.addi %mul3A_495, %add3A_512 : vector<16xi32>
      %add3A_514 = arith.constant 3 : i32
      %add3A_515 = vector.broadcast %add3A_514 : i32 to vector<16xi32>
      %add3A_516 = arith.addi %mul3A_495, %add3A_515 : vector<16xi32>
      %add3A_517 = arith.constant 4 : i32
      %add3A_518 = vector.broadcast %add3A_517 : i32 to vector<16xi32>
      %add3A_519 = arith.addi %mul3A_495, %add3A_518 : vector<16xi32>
      %broadcast_in_dim3A_520 = arith.constant 0 : i32
      %broadcast_in_dim3A_521 = vector.broadcast %broadcast_in_dim3A_520 : i32 to vector<16xi32>
      %gather3A = tpu.vector_load_idx %arg10[%add3A_492, %broadcast_in_dim3A_521] : memref<512x32xf32, #tpu.memory_space<vmem>>[vector<16xi32>, vector<16xi32>], vector<16xf32>,
      %gather3A_522 = tpu.vector_load_idx %arg11[%add3A_507, %broadcast_in_dim3A_521] : memref<2560x32xf32, #tpu.memory_space<vmem>>[vector<16xi32>, vector<16xi32>], vector<16xf32>,
      %mul3A_523 = arith.mulf %gather3A, %gather3A_522 : vector<16xf32>
      %add3A_524 = arith.addf %broadcast_in_dim3A_496, %mul3A_523 : vector<16xf32>
      %gather3A_525 = tpu.vector_load_idx %arg11[%add3A_510, %broadcast_in_dim3A_521] : memref<2560x32xf32, #tpu.memory_space<vmem>>[vector<16xi32>, vector<16xi32>], vector<16xf32>,
      %mul3A_526 = arith.mulf %gather3A, %gather3A_525 : vector<16xf32>
      %add3A_527 = arith.addf %broadcast_in_dim3A_498, %mul3A_526 : vector<16xf32>
      %gather3A_528 = tpu.vector_load_idx %arg11[%add3A_513, %broadcast_in_dim3A_521] : memref<2560x32xf32, #tpu.memory_space<vmem>>[vector<16xi32>, vector<16xi32>], vector<16xf32>,
      %mul3A_529 = arith.mulf %gather3A, %gather3A_528 : vector<16xf32>
      %add3A_530 = arith.addf %broadcast_in_dim3A_500, %mul3A_529 : vector<16xf32>
      %gather3A_531 = tpu.vector_load_idx %arg11[%add3A_516, %broadcast_in_dim3A_521] : memref<2560x32xf32, #tpu.memory_space<vmem>>[vector<16xi32>, vector<16xi32>], vector<16xf32>,
      %mul3A_532 = arith.mulf %gather3A, %gather3A_531 : vector<16xf32>
      %add3A_533 = arith.addf %broadcast_in_dim3A_502, %mul3A_532 : vector<16xf32>
      %gather3A_534 = tpu.vector_load_idx %arg11[%add3A_519, %broadcast_in_dim3A_521] : memref<2560x32xf32, #tpu.memory_space<vmem>>[vector<16xi32>, vector<16xi32>], vector<16xf32>,
      %mul3A_535 = arith.mulf %gather3A, %gather3A_534 : vector<16xf32>
      %add3A_536 = arith.addf %broadcast_in_dim3A_504, %mul3A_535 : vector<16xf32>
      %broadcast_in_dim3A_537 = arith.constant 1 : i32
      %broadcast_in_dim3A_538 = vector.broadcast %broadcast_in_dim3A_537 : i32 to vector<16xi32>
      %gather3A_539 = tpu.vector_load_idx %arg10[%add3A_492, %broadcast_in_dim3A_538] : memref<512x32xf32, #tpu.memory_space<vmem>>[vector<16xi32>, vector<16xi32>], vector<16xf32>,
      %gather3A_540 = tpu.vector_load_idx %arg11[%add3A_507, %broadcast_in_dim3A_538] : memref<2560x32xf32, #tpu.memory_space<vmem>>[vector<16xi32>, vector<16xi32>], vector<16xf32>,
      %mul3A_541 = arith.mulf %gather3A_539, %gather3A_540 : vector<16xf32>
      %add3A_542 = arith.addf %add3A_524, %mul3A_541 : vector<16xf32>
      %gather3A_543 = tpu.vector_load_idx %arg11[%add3A_510, %broadcast_in_dim3A_538] : memref<2560x32xf32, #tpu.memory_space<vmem>>[vector<16xi32>, vector<16xi32>], vector<16xf32>,
      %mul3A_544 = arith.mulf %gather3A_539, %gather3A_543 : vector<16xf32>
      %add3A_545 = arith.addf %add3A_527, %mul3A_544 : vector<16xf32>
      %gather3A_546 = tpu.vector_load_idx %arg11[%add3A_513, %broadcast_in_dim3A_538] : memref<2560x32xf32, #tpu.memory_space<vmem>>[vector<16xi32>, vector<16xi32>], vector<16xf32>,
      %mul3A_547 = arith.mulf %gather3A_539, %gather3A_546 : vector<16xf32>
      %add3A_548 = arith.addf %add3A_530, %mul3A_547 : vector<16xf32>
      %gather3A_549 = tpu.vector_load_idx %arg11[%add3A_516, %broadcast_in_dim3A_538] : memref<2560x32xf32, #tpu.memory_space<vmem>>[vector<16xi32>, vector<16xi32>], vector<16xf32>,
      %mul3A_550 = arith.mulf %gather3A_539, %gather3A_549 : vector<16xf32>
      %add3A_551 = arith.addf %add3A_533, %mul3A_550 : vector<16xf32>
      %gather3A_552 = tpu.vector_load_idx %arg11[%add3A_519, %broadcast_in_dim3A_538] : memref<2560x32xf32, #tpu.memory_space<vmem>>[vector<16xi32>, vector<16xi32>], vector<16xf32>,
      %mul3A_553 = arith.mulf %gather3A_539, %gather3A_552 : vector<16xf32>
      %add3A_554 = arith.addf %add3A_536, %mul3A_553 : vector<16xf32>
      %broadcast_in_dim3A_555 = arith.constant 2 : i32
      %broadcast_in_dim3A_556 = vector.broadcast %broadcast_in_dim3A_555 : i32 to vector<16xi32>
      %gather3A_557 = tpu.vector_load_idx %arg10[%add3A_492, %broadcast_in_dim3A_556] : memref<512x32xf32, #tpu.memory_space<vmem>>[vector<16xi32>, vector<16xi32>], vector<16xf32>,
      %gather3A_558 = tpu.vector_load_idx %arg11[%add3A_507, %broadcast_in_dim3A_556] : memref<2560x32xf32, #tpu.memory_space<vmem>>[vector<16xi32>, vector<16xi32>], vector<16xf32>,
      %mul3A_559 = arith.mulf %gather3A_557, %gather3A_558 : vector<16xf32>
      %add3A_560 = arith.addf %add3A_542, %mul3A_559 : vector<16xf32>
      %gather3A_561 = tpu.vector_load_idx %arg11[%add3A_510, %broadcast_in_dim3A_556] : memref<2560x32xf32, #tpu.memory_space<vmem>>[vector<16xi32>, vector<16xi32>], vector<16xf32>,
      %mul3A_562 = arith.mulf %gather3A_557, %gather3A_561 : vector<16xf32>
      %add3A_563 = arith.addf %add3A_545, %mul3A_562 : vector<16xf32>
      %gather3A_564 = tpu.vector_load_idx %arg11[%add3A_513, %broadcast_in_dim3A_556] : memref<2560x32xf32, #tpu.memory_space<vmem>>[vector<16xi32>, vector<16xi32>], vector<16xf32>,
      %mul3A_565 = arith.mulf %gather3A_557, %gather3A_564 : vector<16xf32>
      %add3A_566 = arith.addf %add3A_548, %mul3A_565 : vector<16xf32>
      %gather3A_567 = tpu.vector_load_idx %arg11[%add3A_516, %broadcast_in_dim3A_556] : memref<2560x32xf32, #tpu.memory_space<vmem>>[vector<16xi32>, vector<16xi32>], vector<16xf32>,
      %mul3A_568 = arith.mulf %gather3A_557, %gather3A_567 : vector<16xf32>
      %add3A_569 = arith.addf %add3A_551, %mul3A_568 : vector<16xf32>
      %gather3A_570 = tpu.vector_load_idx %arg11[%add3A_519, %broadcast_in_dim3A_556] : memref<2560x32xf32, #tpu.memory_space<vmem>>[vector<16xi32>, vector<16xi32>], vector<16xf32>,
      %mul3A_571 = arith.mulf %gather3A_557, %gather3A_570 : vector<16xf32>
      %add3A_572 = arith.addf %add3A_554, %mul3A_571 : vector<16xf32>
      %broadcast_in_dim3A_573 = arith.constant 3 : i32
      %broadcast_in_dim3A_574 = vector.broadcast %broadcast_in_dim3A_573 : i32 to vector<16xi32>
      %gather3A_575 = tpu.vector_load_idx %arg10[%add3A_492, %broadcast_in_dim3A_574] : memref<512x32xf32, #tpu.memory_space<vmem>>[vector<16xi32>, vector<16xi32>], vector<16xf32>,
      %gather3A_576 = tpu.vector_load_idx %arg11[%add3A_507, %broadcast_in_dim3A_574] : memref<2560x32xf32, #tpu.memory_space<vmem>>[vector<16xi32>, vector<16xi32>], vector<16xf32>,
      %mul3A_577 = arith.mulf %gather3A_575, %gather3A_576 : vector<16xf32>
      %add3A_578 = arith.addf %add3A_560, %mul3A_577 : vector<16xf32>
      %gather3A_579 = tpu.vector_load_idx %arg11[%add3A_510, %broadcast_in_dim3A_574] : memref<2560x32xf32, #tpu.memory_space<vmem>>[vector<16xi32>, vector<16xi32>], vector<16xf32>,
      %mul3A_580 = arith.mulf %gather3A_575, %gather3A_579 : vector<16xf32>
      %add3A_581 = arith.addf %add3A_563, %mul3A_580 : vector<16xf32>
      %gather3A_582 = tpu.vector_load_idx %arg11[%add3A_513, %broadcast_in_dim3A_574] : memref<2560x32xf32, #tpu.memory_space<vmem>>[vector<16xi32>, vector<16xi32>], vector<16xf32>,
      %mul3A_583 = arith.mulf %gather3A_575, %gather3A_582 : vector<16xf32>
      %add3A_584 = arith.addf %add3A_566, %mul3A_583 : vector<16xf32>
      %gather3A_585 = tpu.vector_load_idx %arg11[%add3A_516, %broadcast_in_dim3A_574] : memref<2560x32xf32, #tpu.memory_space<vmem>>[vector<16xi32>, vector<16xi32>], vector<16xf32>,
      %mul3A_586 = arith.mulf %gather3A_575, %gather3A_585 : vector<16xf32>
      %add3A_587 = arith.addf %add3A_569, %mul3A_586 : vector<16xf32>
      %gather3A_588 = tpu.vector_load_idx %arg11[%add3A_519, %broadcast_in_dim3A_574] : memref<2560x32xf32, #tpu.memory_space<vmem>>[vector<16xi32>, vector<16xi32>], vector<16xf32>,
      %mul3A_589 = arith.mulf %gather3A_575, %gather3A_588 : vector<16xf32>
      %add3A_590 = arith.addf %add3A_572, %mul3A_589 : vector<16xf32>
      %broadcast_in_dim3A_591 = arith.constant 4 : i32
      %broadcast_in_dim3A_592 = vector.broadcast %broadcast_in_dim3A_591 : i32 to vector<16xi32>
      %gather3A_593 = tpu.vector_load_idx %arg10[%add3A_492, %broadcast_in_dim3A_592] : memref<512x32xf32, #tpu.memory_space<vmem>>[vector<16xi32>, vector<16xi32>], vector<16xf32>,
      %gather3A_594 = tpu.vector_load_idx %arg11[%add3A_507, %broadcast_in_dim3A_592] : memref<2560x32xf32, #tpu.memory_space<vmem>>[vector<16xi32>, vector<16xi32>], vector<16xf32>,
      %mul3A_595 = arith.mulf %gather3A_593, %gather3A_594 : vector<16xf32>
      %add3A_596 = arith.addf %add3A_578, %mul3A_595 : vector<16xf32>
      %gather3A_597 = tpu.vector_load_idx %arg11[%add3A_510, %broadcast_in_dim3A_592] : memref<2560x32xf32, #tpu.memory_space<vmem>>[vector<16xi32>, vector<16xi32>], vector<16xf32>,
      %mul3A_598 = arith.mulf %gather3A_593, %gather3A_597 : vector<16xf32>
      %add3A_599 = arith.addf %add3A_581, %mul3A_598 : vector<16xf32>
      %gather3A_600 = tpu.vector_load_idx %arg11[%add3A_513, %broadcast_in_dim3A_592] : memref<2560x32xf32, #tpu.memory_space<vmem>>[vector<16xi32>, vector<16xi32>], vector<16xf32>,
      %mul3A_601 = arith.mulf %gather3A_593, %gather3A_600 : vector<16xf32>
      %add3A_602 = arith.addf %add3A_584, %mul3A_601 : vector<16xf32>
      %gather3A_603 = tpu.vector_load_idx %arg11[%add3A_516, %broadcast_in_dim3A_592] : memref<2560x32xf32, #tpu.memory_space<vmem>>[vector<16xi32>, vector<16xi32>], vector<16xf32>,
      %mul3A_604 = arith.mulf %gather3A_593, %gather3A_603 : vector<16xf32>
      %add3A_605 = arith.addf %add3A_587, %mul3A_604 : vector<16xf32>
      %gather3A_606 = tpu.vector_load_idx %arg11[%add3A_519, %broadcast_in_dim3A_592] : memref<2560x32xf32, #tpu.memory_space<vmem>>[vector<16xi32>, vector<16xi32>], vector<16xf32>,
      %mul3A_607 = arith.mulf %gather3A_593, %gather3A_606 : vector<16xf32>
      %add3A_608 = arith.addf %add3A_590, %mul3A_607 : vector<16xf32>
      %broadcast_in_dim3A_609 = arith.constant 5 : i32
      %broadcast_in_dim3A_610 = vector.broadcast %broadcast_in_dim3A_609 : i32 to vector<16xi32>
      %gather3A_611 = tpu.vector_load_idx %arg10[%add3A_492, %broadcast_in_dim3A_610] : memref<512x32xf32, #tpu.memory_space<vmem>>[vector<16xi32>, vector<16xi32>], vector<16xf32>,
      %gather3A_612 = tpu.vector_load_idx %arg11[%add3A_507, %broadcast_in_dim3A_610] : memref<2560x32xf32, #tpu.memory_space<vmem>>[vector<16xi32>, vector<16xi32>], vector<16xf32>,
      %mul3A_613 = arith.mulf %gather3A_611, %gather3A_612 : vector<16xf32>
      %add3A_614 = arith.addf %add3A_596, %mul3A_613 : vector<16xf32>
      %gather3A_615 = tpu.vector_load_idx %arg11[%add3A_510, %broadcast_in_dim3A_610] : memref<2560x32xf32, #tpu.memory_space<vmem>>[vector<16xi32>, vector<16xi32>], vector<16xf32>,
      %mul3A_616 = arith.mulf %gather3A_611, %gather3A_615 : vector<16xf32>
      %add3A_617 = arith.addf %add3A_599, %mul3A_616 : vector<16xf32>
      %gather3A_618 = tpu.vector_load_idx %arg11[%add3A_513, %broadcast_in_dim3A_610] : memref<2560x32xf32, #tpu.memory_space<vmem>>[vector<16xi32>, vector<16xi32>], vector<16xf32>,
      %mul3A_619 = arith.mulf %gather3A_611, %gather3A_618 : vector<16xf32>
      %add3A_620 = arith.addf %add3A_602, %mul3A_619 : vector<16xf32>
      %gather3A_621 = tpu.vector_load_idx %arg11[%add3A_516, %broadcast_in_dim3A_610] : memref<2560x32xf32, #tpu.memory_space<vmem>>[vector<16xi32>, vector<16xi32>], vector<16xf32>,
      %mul3A_622 = arith.mulf %gather3A_611, %gather3A_621 : vector<16xf32>
      %add3A_623 = arith.addf %add3A_605, %mul3A_622 : vector<16xf32>
      %gather3A_624 = tpu.vector_load_idx %arg11[%add3A_519, %broadcast_in_dim3A_610] : memref<2560x32xf32, #tpu.memory_space<vmem>>[vector<16xi32>, vector<16xi32>], vector<16xf32>,
      %mul3A_625 = arith.mulf %gather3A_611, %gather3A_624 : vector<16xf32>
      %add3A_626 = arith.addf %add3A_608, %mul3A_625 : vector<16xf32>
      %broadcast_in_dim3A_627 = arith.constant 6 : i32
      %broadcast_in_dim3A_628 = vector.broadcast %broadcast_in_dim3A_627 : i32 to vector<16xi32>
      %gather3A_629 = tpu.vector_load_idx %arg10[%add3A_492, %broadcast_in_dim3A_628] : memref<512x32xf32, #tpu.memory_space<vmem>>[vector<16xi32>, vector<16xi32>], vector<16xf32>,
      %gather3A_630 = tpu.vector_load_idx %arg11[%add3A_507, %broadcast_in_dim3A_628] : memref<2560x32xf32, #tpu.memory_space<vmem>>[vector<16xi32>, vector<16xi32>], vector<16xf32>,
      %mul3A_631 = arith.mulf %gather3A_629, %gather3A_630 : vector<16xf32>
      %add3A_632 = arith.addf %add3A_614, %mul3A_631 : vector<16xf32>
      %gather3A_633 = tpu.vector_load_idx %arg11[%add3A_510, %broadcast_in_dim3A_628] : memref<2560x32xf32, #tpu.memory_space<vmem>>[vector<16xi32>, vector<16xi32>], vector<16xf32>,
      %mul3A_634 = arith.mulf %gather3A_629, %gather3A_633 : vector<16xf32>
      %add3A_635 = arith.addf %add3A_617, %mul3A_634 : vector<16xf32>
      %gather3A_636 = tpu.vector_load_idx %arg11[%add3A_513, %broadcast_in_dim3A_628] : memref<2560x32xf32, #tpu.memory_space<vmem>>[vector<16xi32>, vector<16xi32>], vector<16xf32>,
      %mul3A_637 = arith.mulf %gather3A_629, %gather3A_636 : vector<16xf32>
      %add3A_638 = arith.addf %add3A_620, %mul3A_637 : vector<16xf32>
      %gather3A_639 = tpu.vector_load_idx %arg11[%add3A_516, %broadcast_in_dim3A_628] : memref<2560x32xf32, #tpu.memory_space<vmem>>[vector<16xi32>, vector<16xi32>], vector<16xf32>,
      %mul3A_640 = arith.mulf %gather3A_629, %gather3A_639 : vector<16xf32>
      %add3A_641 = arith.addf %add3A_623, %mul3A_640 : vector<16xf32>
      %gather3A_642 = tpu.vector_load_idx %arg11[%add3A_519, %broadcast_in_dim3A_628] : memref<2560x32xf32, #tpu.memory_space<vmem>>[vector<16xi32>, vector<16xi32>], vector<16xf32>,
      %mul3A_643 = arith.mulf %gather3A_629, %gather3A_642 : vector<16xf32>
      %add3A_644 = arith.addf %add3A_626, %mul3A_643 : vector<16xf32>
      %broadcast_in_dim3A_645 = arith.constant 7 : i32
      %broadcast_in_dim3A_646 = vector.broadcast %broadcast_in_dim3A_645 : i32 to vector<16xi32>
      %gather3A_647 = tpu.vector_load_idx %arg10[%add3A_492, %broadcast_in_dim3A_646] : memref<512x32xf32, #tpu.memory_space<vmem>>[vector<16xi32>, vector<16xi32>], vector<16xf32>,
      %gather3A_648 = tpu.vector_load_idx %arg11[%add3A_507, %broadcast_in_dim3A_646] : memref<2560x32xf32, #tpu.memory_space<vmem>>[vector<16xi32>, vector<16xi32>], vector<16xf32>,
      %mul3A_649 = arith.mulf %gather3A_647, %gather3A_648 : vector<16xf32>
      %add3A_650 = arith.addf %add3A_632, %mul3A_649 : vector<16xf32>
      %gather3A_651 = tpu.vector_load_idx %arg11[%add3A_510, %broadcast_in_dim3A_646] : memref<2560x32xf32, #tpu.memory_space<vmem>>[vector<16xi32>, vector<16xi32>], vector<16xf32>,
      %mul3A_652 = arith.mulf %gather3A_647, %gather3A_651 : vector<16xf32>
      %add3A_653 = arith.addf %add3A_635, %mul3A_652 : vector<16xf32>
      %gather3A_654 = tpu.vector_load_idx %arg11[%add3A_513, %broadcast_in_dim3A_646] : memref<2560x32xf32, #tpu.memory_space<vmem>>[vector<16xi32>, vector<16xi32>], vector<16xf32>,
      %mul3A_655 = arith.mulf %gather3A_647, %gather3A_654 : vector<16xf32>
      %add3A_656 = arith.addf %add3A_638, %mul3A_655 : vector<16xf32>
      %gather3A_657 = tpu.vector_load_idx %arg11[%add3A_516, %broadcast_in_dim3A_646] : memref<2560x32xf32, #tpu.memory_space<vmem>>[vector<16xi32>, vector<16xi32>], vector<16xf32>,
      %mul3A_658 = arith.mulf %gather3A_647, %gather3A_657 : vector<16xf32>
      %add3A_659 = arith.addf %add3A_641, %mul3A_658 : vector<16xf32>
      %gather3A_660 = tpu.vector_load_idx %arg11[%add3A_519, %broadcast_in_dim3A_646] : memref<2560x32xf32, #tpu.memory_space<vmem>>[vector<16xi32>, vector<16xi32>], vector<16xf32>,
      %mul3A_661 = arith.mulf %gather3A_647, %gather3A_660 : vector<16xf32>
      %add3A_662 = arith.addf %add3A_644, %mul3A_661 : vector<16xf32>
      %broadcast_in_dim3A_663 = arith.constant 8 : i32
      %broadcast_in_dim3A_664 = vector.broadcast %broadcast_in_dim3A_663 : i32 to vector<16xi32>
      %gather3A_665 = tpu.vector_load_idx %arg10[%add3A_492, %broadcast_in_dim3A_664] : memref<512x32xf32, #tpu.memory_space<vmem>>[vector<16xi32>, vector<16xi32>], vector<16xf32>,
      %gather3A_666 = tpu.vector_load_idx %arg11[%add3A_507, %broadcast_in_dim3A_664] : memref<2560x32xf32, #tpu.memory_space<vmem>>[vector<16xi32>, vector<16xi32>], vector<16xf32>,
      %mul3A_667 = arith.mulf %gather3A_665, %gather3A_666 : vector<16xf32>
      %add3A_668 = arith.addf %add3A_650, %mul3A_667 : vector<16xf32>
      %gather3A_669 = tpu.vector_load_idx %arg11[%add3A_510, %broadcast_in_dim3A_664] : memref<2560x32xf32, #tpu.memory_space<vmem>>[vector<16xi32>, vector<16xi32>], vector<16xf32>,
      %mul3A_670 = arith.mulf %gather3A_665, %gather3A_669 : vector<16xf32>
      %add3A_671 = arith.addf %add3A_653, %mul3A_670 : vector<16xf32>
      %gather3A_672 = tpu.vector_load_idx %arg11[%add3A_513, %broadcast_in_dim3A_664] : memref<2560x32xf32, #tpu.memory_space<vmem>>[vector<16xi32>, vector<16xi32>], vector<16xf32>,
      %mul3A_673 = arith.mulf %gather3A_665, %gather3A_672 : vector<16xf32>
      %add3A_674 = arith.addf %add3A_656, %mul3A_673 : vector<16xf32>
      %gather3A_675 = tpu.vector_load_idx %arg11[%add3A_516, %broadcast_in_dim3A_664] : memref<2560x32xf32, #tpu.memory_space<vmem>>[vector<16xi32>, vector<16xi32>], vector<16xf32>,
      %mul3A_676 = arith.mulf %gather3A_665, %gather3A_675 : vector<16xf32>
      %add3A_677 = arith.addf %add3A_659, %mul3A_676 : vector<16xf32>
      %gather3A_678 = tpu.vector_load_idx %arg11[%add3A_519, %broadcast_in_dim3A_664] : memref<2560x32xf32, #tpu.memory_space<vmem>>[vector<16xi32>, vector<16xi32>], vector<16xf32>,
      %mul3A_679 = arith.mulf %gather3A_665, %gather3A_678 : vector<16xf32>
      %add3A_680 = arith.addf %add3A_662, %mul3A_679 : vector<16xf32>
      %broadcast_in_dim3A_681 = arith.constant 9 : i32
      %broadcast_in_dim3A_682 = vector.broadcast %broadcast_in_dim3A_681 : i32 to vector<16xi32>
      %gather3A_683 = tpu.vector_load_idx %arg10[%add3A_492, %broadcast_in_dim3A_682] : memref<512x32xf32, #tpu.memory_space<vmem>>[vector<16xi32>, vector<16xi32>], vector<16xf32>,
      %gather3A_684 = tpu.vector_load_idx %arg11[%add3A_507, %broadcast_in_dim3A_682] : memref<2560x32xf32, #tpu.memory_space<vmem>>[vector<16xi32>, vector<16xi32>], vector<16xf32>,
      %mul3A_685 = arith.mulf %gather3A_683, %gather3A_684 : vector<16xf32>
      %add3A_686 = arith.addf %add3A_668, %mul3A_685 : vector<16xf32>
      %gather3A_687 = tpu.vector_load_idx %arg11[%add3A_510, %broadcast_in_dim3A_682] : memref<2560x32xf32, #tpu.memory_space<vmem>>[vector<16xi32>, vector<16xi32>], vector<16xf32>,
      %mul3A_688 = arith.mulf %gather3A_683, %gather3A_687 : vector<16xf32>
      %add3A_689 = arith.addf %add3A_671, %mul3A_688 : vector<16xf32>
      %gather3A_690 = tpu.vector_load_idx %arg11[%add3A_513, %broadcast_in_dim3A_682] : memref<2560x32xf32, #tpu.memory_space<vmem>>[vector<16xi32>, vector<16xi32>], vector<16xf32>,
      %mul3A_691 = arith.mulf %gather3A_683, %gather3A_690 : vector<16xf32>
      %add3A_692 = arith.addf %add3A_674, %mul3A_691 : vector<16xf32>
      %gather3A_693 = tpu.vector_load_idx %arg11[%add3A_516, %broadcast_in_dim3A_682] : memref<2560x32xf32, #tpu.memory_space<vmem>>[vector<16xi32>, vector<16xi32>], vector<16xf32>,
      %mul3A_694 = arith.mulf %gather3A_683, %gather3A_693 : vector<16xf32>
      %add3A_695 = arith.addf %add3A_677, %mul3A_694 : vector<16xf32>
      %gather3A_696 = tpu.vector_load_idx %arg11[%add3A_519, %broadcast_in_dim3A_682] : memref<2560x32xf32, #tpu.memory_space<vmem>>[vector<16xi32>, vector<16xi32>], vector<16xf32>,
      %mul3A_697 = arith.mulf %gather3A_683, %gather3A_696 : vector<16xf32>
      %add3A_698 = arith.addf %add3A_680, %mul3A_697 : vector<16xf32>
      %broadcast_in_dim3A_699 = arith.constant 10 : i32
      %broadcast_in_dim3A_700 = vector.broadcast %broadcast_in_dim3A_699 : i32 to vector<16xi32>
      %gather3A_701 = tpu.vector_load_idx %arg10[%add3A_492, %broadcast_in_dim3A_700] : memref<512x32xf32, #tpu.memory_space<vmem>>[vector<16xi32>, vector<16xi32>], vector<16xf32>,
      %gather3A_702 = tpu.vector_load_idx %arg11[%add3A_507, %broadcast_in_dim3A_700] : memref<2560x32xf32, #tpu.memory_space<vmem>>[vector<16xi32>, vector<16xi32>], vector<16xf32>,
      %mul3A_703 = arith.mulf %gather3A_701, %gather3A_702 : vector<16xf32>
      %add3A_704 = arith.addf %add3A_686, %mul3A_703 : vector<16xf32>
      %gather3A_705 = tpu.vector_load_idx %arg11[%add3A_510, %broadcast_in_dim3A_700] : memref<2560x32xf32, #tpu.memory_space<vmem>>[vector<16xi32>, vector<16xi32>], vector<16xf32>,
      %mul3A_706 = arith.mulf %gather3A_701, %gather3A_705 : vector<16xf32>
      %add3A_707 = arith.addf %add3A_689, %mul3A_706 : vector<16xf32>
      %gather3A_708 = tpu.vector_load_idx %arg11[%add3A_513, %broadcast_in_dim3A_700] : memref<2560x32xf32, #tpu.memory_space<vmem>>[vector<16xi32>, vector<16xi32>], vector<16xf32>,
      %mul3A_709 = arith.mulf %gather3A_701, %gather3A_708 : vector<16xf32>
      %add3A_710 = arith.addf %add3A_692, %mul3A_709 : vector<16xf32>
      %gather3A_711 = tpu.vector_load_idx %arg11[%add3A_516, %broadcast_in_dim3A_700] : memref<2560x32xf32, #tpu.memory_space<vmem>>[vector<16xi32>, vector<16xi32>], vector<16xf32>,
      %mul3A_712 = arith.mulf %gather3A_701, %gather3A_711 : vector<16xf32>
      %add3A_713 = arith.addf %add3A_695, %mul3A_712 : vector<16xf32>
      %gather3A_714 = tpu.vector_load_idx %arg11[%add3A_519, %broadcast_in_dim3A_700] : memref<2560x32xf32, #tpu.memory_space<vmem>>[vector<16xi32>, vector<16xi32>], vector<16xf32>,
      %mul3A_715 = arith.mulf %gather3A_701, %gather3A_714 : vector<16xf32>
      %add3A_716 = arith.addf %add3A_698, %mul3A_715 : vector<16xf32>
      %broadcast_in_dim3A_717 = arith.constant 11 : i32
      %broadcast_in_dim3A_718 = vector.broadcast %broadcast_in_dim3A_717 : i32 to vector<16xi32>
      %gather3A_719 = tpu.vector_load_idx %arg10[%add3A_492, %broadcast_in_dim3A_718] : memref<512x32xf32, #tpu.memory_space<vmem>>[vector<16xi32>, vector<16xi32>], vector<16xf32>,
      %gather3A_720 = tpu.vector_load_idx %arg11[%add3A_507, %broadcast_in_dim3A_718] : memref<2560x32xf32, #tpu.memory_space<vmem>>[vector<16xi32>, vector<16xi32>], vector<16xf32>,
      %mul3A_721 = arith.mulf %gather3A_719, %gather3A_720 : vector<16xf32>
      %add3A_722 = arith.addf %add3A_704, %mul3A_721 : vector<16xf32>
      %gather3A_723 = tpu.vector_load_idx %arg11[%add3A_510, %broadcast_in_dim3A_718] : memref<2560x32xf32, #tpu.memory_space<vmem>>[vector<16xi32>, vector<16xi32>], vector<16xf32>,
      %mul3A_724 = arith.mulf %gather3A_719, %gather3A_723 : vector<16xf32>
      %add3A_725 = arith.addf %add3A_707, %mul3A_724 : vector<16xf32>
      %gather3A_726 = tpu.vector_load_idx %arg11[%add3A_513, %broadcast_in_dim3A_718] : memref<2560x32xf32, #tpu.memory_space<vmem>>[vector<16xi32>, vector<16xi32>], vector<16xf32>,
      %mul3A_727 = arith.mulf %gather3A_719, %gather3A_726 : vector<16xf32>
      %add3A_728 = arith.addf %add3A_710, %mul3A_727 : vector<16xf32>
      %gather3A_729 = tpu.vector_load_idx %arg11[%add3A_516, %broadcast_in_dim3A_718] : memref<2560x32xf32, #tpu.memory_space<vmem>>[vector<16xi32>, vector<16xi32>], vector<16xf32>,
      %mul3A_730 = arith.mulf %gather3A_719, %gather3A_729 : vector<16xf32>
      %add3A_731 = arith.addf %add3A_713, %mul3A_730 : vector<16xf32>
      %gather3A_732 = tpu.vector_load_idx %arg11[%add3A_519, %broadcast_in_dim3A_718] : memref<2560x32xf32, #tpu.memory_space<vmem>>[vector<16xi32>, vector<16xi32>], vector<16xf32>,
      %mul3A_733 = arith.mulf %gather3A_719, %gather3A_732 : vector<16xf32>
      %add3A_734 = arith.addf %add3A_716, %mul3A_733 : vector<16xf32>
      %broadcast_in_dim3A_735 = arith.constant 12 : i32
      %broadcast_in_dim3A_736 = vector.broadcast %broadcast_in_dim3A_735 : i32 to vector<16xi32>
      %gather3A_737 = tpu.vector_load_idx %arg10[%add3A_492, %broadcast_in_dim3A_736] : memref<512x32xf32, #tpu.memory_space<vmem>>[vector<16xi32>, vector<16xi32>], vector<16xf32>,
      %gather3A_738 = tpu.vector_load_idx %arg11[%add3A_507, %broadcast_in_dim3A_736] : memref<2560x32xf32, #tpu.memory_space<vmem>>[vector<16xi32>, vector<16xi32>], vector<16xf32>,
      %mul3A_739 = arith.mulf %gather3A_737, %gather3A_738 : vector<16xf32>
      %add3A_740 = arith.addf %add3A_722, %mul3A_739 : vector<16xf32>
      %gather3A_741 = tpu.vector_load_idx %arg11[%add3A_510, %broadcast_in_dim3A_736] : memref<2560x32xf32, #tpu.memory_space<vmem>>[vector<16xi32>, vector<16xi32>], vector<16xf32>,
      %mul3A_742 = arith.mulf %gather3A_737, %gather3A_741 : vector<16xf32>
      %add3A_743 = arith.addf %add3A_725, %mul3A_742 : vector<16xf32>
      %gather3A_744 = tpu.vector_load_idx %arg11[%add3A_513, %broadcast_in_dim3A_736] : memref<2560x32xf32, #tpu.memory_space<vmem>>[vector<16xi32>, vector<16xi32>], vector<16xf32>,
      %mul3A_745 = arith.mulf %gather3A_737, %gather3A_744 : vector<16xf32>
      %add3A_746 = arith.addf %add3A_728, %mul3A_745 : vector<16xf32>
      %gather3A_747 = tpu.vector_load_idx %arg11[%add3A_516, %broadcast_in_dim3A_736] : memref<2560x32xf32, #tpu.memory_space<vmem>>[vector<16xi32>, vector<16xi32>], vector<16xf32>,
      %mul3A_748 = arith.mulf %gather3A_737, %gather3A_747 : vector<16xf32>
      %add3A_749 = arith.addf %add3A_731, %mul3A_748 : vector<16xf32>
      %gather3A_750 = tpu.vector_load_idx %arg11[%add3A_519, %broadcast_in_dim3A_736] : memref<2560x32xf32, #tpu.memory_space<vmem>>[vector<16xi32>, vector<16xi32>], vector<16xf32>,
      %mul3A_751 = arith.mulf %gather3A_737, %gather3A_750 : vector<16xf32>
      %add3A_752 = arith.addf %add3A_734, %mul3A_751 : vector<16xf32>
      %broadcast_in_dim3A_753 = arith.constant 13 : i32
      %broadcast_in_dim3A_754 = vector.broadcast %broadcast_in_dim3A_753 : i32 to vector<16xi32>
      %gather3A_755 = tpu.vector_load_idx %arg10[%add3A_492, %broadcast_in_dim3A_754] : memref<512x32xf32, #tpu.memory_space<vmem>>[vector<16xi32>, vector<16xi32>], vector<16xf32>,
      %gather3A_756 = tpu.vector_load_idx %arg11[%add3A_507, %broadcast_in_dim3A_754] : memref<2560x32xf32, #tpu.memory_space<vmem>>[vector<16xi32>, vector<16xi32>], vector<16xf32>,
      %mul3A_757 = arith.mulf %gather3A_755, %gather3A_756 : vector<16xf32>
      %add3A_758 = arith.addf %add3A_740, %mul3A_757 : vector<16xf32>
      %gather3A_759 = tpu.vector_load_idx %arg11[%add3A_510, %broadcast_in_dim3A_754] : memref<2560x32xf32, #tpu.memory_space<vmem>>[vector<16xi32>, vector<16xi32>], vector<16xf32>,
      %mul3A_760 = arith.mulf %gather3A_755, %gather3A_759 : vector<16xf32>
      %add3A_761 = arith.addf %add3A_743, %mul3A_760 : vector<16xf32>
      %gather3A_762 = tpu.vector_load_idx %arg11[%add3A_513, %broadcast_in_dim3A_754] : memref<2560x32xf32, #tpu.memory_space<vmem>>[vector<16xi32>, vector<16xi32>], vector<16xf32>,
      %mul3A_763 = arith.mulf %gather3A_755, %gather3A_762 : vector<16xf32>
      %add3A_764 = arith.addf %add3A_746, %mul3A_763 : vector<16xf32>
      %gather3A_765 = tpu.vector_load_idx %arg11[%add3A_516, %broadcast_in_dim3A_754] : memref<2560x32xf32, #tpu.memory_space<vmem>>[vector<16xi32>, vector<16xi32>], vector<16xf32>,
      %mul3A_766 = arith.mulf %gather3A_755, %gather3A_765 : vector<16xf32>
      %add3A_767 = arith.addf %add3A_749, %mul3A_766 : vector<16xf32>
      %gather3A_768 = tpu.vector_load_idx %arg11[%add3A_519, %broadcast_in_dim3A_754] : memref<2560x32xf32, #tpu.memory_space<vmem>>[vector<16xi32>, vector<16xi32>], vector<16xf32>,
      %mul3A_769 = arith.mulf %gather3A_755, %gather3A_768 : vector<16xf32>
      %add3A_770 = arith.addf %add3A_752, %mul3A_769 : vector<16xf32>
      %broadcast_in_dim3A_771 = arith.constant 14 : i32
      %broadcast_in_dim3A_772 = vector.broadcast %broadcast_in_dim3A_771 : i32 to vector<16xi32>
      %gather3A_773 = tpu.vector_load_idx %arg10[%add3A_492, %broadcast_in_dim3A_772] : memref<512x32xf32, #tpu.memory_space<vmem>>[vector<16xi32>, vector<16xi32>], vector<16xf32>,
      %gather3A_774 = tpu.vector_load_idx %arg11[%add3A_507, %broadcast_in_dim3A_772] : memref<2560x32xf32, #tpu.memory_space<vmem>>[vector<16xi32>, vector<16xi32>], vector<16xf32>,
      %mul3A_775 = arith.mulf %gather3A_773, %gather3A_774 : vector<16xf32>
      %add3A_776 = arith.addf %add3A_758, %mul3A_775 : vector<16xf32>
      %gather3A_777 = tpu.vector_load_idx %arg11[%add3A_510, %broadcast_in_dim3A_772] : memref<2560x32xf32, #tpu.memory_space<vmem>>[vector<16xi32>, vector<16xi32>], vector<16xf32>,
      %mul3A_778 = arith.mulf %gather3A_773, %gather3A_777 : vector<16xf32>
      %add3A_779 = arith.addf %add3A_761, %mul3A_778 : vector<16xf32>
      %gather3A_780 = tpu.vector_load_idx %arg11[%add3A_513, %broadcast_in_dim3A_772] : memref<2560x32xf32, #tpu.memory_space<vmem>>[vector<16xi32>, vector<16xi32>], vector<16xf32>,
      %mul3A_781 = arith.mulf %gather3A_773, %gather3A_780 : vector<16xf32>
      %add3A_782 = arith.addf %add3A_764, %mul3A_781 : vector<16xf32>
      %gather3A_783 = tpu.vector_load_idx %arg11[%add3A_516, %broadcast_in_dim3A_772] : memref<2560x32xf32, #tpu.memory_space<vmem>>[vector<16xi32>, vector<16xi32>], vector<16xf32>,
      %mul3A_784 = arith.mulf %gather3A_773, %gather3A_783 : vector<16xf32>
      %add3A_785 = arith.addf %add3A_767, %mul3A_784 : vector<16xf32>
      %gather3A_786 = tpu.vector_load_idx %arg11[%add3A_519, %broadcast_in_dim3A_772] : memref<2560x32xf32, #tpu.memory_space<vmem>>[vector<16xi32>, vector<16xi32>], vector<16xf32>,
      %mul3A_787 = arith.mulf %gather3A_773, %gather3A_786 : vector<16xf32>
      %add3A_788 = arith.addf %add3A_770, %mul3A_787 : vector<16xf32>
      %broadcast_in_dim3A_789 = arith.constant 15 : i32
      %broadcast_in_dim3A_790 = vector.broadcast %broadcast_in_dim3A_789 : i32 to vector<16xi32>
      %gather3A_791 = tpu.vector_load_idx %arg10[%add3A_492, %broadcast_in_dim3A_790] : memref<512x32xf32, #tpu.memory_space<vmem>>[vector<16xi32>, vector<16xi32>], vector<16xf32>,
      %gather3A_792 = tpu.vector_load_idx %arg11[%add3A_507, %broadcast_in_dim3A_790] : memref<2560x32xf32, #tpu.memory_space<vmem>>[vector<16xi32>, vector<16xi32>], vector<16xf32>,
      %mul3A_793 = arith.mulf %gather3A_791, %gather3A_792 : vector<16xf32>
      %add3A_794 = arith.addf %add3A_776, %mul3A_793 : vector<16xf32>
      %gather3A_795 = tpu.vector_load_idx %arg11[%add3A_510, %broadcast_in_dim3A_790] : memref<2560x32xf32, #tpu.memory_space<vmem>>[vector<16xi32>, vector<16xi32>], vector<16xf32>,
      %mul3A_796 = arith.mulf %gather3A_791, %gather3A_795 : vector<16xf32>
      %add3A_797 = arith.addf %add3A_779, %mul3A_796 : vector<16xf32>
      %gather3A_798 = tpu.vector_load_idx %arg11[%add3A_513, %broadcast_in_dim3A_790] : memref<2560x32xf32, #tpu.memory_space<vmem>>[vector<16xi32>, vector<16xi32>], vector<16xf32>,
      %mul3A_799 = arith.mulf %gather3A_791, %gather3A_798 : vector<16xf32>
      %add3A_800 = arith.addf %add3A_782, %mul3A_799 : vector<16xf32>
      %gather3A_801 = tpu.vector_load_idx %arg11[%add3A_516, %broadcast_in_dim3A_790] : memref<2560x32xf32, #tpu.memory_space<vmem>>[vector<16xi32>, vector<16xi32>], vector<16xf32>,
      %mul3A_802 = arith.mulf %gather3A_791, %gather3A_801 : vector<16xf32>
      %add3A_803 = arith.addf %add3A_785, %mul3A_802 : vector<16xf32>
      %gather3A_804 = tpu.vector_load_idx %arg11[%add3A_519, %broadcast_in_dim3A_790] : memref<2560x32xf32, #tpu.memory_space<vmem>>[vector<16xi32>, vector<16xi32>], vector<16xf32>,
      %mul3A_805 = arith.mulf %gather3A_791, %gather3A_804 : vector<16xf32>
      %add3A_806 = arith.addf %add3A_788, %mul3A_805 : vector<16xf32>
      %broadcast_in_dim3A_807 = arith.constant 16 : i32
      %broadcast_in_dim3A_808 = vector.broadcast %broadcast_in_dim3A_807 : i32 to vector<16xi32>
      %gather3A_809 = tpu.vector_load_idx %arg10[%add3A_492, %broadcast_in_dim3A_808] : memref<512x32xf32, #tpu.memory_space<vmem>>[vector<16xi32>, vector<16xi32>], vector<16xf32>,
      %gather3A_810 = tpu.vector_load_idx %arg11[%add3A_507, %broadcast_in_dim3A_808] : memref<2560x32xf32, #tpu.memory_space<vmem>>[vector<16xi32>, vector<16xi32>], vector<16xf32>,
      %mul3A_811 = arith.mulf %gather3A_809, %gather3A_810 : vector<16xf32>
      %add3A_812 = arith.addf %add3A_794, %mul3A_811 : vector<16xf32>
      %gather3A_813 = tpu.vector_load_idx %arg11[%add3A_510, %broadcast_in_dim3A_808] : memref<2560x32xf32, #tpu.memory_space<vmem>>[vector<16xi32>, vector<16xi32>], vector<16xf32>,
      %mul3A_814 = arith.mulf %gather3A_809, %gather3A_813 : vector<16xf32>
      %add3A_815 = arith.addf %add3A_797, %mul3A_814 : vector<16xf32>
      %gather3A_816 = tpu.vector_load_idx %arg11[%add3A_513, %broadcast_in_dim3A_808] : memref<2560x32xf32, #tpu.memory_space<vmem>>[vector<16xi32>, vector<16xi32>], vector<16xf32>,
      %mul3A_817 = arith.mulf %gather3A_809, %gather3A_816 : vector<16xf32>
      %add3A_818 = arith.addf %add3A_800, %mul3A_817 : vector<16xf32>
      %gather3A_819 = tpu.vector_load_idx %arg11[%add3A_516, %broadcast_in_dim3A_808] : memref<2560x32xf32, #tpu.memory_space<vmem>>[vector<16xi32>, vector<16xi32>], vector<16xf32>,
      %mul3A_820 = arith.mulf %gather3A_809, %gather3A_819 : vector<16xf32>
      %add3A_821 = arith.addf %add3A_803, %mul3A_820 : vector<16xf32>
      %gather3A_822 = tpu.vector_load_idx %arg11[%add3A_519, %broadcast_in_dim3A_808] : memref<2560x32xf32, #tpu.memory_space<vmem>>[vector<16xi32>, vector<16xi32>], vector<16xf32>,
      %mul3A_823 = arith.mulf %gather3A_809, %gather3A_822 : vector<16xf32>
      %add3A_824 = arith.addf %add3A_806, %mul3A_823 : vector<16xf32>
      %broadcast_in_dim3A_825 = arith.constant 17 : i32
      %broadcast_in_dim3A_826 = vector.broadcast %broadcast_in_dim3A_825 : i32 to vector<16xi32>
      %gather3A_827 = tpu.vector_load_idx %arg10[%add3A_492, %broadcast_in_dim3A_826] : memref<512x32xf32, #tpu.memory_space<vmem>>[vector<16xi32>, vector<16xi32>], vector<16xf32>,
      %gather3A_828 = tpu.vector_load_idx %arg11[%add3A_507, %broadcast_in_dim3A_826] : memref<2560x32xf32, #tpu.memory_space<vmem>>[vector<16xi32>, vector<16xi32>], vector<16xf32>,
      %mul3A_829 = arith.mulf %gather3A_827, %gather3A_828 : vector<16xf32>
      %add3A_830 = arith.addf %add3A_812, %mul3A_829 : vector<16xf32>
      %gather3A_831 = tpu.vector_load_idx %arg11[%add3A_510, %broadcast_in_dim3A_826] : memref<2560x32xf32, #tpu.memory_space<vmem>>[vector<16xi32>, vector<16xi32>], vector<16xf32>,
      %mul3A_832 = arith.mulf %gather3A_827, %gather3A_831 : vector<16xf32>
      %add3A_833 = arith.addf %add3A_815, %mul3A_832 : vector<16xf32>
      %gather3A_834 = tpu.vector_load_idx %arg11[%add3A_513, %broadcast_in_dim3A_826] : memref<2560x32xf32, #tpu.memory_space<vmem>>[vector<16xi32>, vector<16xi32>], vector<16xf32>,
      %mul3A_835 = arith.mulf %gather3A_827, %gather3A_834 : vector<16xf32>
      %add3A_836 = arith.addf %add3A_818, %mul3A_835 : vector<16xf32>
      %gather3A_837 = tpu.vector_load_idx %arg11[%add3A_516, %broadcast_in_dim3A_826] : memref<2560x32xf32, #tpu.memory_space<vmem>>[vector<16xi32>, vector<16xi32>], vector<16xf32>,
      %mul3A_838 = arith.mulf %gather3A_827, %gather3A_837 : vector<16xf32>
      %add3A_839 = arith.addf %add3A_821, %mul3A_838 : vector<16xf32>
      %gather3A_840 = tpu.vector_load_idx %arg11[%add3A_519, %broadcast_in_dim3A_826] : memref<2560x32xf32, #tpu.memory_space<vmem>>[vector<16xi32>, vector<16xi32>], vector<16xf32>,
      %mul3A_841 = arith.mulf %gather3A_827, %gather3A_840 : vector<16xf32>
      %add3A_842 = arith.addf %add3A_824, %mul3A_841 : vector<16xf32>
      %broadcast_in_dim3A_843 = arith.constant 18 : i32
      %broadcast_in_dim3A_844 = vector.broadcast %broadcast_in_dim3A_843 : i32 to vector<16xi32>
      %gather3A_845 = tpu.vector_load_idx %arg10[%add3A_492, %broadcast_in_dim3A_844] : memref<512x32xf32, #tpu.memory_space<vmem>>[vector<16xi32>, vector<16xi32>], vector<16xf32>,
      %gather3A_846 = tpu.vector_load_idx %arg11[%add3A_507, %broadcast_in_dim3A_844] : memref<2560x32xf32, #tpu.memory_space<vmem>>[vector<16xi32>, vector<16xi32>], vector<16xf32>,
      %mul3A_847 = arith.mulf %gather3A_845, %gather3A_846 : vector<16xf32>
      %add3A_848 = arith.addf %add3A_830, %mul3A_847 : vector<16xf32>
      %gather3A_849 = tpu.vector_load_idx %arg11[%add3A_510, %broadcast_in_dim3A_844] : memref<2560x32xf32, #tpu.memory_space<vmem>>[vector<16xi32>, vector<16xi32>], vector<16xf32>,
      %mul3A_850 = arith.mulf %gather3A_845, %gather3A_849 : vector<16xf32>
      %add3A_851 = arith.addf %add3A_833, %mul3A_850 : vector<16xf32>
      %gather3A_852 = tpu.vector_load_idx %arg11[%add3A_513, %broadcast_in_dim3A_844] : memref<2560x32xf32, #tpu.memory_space<vmem>>[vector<16xi32>, vector<16xi32>], vector<16xf32>,
      %mul3A_853 = arith.mulf %gather3A_845, %gather3A_852 : vector<16xf32>
      %add3A_854 = arith.addf %add3A_836, %mul3A_853 : vector<16xf32>
      %gather3A_855 = tpu.vector_load_idx %arg11[%add3A_516, %broadcast_in_dim3A_844] : memref<2560x32xf32, #tpu.memory_space<vmem>>[vector<16xi32>, vector<16xi32>], vector<16xf32>,
      %mul3A_856 = arith.mulf %gather3A_845, %gather3A_855 : vector<16xf32>
      %add3A_857 = arith.addf %add3A_839, %mul3A_856 : vector<16xf32>
      %gather3A_858 = tpu.vector_load_idx %arg11[%add3A_519, %broadcast_in_dim3A_844] : memref<2560x32xf32, #tpu.memory_space<vmem>>[vector<16xi32>, vector<16xi32>], vector<16xf32>,
      %mul3A_859 = arith.mulf %gather3A_845, %gather3A_858 : vector<16xf32>
      %add3A_860 = arith.addf %add3A_842, %mul3A_859 : vector<16xf32>
      %broadcast_in_dim3A_861 = arith.constant 19 : i32
      %broadcast_in_dim3A_862 = vector.broadcast %broadcast_in_dim3A_861 : i32 to vector<16xi32>
      %gather3A_863 = tpu.vector_load_idx %arg10[%add3A_492, %broadcast_in_dim3A_862] : memref<512x32xf32, #tpu.memory_space<vmem>>[vector<16xi32>, vector<16xi32>], vector<16xf32>,
      %gather3A_864 = tpu.vector_load_idx %arg11[%add3A_507, %broadcast_in_dim3A_862] : memref<2560x32xf32, #tpu.memory_space<vmem>>[vector<16xi32>, vector<16xi32>], vector<16xf32>,
      %mul3A_865 = arith.mulf %gather3A_863, %gather3A_864 : vector<16xf32>
      %add3A_866 = arith.addf %add3A_848, %mul3A_865 : vector<16xf32>
      %gather3A_867 = tpu.vector_load_idx %arg11[%add3A_510, %broadcast_in_dim3A_862] : memref<2560x32xf32, #tpu.memory_space<vmem>>[vector<16xi32>, vector<16xi32>], vector<16xf32>,
      %mul3A_868 = arith.mulf %gather3A_863, %gather3A_867 : vector<16xf32>
      %add3A_869 = arith.addf %add3A_851, %mul3A_868 : vector<16xf32>
      %gather3A_870 = tpu.vector_load_idx %arg11[%add3A_513, %broadcast_in_dim3A_862] : memref<2560x32xf32, #tpu.memory_space<vmem>>[vector<16xi32>, vector<16xi32>], vector<16xf32>,
      %mul3A_871 = arith.mulf %gather3A_863, %gather3A_870 : vector<16xf32>
      %add3A_872 = arith.addf %add3A_854, %mul3A_871 : vector<16xf32>
      %gather3A_873 = tpu.vector_load_idx %arg11[%add3A_516, %broadcast_in_dim3A_862] : memref<2560x32xf32, #tpu.memory_space<vmem>>[vector<16xi32>, vector<16xi32>], vector<16xf32>,
      %mul3A_874 = arith.mulf %gather3A_863, %gather3A_873 : vector<16xf32>
      %add3A_875 = arith.addf %add3A_857, %mul3A_874 : vector<16xf32>
      %gather3A_876 = tpu.vector_load_idx %arg11[%add3A_519, %broadcast_in_dim3A_862] : memref<2560x32xf32, #tpu.memory_space<vmem>>[vector<16xi32>, vector<16xi32>], vector<16xf32>,
      %mul3A_877 = arith.mulf %gather3A_863, %gather3A_876 : vector<16xf32>
      %add3A_878 = arith.addf %add3A_860, %mul3A_877 : vector<16xf32>
      %broadcast_in_dim3A_879 = arith.constant 20 : i32
      %broadcast_in_dim3A_880 = vector.broadcast %broadcast_in_dim3A_879 : i32 to vector<16xi32>
      %gather3A_881 = tpu.vector_load_idx %arg10[%add3A_492, %broadcast_in_dim3A_880] : memref<512x32xf32, #tpu.memory_space<vmem>>[vector<16xi32>, vector<16xi32>], vector<16xf32>,
      %gather3A_882 = tpu.vector_load_idx %arg11[%add3A_507, %broadcast_in_dim3A_880] : memref<2560x32xf32, #tpu.memory_space<vmem>>[vector<16xi32>, vector<16xi32>], vector<16xf32>,
      %mul3A_883 = arith.mulf %gather3A_881, %gather3A_882 : vector<16xf32>
      %add3A_884 = arith.addf %add3A_866, %mul3A_883 : vector<16xf32>
      %gather3A_885 = tpu.vector_load_idx %arg11[%add3A_510, %broadcast_in_dim3A_880] : memref<2560x32xf32, #tpu.memory_space<vmem>>[vector<16xi32>, vector<16xi32>], vector<16xf32>,
      %mul3A_886 = arith.mulf %gather3A_881, %gather3A_885 : vector<16xf32>
      %add3A_887 = arith.addf %add3A_869, %mul3A_886 : vector<16xf32>
      %gather3A_888 = tpu.vector_load_idx %arg11[%add3A_513, %broadcast_in_dim3A_880] : memref<2560x32xf32, #tpu.memory_space<vmem>>[vector<16xi32>, vector<16xi32>], vector<16xf32>,
      %mul3A_889 = arith.mulf %gather3A_881, %gather3A_888 : vector<16xf32>
      %add3A_890 = arith.addf %add3A_872, %mul3A_889 : vector<16xf32>
      %gather3A_891 = tpu.vector_load_idx %arg11[%add3A_516, %broadcast_in_dim3A_880] : memref<2560x32xf32, #tpu.memory_space<vmem>>[vector<16xi32>, vector<16xi32>], vector<16xf32>,
      %mul3A_892 = arith.mulf %gather3A_881, %gather3A_891 : vector<16xf32>
      %add3A_893 = arith.addf %add3A_875, %mul3A_892 : vector<16xf32>
      %gather3A_894 = tpu.vector_load_idx %arg11[%add3A_519, %broadcast_in_dim3A_880] : memref<2560x32xf32, #tpu.memory_space<vmem>>[vector<16xi32>, vector<16xi32>], vector<16xf32>,
      %mul3A_895 = arith.mulf %gather3A_881, %gather3A_894 : vector<16xf32>
      %add3A_896 = arith.addf %add3A_878, %mul3A_895 : vector<16xf32>
      %broadcast_in_dim3A_897 = arith.constant 21 : i32
      %broadcast_in_dim3A_898 = vector.broadcast %broadcast_in_dim3A_897 : i32 to vector<16xi32>
      %gather3A_899 = tpu.vector_load_idx %arg10[%add3A_492, %broadcast_in_dim3A_898] : memref<512x32xf32, #tpu.memory_space<vmem>>[vector<16xi32>, vector<16xi32>], vector<16xf32>,
      %gather3A_900 = tpu.vector_load_idx %arg11[%add3A_507, %broadcast_in_dim3A_898] : memref<2560x32xf32, #tpu.memory_space<vmem>>[vector<16xi32>, vector<16xi32>], vector<16xf32>,
      %mul3A_901 = arith.mulf %gather3A_899, %gather3A_900 : vector<16xf32>
      %add3A_902 = arith.addf %add3A_884, %mul3A_901 : vector<16xf32>
      %gather3A_903 = tpu.vector_load_idx %arg11[%add3A_510, %broadcast_in_dim3A_898] : memref<2560x32xf32, #tpu.memory_space<vmem>>[vector<16xi32>, vector<16xi32>], vector<16xf32>,
      %mul3A_904 = arith.mulf %gather3A_899, %gather3A_903 : vector<16xf32>
      %add3A_905 = arith.addf %add3A_887, %mul3A_904 : vector<16xf32>
      %gather3A_906 = tpu.vector_load_idx %arg11[%add3A_513, %broadcast_in_dim3A_898] : memref<2560x32xf32, #tpu.memory_space<vmem>>[vector<16xi32>, vector<16xi32>], vector<16xf32>,
      %mul3A_907 = arith.mulf %gather3A_899, %gather3A_906 : vector<16xf32>
      %add3A_908 = arith.addf %add3A_890, %mul3A_907 : vector<16xf32>
      %gather3A_909 = tpu.vector_load_idx %arg11[%add3A_516, %broadcast_in_dim3A_898] : memref<2560x32xf32, #tpu.memory_space<vmem>>[vector<16xi32>, vector<16xi32>], vector<16xf32>,
      %mul3A_910 = arith.mulf %gather3A_899, %gather3A_909 : vector<16xf32>
      %add3A_911 = arith.addf %add3A_893, %mul3A_910 : vector<16xf32>
      %gather3A_912 = tpu.vector_load_idx %arg11[%add3A_519, %broadcast_in_dim3A_898] : memref<2560x32xf32, #tpu.memory_space<vmem>>[vector<16xi32>, vector<16xi32>], vector<16xf32>,
      %mul3A_913 = arith.mulf %gather3A_899, %gather3A_912 : vector<16xf32>
      %add3A_914 = arith.addf %add3A_896, %mul3A_913 : vector<16xf32>
      %broadcast_in_dim3A_915 = arith.constant 22 : i32
      %broadcast_in_dim3A_916 = vector.broadcast %broadcast_in_dim3A_915 : i32 to vector<16xi32>
      %gather3A_917 = tpu.vector_load_idx %arg10[%add3A_492, %broadcast_in_dim3A_916] : memref<512x32xf32, #tpu.memory_space<vmem>>[vector<16xi32>, vector<16xi32>], vector<16xf32>,
      %gather3A_918 = tpu.vector_load_idx %arg11[%add3A_507, %broadcast_in_dim3A_916] : memref<2560x32xf32, #tpu.memory_space<vmem>>[vector<16xi32>, vector<16xi32>], vector<16xf32>,
      %mul3A_919 = arith.mulf %gather3A_917, %gather3A_918 : vector<16xf32>
      %add3A_920 = arith.addf %add3A_902, %mul3A_919 : vector<16xf32>
      %gather3A_921 = tpu.vector_load_idx %arg11[%add3A_510, %broadcast_in_dim3A_916] : memref<2560x32xf32, #tpu.memory_space<vmem>>[vector<16xi32>, vector<16xi32>], vector<16xf32>,
      %mul3A_922 = arith.mulf %gather3A_917, %gather3A_921 : vector<16xf32>
      %add3A_923 = arith.addf %add3A_905, %mul3A_922 : vector<16xf32>
      %gather3A_924 = tpu.vector_load_idx %arg11[%add3A_513, %broadcast_in_dim3A_916] : memref<2560x32xf32, #tpu.memory_space<vmem>>[vector<16xi32>, vector<16xi32>], vector<16xf32>,
      %mul3A_925 = arith.mulf %gather3A_917, %gather3A_924 : vector<16xf32>
      %add3A_926 = arith.addf %add3A_908, %mul3A_925 : vector<16xf32>
      %gather3A_927 = tpu.vector_load_idx %arg11[%add3A_516, %broadcast_in_dim3A_916] : memref<2560x32xf32, #tpu.memory_space<vmem>>[vector<16xi32>, vector<16xi32>], vector<16xf32>,
      %mul3A_928 = arith.mulf %gather3A_917, %gather3A_927 : vector<16xf32>
      %add3A_929 = arith.addf %add3A_911, %mul3A_928 : vector<16xf32>
      %gather3A_930 = tpu.vector_load_idx %arg11[%add3A_519, %broadcast_in_dim3A_916] : memref<2560x32xf32, #tpu.memory_space<vmem>>[vector<16xi32>, vector<16xi32>], vector<16xf32>,
      %mul3A_931 = arith.mulf %gather3A_917, %gather3A_930 : vector<16xf32>
      %add3A_932 = arith.addf %add3A_914, %mul3A_931 : vector<16xf32>
      %broadcast_in_dim3A_933 = arith.constant 23 : i32
      %broadcast_in_dim3A_934 = vector.broadcast %broadcast_in_dim3A_933 : i32 to vector<16xi32>
      %gather3A_935 = tpu.vector_load_idx %arg10[%add3A_492, %broadcast_in_dim3A_934] : memref<512x32xf32, #tpu.memory_space<vmem>>[vector<16xi32>, vector<16xi32>], vector<16xf32>,
      %gather3A_936 = tpu.vector_load_idx %arg11[%add3A_507, %broadcast_in_dim3A_934] : memref<2560x32xf32, #tpu.memory_space<vmem>>[vector<16xi32>, vector<16xi32>], vector<16xf32>,
      %mul3A_937 = arith.mulf %gather3A_935, %gather3A_936 : vector<16xf32>
      %add3A_938 = arith.addf %add3A_920, %mul3A_937 : vector<16xf32>
      %gather3A_939 = tpu.vector_load_idx %arg11[%add3A_510, %broadcast_in_dim3A_934] : memref<2560x32xf32, #tpu.memory_space<vmem>>[vector<16xi32>, vector<16xi32>], vector<16xf32>,
      %mul3A_940 = arith.mulf %gather3A_935, %gather3A_939 : vector<16xf32>
      %add3A_941 = arith.addf %add3A_923, %mul3A_940 : vector<16xf32>
      %gather3A_942 = tpu.vector_load_idx %arg11[%add3A_513, %broadcast_in_dim3A_934] : memref<2560x32xf32, #tpu.memory_space<vmem>>[vector<16xi32>, vector<16xi32>], vector<16xf32>,
      %mul3A_943 = arith.mulf %gather3A_935, %gather3A_942 : vector<16xf32>
      %add3A_944 = arith.addf %add3A_926, %mul3A_943 : vector<16xf32>
      %gather3A_945 = tpu.vector_load_idx %arg11[%add3A_516, %broadcast_in_dim3A_934] : memref<2560x32xf32, #tpu.memory_space<vmem>>[vector<16xi32>, vector<16xi32>], vector<16xf32>,
      %mul3A_946 = arith.mulf %gather3A_935, %gather3A_945 : vector<16xf32>
      %add3A_947 = arith.addf %add3A_929, %mul3A_946 : vector<16xf32>
      %gather3A_948 = tpu.vector_load_idx %arg11[%add3A_519, %broadcast_in_dim3A_934] : memref<2560x32xf32, #tpu.memory_space<vmem>>[vector<16xi32>, vector<16xi32>], vector<16xf32>,
      %mul3A_949 = arith.mulf %gather3A_935, %gather3A_948 : vector<16xf32>
      %add3A_950 = arith.addf %add3A_932, %mul3A_949 : vector<16xf32>
      %broadcast_in_dim3A_951 = arith.constant 24 : i32
      %broadcast_in_dim3A_952 = vector.broadcast %broadcast_in_dim3A_951 : i32 to vector<16xi32>
      %gather3A_953 = tpu.vector_load_idx %arg10[%add3A_492, %broadcast_in_dim3A_952] : memref<512x32xf32, #tpu.memory_space<vmem>>[vector<16xi32>, vector<16xi32>], vector<16xf32>,
      %gather3A_954 = tpu.vector_load_idx %arg11[%add3A_507, %broadcast_in_dim3A_952] : memref<2560x32xf32, #tpu.memory_space<vmem>>[vector<16xi32>, vector<16xi32>], vector<16xf32>,
      %mul3A_955 = arith.mulf %gather3A_953, %gather3A_954 : vector<16xf32>
      %add3A_956 = arith.addf %add3A_938, %mul3A_955 : vector<16xf32>
      %gather3A_957 = tpu.vector_load_idx %arg11[%add3A_510, %broadcast_in_dim3A_952] : memref<2560x32xf32, #tpu.memory_space<vmem>>[vector<16xi32>, vector<16xi32>], vector<16xf32>,
      %mul3A_958 = arith.mulf %gather3A_953, %gather3A_957 : vector<16xf32>
      %add3A_959 = arith.addf %add3A_941, %mul3A_958 : vector<16xf32>
      %gather3A_960 = tpu.vector_load_idx %arg11[%add3A_513, %broadcast_in_dim3A_952] : memref<2560x32xf32, #tpu.memory_space<vmem>>[vector<16xi32>, vector<16xi32>], vector<16xf32>,
      %mul3A_961 = arith.mulf %gather3A_953, %gather3A_960 : vector<16xf32>
      %add3A_962 = arith.addf %add3A_944, %mul3A_961 : vector<16xf32>
      %gather3A_963 = tpu.vector_load_idx %arg11[%add3A_516, %broadcast_in_dim3A_952] : memref<2560x32xf32, #tpu.memory_space<vmem>>[vector<16xi32>, vector<16xi32>], vector<16xf32>,
      %mul3A_964 = arith.mulf %gather3A_953, %gather3A_963 : vector<16xf32>
      %add3A_965 = arith.addf %add3A_947, %mul3A_964 : vector<16xf32>
      %gather3A_966 = tpu.vector_load_idx %arg11[%add3A_519, %broadcast_in_dim3A_952] : memref<2560x32xf32, #tpu.memory_space<vmem>>[vector<16xi32>, vector<16xi32>], vector<16xf32>,
      %mul3A_967 = arith.mulf %gather3A_953, %gather3A_966 : vector<16xf32>
      %add3A_968 = arith.addf %add3A_950, %mul3A_967 : vector<16xf32>
      %broadcast_in_dim3A_969 = arith.constant 25 : i32
      %broadcast_in_dim3A_970 = vector.broadcast %broadcast_in_dim3A_969 : i32 to vector<16xi32>
      %gather3A_971 = tpu.vector_load_idx %arg10[%add3A_492, %broadcast_in_dim3A_970] : memref<512x32xf32, #tpu.memory_space<vmem>>[vector<16xi32>, vector<16xi32>], vector<16xf32>,
      %gather3A_972 = tpu.vector_load_idx %arg11[%add3A_507, %broadcast_in_dim3A_970] : memref<2560x32xf32, #tpu.memory_space<vmem>>[vector<16xi32>, vector<16xi32>], vector<16xf32>,
      %mul3A_973 = arith.mulf %gather3A_971, %gather3A_972 : vector<16xf32>
      %add3A_974 = arith.addf %add3A_956, %mul3A_973 : vector<16xf32>
      %gather3A_975 = tpu.vector_load_idx %arg11[%add3A_510, %broadcast_in_dim3A_970] : memref<2560x32xf32, #tpu.memory_space<vmem>>[vector<16xi32>, vector<16xi32>], vector<16xf32>,
      %mul3A_976 = arith.mulf %gather3A_971, %gather3A_975 : vector<16xf32>
      %add3A_977 = arith.addf %add3A_959, %mul3A_976 : vector<16xf32>
      %gather3A_978 = tpu.vector_load_idx %arg11[%add3A_513, %broadcast_in_dim3A_970] : memref<2560x32xf32, #tpu.memory_space<vmem>>[vector<16xi32>, vector<16xi32>], vector<16xf32>,
      %mul3A_979 = arith.mulf %gather3A_971, %gather3A_978 : vector<16xf32>
      %add3A_980 = arith.addf %add3A_962, %mul3A_979 : vector<16xf32>
      %gather3A_981 = tpu.vector_load_idx %arg11[%add3A_516, %broadcast_in_dim3A_970] : memref<2560x32xf32, #tpu.memory_space<vmem>>[vector<16xi32>, vector<16xi32>], vector<16xf32>,
      %mul3A_982 = arith.mulf %gather3A_971, %gather3A_981 : vector<16xf32>
      %add3A_983 = arith.addf %add3A_965, %mul3A_982 : vector<16xf32>
      %gather3A_984 = tpu.vector_load_idx %arg11[%add3A_519, %broadcast_in_dim3A_970] : memref<2560x32xf32, #tpu.memory_space<vmem>>[vector<16xi32>, vector<16xi32>], vector<16xf32>,
      %mul3A_985 = arith.mulf %gather3A_971, %gather3A_984 : vector<16xf32>
      %add3A_986 = arith.addf %add3A_968, %mul3A_985 : vector<16xf32>
      %broadcast_in_dim3A_987 = arith.constant 26 : i32
      %broadcast_in_dim3A_988 = vector.broadcast %broadcast_in_dim3A_987 : i32 to vector<16xi32>
      %gather3A_989 = tpu.vector_load_idx %arg10[%add3A_492, %broadcast_in_dim3A_988] : memref<512x32xf32, #tpu.memory_space<vmem>>[vector<16xi32>, vector<16xi32>], vector<16xf32>,
      %gather3A_990 = tpu.vector_load_idx %arg11[%add3A_507, %broadcast_in_dim3A_988] : memref<2560x32xf32, #tpu.memory_space<vmem>>[vector<16xi32>, vector<16xi32>], vector<16xf32>,
      %mul3A_991 = arith.mulf %gather3A_989, %gather3A_990 : vector<16xf32>
      %add3A_992 = arith.addf %add3A_974, %mul3A_991 : vector<16xf32>
      %gather3A_993 = tpu.vector_load_idx %arg11[%add3A_510, %broadcast_in_dim3A_988] : memref<2560x32xf32, #tpu.memory_space<vmem>>[vector<16xi32>, vector<16xi32>], vector<16xf32>,
      %mul3A_994 = arith.mulf %gather3A_989, %gather3A_993 : vector<16xf32>
      %add3A_995 = arith.addf %add3A_977, %mul3A_994 : vector<16xf32>
      %gather3A_996 = tpu.vector_load_idx %arg11[%add3A_513, %broadcast_in_dim3A_988] : memref<2560x32xf32, #tpu.memory_space<vmem>>[vector<16xi32>, vector<16xi32>], vector<16xf32>,
      %mul3A_997 = arith.mulf %gather3A_989, %gather3A_996 : vector<16xf32>
      %add3A_998 = arith.addf %add3A_980, %mul3A_997 : vector<16xf32>
      %gather3A_999 = tpu.vector_load_idx %arg11[%add3A_516, %broadcast_in_dim3A_988] : memref<2560x32xf32, #tpu.memory_space<vmem>>[vector<16xi32>, vector<16xi32>], vector<16xf32>,
      %mul3A_1000 = arith.mulf %gather3A_989, %gather3A_999 : vector<16xf32>
      %add3A_1001 = arith.addf %add3A_983, %mul3A_1000 : vector<16xf32>
      %gather3A_1002 = tpu.vector_load_idx %arg11[%add3A_519, %broadcast_in_dim3A_988] : memref<2560x32xf32, #tpu.memory_space<vmem>>[vector<16xi32>, vector<16xi32>], vector<16xf32>,
      %mul3A_1003 = arith.mulf %gather3A_989, %gather3A_1002 : vector<16xf32>
      %add3A_1004 = arith.addf %add3A_986, %mul3A_1003 : vector<16xf32>
      %broadcast_in_dim3A_1005 = arith.constant 27 : i32
      %broadcast_in_dim3A_1006 = vector.broadcast %broadcast_in_dim3A_1005 : i32 to vector<16xi32>
      %gather3A_1007 = tpu.vector_load_idx %arg10[%add3A_492, %broadcast_in_dim3A_1006] : memref<512x32xf32, #tpu.memory_space<vmem>>[vector<16xi32>, vector<16xi32>], vector<16xf32>,
      %gather3A_1008 = tpu.vector_load_idx %arg11[%add3A_507, %broadcast_in_dim3A_1006] : memref<2560x32xf32, #tpu.memory_space<vmem>>[vector<16xi32>, vector<16xi32>], vector<16xf32>,
      %mul3A_1009 = arith.mulf %gather3A_1007, %gather3A_1008 : vector<16xf32>
      %add3A_1010 = arith.addf %add3A_992, %mul3A_1009 : vector<16xf32>
      %gather3A_1011 = tpu.vector_load_idx %arg11[%add3A_510, %broadcast_in_dim3A_1006] : memref<2560x32xf32, #tpu.memory_space<vmem>>[vector<16xi32>, vector<16xi32>], vector<16xf32>,
      %mul3A_1012 = arith.mulf %gather3A_1007, %gather3A_1011 : vector<16xf32>
      %add3A_1013 = arith.addf %add3A_995, %mul3A_1012 : vector<16xf32>
      %gather3A_1014 = tpu.vector_load_idx %arg11[%add3A_513, %broadcast_in_dim3A_1006] : memref<2560x32xf32, #tpu.memory_space<vmem>>[vector<16xi32>, vector<16xi32>], vector<16xf32>,
      %mul3A_1015 = arith.mulf %gather3A_1007, %gather3A_1014 : vector<16xf32>
      %add3A_1016 = arith.addf %add3A_998, %mul3A_1015 : vector<16xf32>
      %gather3A_1017 = tpu.vector_load_idx %arg11[%add3A_516, %broadcast_in_dim3A_1006] : memref<2560x32xf32, #tpu.memory_space<vmem>>[vector<16xi32>, vector<16xi32>], vector<16xf32>,
      %mul3A_1018 = arith.mulf %gather3A_1007, %gather3A_1017 : vector<16xf32>
      %add3A_1019 = arith.addf %add3A_1001, %mul3A_1018 : vector<16xf32>
      %gather3A_1020 = tpu.vector_load_idx %arg11[%add3A_519, %broadcast_in_dim3A_1006] : memref<2560x32xf32, #tpu.memory_space<vmem>>[vector<16xi32>, vector<16xi32>], vector<16xf32>,
      %mul3A_1021 = arith.mulf %gather3A_1007, %gather3A_1020 : vector<16xf32>
      %add3A_1022 = arith.addf %add3A_1004, %mul3A_1021 : vector<16xf32>
      %broadcast_in_dim3A_1023 = arith.constant 28 : i32
      %broadcast_in_dim3A_1024 = vector.broadcast %broadcast_in_dim3A_1023 : i32 to vector<16xi32>
      %gather3A_1025 = tpu.vector_load_idx %arg10[%add3A_492, %broadcast_in_dim3A_1024] : memref<512x32xf32, #tpu.memory_space<vmem>>[vector<16xi32>, vector<16xi32>], vector<16xf32>,
      %gather3A_1026 = tpu.vector_load_idx %arg11[%add3A_507, %broadcast_in_dim3A_1024] : memref<2560x32xf32, #tpu.memory_space<vmem>>[vector<16xi32>, vector<16xi32>], vector<16xf32>,
      %mul3A_1027 = arith.mulf %gather3A_1025, %gather3A_1026 : vector<16xf32>
      %add3A_1028 = arith.addf %add3A_1010, %mul3A_1027 : vector<16xf32>
      %gather3A_1029 = tpu.vector_load_idx %arg11[%add3A_510, %broadcast_in_dim3A_1024] : memref<2560x32xf32, #tpu.memory_space<vmem>>[vector<16xi32>, vector<16xi32>], vector<16xf32>,
      %mul3A_1030 = arith.mulf %gather3A_1025, %gather3A_1029 : vector<16xf32>
      %add3A_1031 = arith.addf %add3A_1013, %mul3A_1030 : vector<16xf32>
      %gather3A_1032 = tpu.vector_load_idx %arg11[%add3A_513, %broadcast_in_dim3A_1024] : memref<2560x32xf32, #tpu.memory_space<vmem>>[vector<16xi32>, vector<16xi32>], vector<16xf32>,
      %mul3A_1033 = arith.mulf %gather3A_1025, %gather3A_1032 : vector<16xf32>
      %add3A_1034 = arith.addf %add3A_1016, %mul3A_1033 : vector<16xf32>
      %gather3A_1035 = tpu.vector_load_idx %arg11[%add3A_516, %broadcast_in_dim3A_1024] : memref<2560x32xf32, #tpu.memory_space<vmem>>[vector<16xi32>, vector<16xi32>], vector<16xf32>,
      %mul3A_1036 = arith.mulf %gather3A_1025, %gather3A_1035 : vector<16xf32>
      %add3A_1037 = arith.addf %add3A_1019, %mul3A_1036 : vector<16xf32>
      %gather3A_1038 = tpu.vector_load_idx %arg11[%add3A_519, %broadcast_in_dim3A_1024] : memref<2560x32xf32, #tpu.memory_space<vmem>>[vector<16xi32>, vector<16xi32>], vector<16xf32>,
      %mul3A_1039 = arith.mulf %gather3A_1025, %gather3A_1038 : vector<16xf32>
      %add3A_1040 = arith.addf %add3A_1022, %mul3A_1039 : vector<16xf32>
      %broadcast_in_dim3A_1041 = arith.constant 29 : i32
      %broadcast_in_dim3A_1042 = vector.broadcast %broadcast_in_dim3A_1041 : i32 to vector<16xi32>
      %gather3A_1043 = tpu.vector_load_idx %arg10[%add3A_492, %broadcast_in_dim3A_1042] : memref<512x32xf32, #tpu.memory_space<vmem>>[vector<16xi32>, vector<16xi32>], vector<16xf32>,
      %gather3A_1044 = tpu.vector_load_idx %arg11[%add3A_507, %broadcast_in_dim3A_1042] : memref<2560x32xf32, #tpu.memory_space<vmem>>[vector<16xi32>, vector<16xi32>], vector<16xf32>,
      %mul3A_1045 = arith.mulf %gather3A_1043, %gather3A_1044 : vector<16xf32>
      %add3A_1046 = arith.addf %add3A_1028, %mul3A_1045 : vector<16xf32>
      %gather3A_1047 = tpu.vector_load_idx %arg11[%add3A_510, %broadcast_in_dim3A_1042] : memref<2560x32xf32, #tpu.memory_space<vmem>>[vector<16xi32>, vector<16xi32>], vector<16xf32>,
      %mul3A_1048 = arith.mulf %gather3A_1043, %gather3A_1047 : vector<16xf32>
      %add3A_1049 = arith.addf %add3A_1031, %mul3A_1048 : vector<16xf32>
      %gather3A_1050 = tpu.vector_load_idx %arg11[%add3A_513, %broadcast_in_dim3A_1042] : memref<2560x32xf32, #tpu.memory_space<vmem>>[vector<16xi32>, vector<16xi32>], vector<16xf32>,
      %mul3A_1051 = arith.mulf %gather3A_1043, %gather3A_1050 : vector<16xf32>
      %add3A_1052 = arith.addf %add3A_1034, %mul3A_1051 : vector<16xf32>
      %gather3A_1053 = tpu.vector_load_idx %arg11[%add3A_516, %broadcast_in_dim3A_1042] : memref<2560x32xf32, #tpu.memory_space<vmem>>[vector<16xi32>, vector<16xi32>], vector<16xf32>,
      %mul3A_1054 = arith.mulf %gather3A_1043, %gather3A_1053 : vector<16xf32>
      %add3A_1055 = arith.addf %add3A_1037, %mul3A_1054 : vector<16xf32>
      %gather3A_1056 = tpu.vector_load_idx %arg11[%add3A_519, %broadcast_in_dim3A_1042] : memref<2560x32xf32, #tpu.memory_space<vmem>>[vector<16xi32>, vector<16xi32>], vector<16xf32>,
      %mul3A_1057 = arith.mulf %gather3A_1043, %gather3A_1056 : vector<16xf32>
      %add3A_1058 = arith.addf %add3A_1040, %mul3A_1057 : vector<16xf32>
      %broadcast_in_dim3A_1059 = arith.constant 30 : i32
      %broadcast_in_dim3A_1060 = vector.broadcast %broadcast_in_dim3A_1059 : i32 to vector<16xi32>
      %gather3A_1061 = tpu.vector_load_idx %arg10[%add3A_492, %broadcast_in_dim3A_1060] : memref<512x32xf32, #tpu.memory_space<vmem>>[vector<16xi32>, vector<16xi32>], vector<16xf32>,
      %gather3A_1062 = tpu.vector_load_idx %arg11[%add3A_507, %broadcast_in_dim3A_1060] : memref<2560x32xf32, #tpu.memory_space<vmem>>[vector<16xi32>, vector<16xi32>], vector<16xf32>,
      %mul3A_1063 = arith.mulf %gather3A_1061, %gather3A_1062 : vector<16xf32>
      %add3A_1064 = arith.addf %add3A_1046, %mul3A_1063 : vector<16xf32>
      %gather3A_1065 = tpu.vector_load_idx %arg11[%add3A_510, %broadcast_in_dim3A_1060] : memref<2560x32xf32, #tpu.memory_space<vmem>>[vector<16xi32>, vector<16xi32>], vector<16xf32>,
      %mul3A_1066 = arith.mulf %gather3A_1061, %gather3A_1065 : vector<16xf32>
      %add3A_1067 = arith.addf %add3A_1049, %mul3A_1066 : vector<16xf32>
      %gather3A_1068 = tpu.vector_load_idx %arg11[%add3A_513, %broadcast_in_dim3A_1060] : memref<2560x32xf32, #tpu.memory_space<vmem>>[vector<16xi32>, vector<16xi32>], vector<16xf32>,
      %mul3A_1069 = arith.mulf %gather3A_1061, %gather3A_1068 : vector<16xf32>
      %add3A_1070 = arith.addf %add3A_1052, %mul3A_1069 : vector<16xf32>
      %gather3A_1071 = tpu.vector_load_idx %arg11[%add3A_516, %broadcast_in_dim3A_1060] : memref<2560x32xf32, #tpu.memory_space<vmem>>[vector<16xi32>, vector<16xi32>], vector<16xf32>,
      %mul3A_1072 = arith.mulf %gather3A_1061, %gather3A_1071 : vector<16xf32>
      %add3A_1073 = arith.addf %add3A_1055, %mul3A_1072 : vector<16xf32>
      %gather3A_1074 = tpu.vector_load_idx %arg11[%add3A_519, %broadcast_in_dim3A_1060] : memref<2560x32xf32, #tpu.memory_space<vmem>>[vector<16xi32>, vector<16xi32>], vector<16xf32>,
      %mul3A_1075 = arith.mulf %gather3A_1061, %gather3A_1074 : vector<16xf32>
      %add3A_1076 = arith.addf %add3A_1058, %mul3A_1075 : vector<16xf32>
      %broadcast_in_dim3A_1077 = arith.constant 31 : i32
      %broadcast_in_dim3A_1078 = vector.broadcast %broadcast_in_dim3A_1077 : i32 to vector<16xi32>
      %gather3A_1079 = tpu.vector_load_idx %arg10[%add3A_492, %broadcast_in_dim3A_1078] : memref<512x32xf32, #tpu.memory_space<vmem>>[vector<16xi32>, vector<16xi32>], vector<16xf32>,
      %gather3A_1080 = tpu.vector_load_idx %arg11[%add3A_507, %broadcast_in_dim3A_1078] : memref<2560x32xf32, #tpu.memory_space<vmem>>[vector<16xi32>, vector<16xi32>], vector<16xf32>,
      %mul3A_1081 = arith.mulf %gather3A_1079, %gather3A_1080 : vector<16xf32>
      %add3A_1082 = arith.addf %add3A_1064, %mul3A_1081 : vector<16xf32>
      %gather3A_1083 = tpu.vector_load_idx %arg11[%add3A_510, %broadcast_in_dim3A_1078] : memref<2560x32xf32, #tpu.memory_space<vmem>>[vector<16xi32>, vector<16xi32>], vector<16xf32>,
      %mul3A_1084 = arith.mulf %gather3A_1079, %gather3A_1083 : vector<16xf32>
      %add3A_1085 = arith.addf %add3A_1067, %mul3A_1084 : vector<16xf32>
      %gather3A_1086 = tpu.vector_load_idx %arg11[%add3A_513, %broadcast_in_dim3A_1078] : memref<2560x32xf32, #tpu.memory_space<vmem>>[vector<16xi32>, vector<16xi32>], vector<16xf32>,
      %mul3A_1087 = arith.mulf %gather3A_1079, %gather3A_1086 : vector<16xf32>
      %add3A_1088 = arith.addf %add3A_1070, %mul3A_1087 : vector<16xf32>
      %gather3A_1089 = tpu.vector_load_idx %arg11[%add3A_516, %broadcast_in_dim3A_1078] : memref<2560x32xf32, #tpu.memory_space<vmem>>[vector<16xi32>, vector<16xi32>], vector<16xf32>,
      %mul3A_1090 = arith.mulf %gather3A_1079, %gather3A_1089 : vector<16xf32>
      %add3A_1091 = arith.addf %add3A_1073, %mul3A_1090 : vector<16xf32>
      %gather3A_1092 = tpu.vector_load_idx %arg11[%add3A_519, %broadcast_in_dim3A_1078] : memref<2560x32xf32, #tpu.memory_space<vmem>>[vector<16xi32>, vector<16xi32>], vector<16xf32>,
      %mul3A_1093 = arith.mulf %gather3A_1079, %gather3A_1092 : vector<16xf32>
      %add3A_1094 = arith.addf %add3A_1076, %mul3A_1093 : vector<16xf32>
      %add3A_1095 = arith.constant 0 : i32
      %add3A_1096 = vector.broadcast %add3A_1095 : i32 to vector<16xi32>
      %add3A_1097 = arith.addi %mul3A_495, %add3A_1096 : vector<16xi32>
      %gather3A_1098 = tpu.vector_load_idx %arg9[%add3A_1097] : memref<2560xf32, #tpu.memory_space<vmem>>[vector<16xi32>], vector<16xf32>,
      %mul3A_1099 = arith.mulf %add3A_1082, %gather3A_1098 : vector<16xf32>
      tpu.vector_store_idx %arg12[%add3A_1097], %mul3A_1099 : memref<2560xf32, #tpu.memory_space<vmem>>[vector<16xi32>], vector<16xf32>,
      %add3A_1100 = arith.constant 1 : i32
      %add3A_1101 = vector.broadcast %add3A_1100 : i32 to vector<16xi32>
      %add3A_1102 = arith.addi %mul3A_495, %add3A_1101 : vector<16xi32>
      %gather3A_1103 = tpu.vector_load_idx %arg9[%add3A_1102] : memref<2560xf32, #tpu.memory_space<vmem>>[vector<16xi32>], vector<16xf32>,
      %mul3A_1104 = arith.mulf %add3A_1085, %gather3A_1103 : vector<16xf32>
      tpu.vector_store_idx %arg12[%add3A_1102], %mul3A_1104 : memref<2560xf32, #tpu.memory_space<vmem>>[vector<16xi32>], vector<16xf32>,
      %add3A_1105 = arith.constant 2 : i32
      %add3A_1106 = vector.broadcast %add3A_1105 : i32 to vector<16xi32>
      %add3A_1107 = arith.addi %mul3A_495, %add3A_1106 : vector<16xi32>
      %gather3A_1108 = tpu.vector_load_idx %arg9[%add3A_1107] : memref<2560xf32, #tpu.memory_space<vmem>>[vector<16xi32>], vector<16xf32>,
      %mul3A_1109 = arith.mulf %add3A_1088, %gather3A_1108 : vector<16xf32>
      tpu.vector_store_idx %arg12[%add3A_1107], %mul3A_1109 : memref<2560xf32, #tpu.memory_space<vmem>>[vector<16xi32>], vector<16xf32>,
      %add3A_1110 = arith.constant 3 : i32
      %add3A_1111 = vector.broadcast %add3A_1110 : i32 to vector<16xi32>
      %add3A_1112 = arith.addi %mul3A_495, %add3A_1111 : vector<16xi32>
      %gather3A_1113 = tpu.vector_load_idx %arg9[%add3A_1112] : memref<2560xf32, #tpu.memory_space<vmem>>[vector<16xi32>], vector<16xf32>,
      %mul3A_1114 = arith.mulf %add3A_1091, %gather3A_1113 : vector<16xf32>
      tpu.vector_store_idx %arg12[%add3A_1112], %mul3A_1114 : memref<2560xf32, #tpu.memory_space<vmem>>[vector<16xi32>], vector<16xf32>,
      %add3A_1115 = arith.constant 4 : i32
      %add3A_1116 = vector.broadcast %add3A_1115 : i32 to vector<16xi32>
      %add3A_1117 = arith.addi %mul3A_495, %add3A_1116 : vector<16xi32>
      %gather3A_1118 = tpu.vector_load_idx %arg9[%add3A_1117] : memref<2560xf32, #tpu.memory_space<vmem>>[vector<16xi32>], vector<16xf32>,
      %mul3A_1119 = arith.mulf %add3A_1094, %gather3A_1118 : vector<16xf32>
      tpu.vector_store_idx %arg12[%add3A_1117], %mul3A_1119 : memref<2560xf32, #tpu.memory_space<vmem>>[vector<16xi32>], vector<16xf32>,
    }
    %scan3A_485 = arith.constant 32 : i32
    %mul3A_486 = arith.constant 2560 : i32
    %mul3A_487 = arith.muli %add3A, %mul3A_486 : i32
    "tpu.region"() ({
      %run_scoped3A = tpu.sem_alloc : memref<!tpu.dma_semaphore, #tpu.memory_space<semaphore_mem>>
      %dma_start3A_488 = tpu.memref_slice %arg6[%mul3A_487] : memref<81920xf32, #tpu.memory_space<hbm>> -> memref<2560xf32, #tpu.memory_space<hbm>>
      %dma_start3A_489 = tpu.memref_slice %arg6[%mul3A_487] : memref<81920xf32, #tpu.memory_space<hbm>> -> memref<2560xf32, #tpu.memory_space<hbm>>
      tpu.enqueue_dma source(%arg12 : memref<2560xf32, #tpu.memory_space<vmem>>) target(%dma_start3A_489 : memref<2560xf32, #tpu.memory_space<hbm>>) target_semaphore(%run_scoped3A : memref<!tpu.dma_semaphore, #tpu.memory_space<semaphore_mem>>)
      %dma_wait3A_490 = tpu.memref_slice %arg6[%mul3A_487] : memref<81920xf32, #tpu.memory_space<hbm>> -> memref<2560xf32, #tpu.memory_space<hbm>>
      %dma_wait3A_491 = tpu.memref_slice %arg6[%mul3A_487] : memref<81920xf32, #tpu.memory_space<hbm>> -> memref<2560xf32, #tpu.memory_space<hbm>>
      tpu.wait_dma2 semaphore(%run_scoped3A : memref<!tpu.dma_semaphore, #tpu.memory_space<semaphore_mem>>) src(%arg12 : memref<2560xf32, #tpu.memory_space<vmem>>) dst(%dma_wait3A_491 : memref<2560xf32, #tpu.memory_space<hbm>>)
      tpu.yield
    }) : () -> ()
    return
  }
}

</mosaic_0001>

<sc_bundles>
// kernel: kernel.3.cloned.1.call-start
scs
__scs_entry_jumppad:
0x0: {  	(pc) =	sbr.rel $0x88, $3  }
0x1: {  	(tag) =	ssettag $0x0;
	lr =	simm.s32 $0x1  }
0x2: {  	[smem:$0x3F9C] =	sst lr;
	_ =	strace $0xD0000000  }
0x3: {  	_ = 	snop  }
0x4: {  	_ = 	snop  }
0x5: {  	_ = 	snop  }
0x6: {  	_ = 	snop  }
0x7: {  	_ = 	snop  }
__scs_overlays_trampoline_lowered:
0x8: {  	[smem:$0x3FAB] =	sst s0  }
0x9: {  	[smem:$0x3FAC] =	sst s1  }
0xa: {  	[smem:$0x3FAD] =	sst s2  }
0xb: {  	[smem:$0x3FAE] =	sst s3  }
0xc: {  	[smem:$0x3FAF] =	sst s4  }
0xd: {  	[smem:$0x3FB0] =	sst s5  }
0xe: {  	[smem:$0x3FB1] =	sst s6  }
0xf: {  	[smem:$0x3FB2] =	sst s7  }
0x10: {  	[smem:$0x3FB3] =	sst s8  }
0x11: {  	[smem:$0x3FB4] =	sst s9;
	s0 =	simm.s32 @!p0 $0x0  }
0x12: {  	s1 =	sld [smem:$0x3F9A];
	s0 =	simm.s32 @p0 $0x1  }
0x13: {  	[smem:$0x3FB5] =	sst s0;
	s0 =	simm.s32 @!p1 $0x0  }
0x14: {  	s2 =	sld [smem:$0x3F99];
	s0 =	simm.s32 @p1 $0x1  }
0x15: {  	[smem:$0x3FB6] =	sst s0;
	s0 =	simm.s32 @!p2 $0x0  }
0x16: {  	s3 =	sld [smem:$0x3FDB];
	s0 =	simm.s32 @p2 $0x1  }
0x17: {  	s4 =	simm.s32 $0x1BF5;
	[smem:$0x3FB8] =	sst s0  }
0x18: {  	s0 =	sld [smem:$0x3F9B];
	_ =	swait.ge [sflag:s4], $0x0  }
0x19: {  	s7 =	sld [smem:$0x3F9C]  }
0x1a: {  	s8 =	sadd.s32 $0xFFFFE003, lr  }
0x1b: {  	s9 =	sadd.s32 $0xFFFFFEF7, lr;
	s5 =	simm.s32 $0xFFFFFFFF;
	p2 =	slt.u32 s8, $0xFFFFF086  }
0x1c: {  	p1 =	slt.u32 s9, $0xF7A;
	s5 =	simm.s32 @!p2 $0x0  }
0x1d: {  	s5 =	simm.s32 @p1 $0x1;
	p0 =	seq.s32 s7, s2  }
0x1e: {  	s7 =	smul.u32 @!p0 $0xF7A, s2;
	p2 =	seq.s32 @!p0 s5, $0x0  }
0x1f: {  	s9 =	smul.u32 $0xF7A, s1;
	s8 =	simm.s32 @!p0 $0x1BF5;
	p2 =	por !p2, p0  }
0x20: {  	[sflag:s8] =	ssyncset.s32 @!p0 $0xFFFFF086;
	s6 =	sadd.s32 @!p0 s3, s7;
	s7 =	simm.s32 @!p0 $0x108  }
0x21: {  	s3 =	sadd.s32 s3, s9;
	s6 =	sadd.s32 @!p0 $0x88, s6;
	s7 =	simm.s32 @p2 $0x1082  }
0x22: {  	[simem:s7], [sflag:s8] =	dma.local @!p0 [hbm:s6], $0xF7A  }
0x23: {  	s9 =	sor.u32 $0xD0000000, s2;
	s6 =	simm.s32 $0x108;
	_ =	swait.ge @!p0 [sflag:s8], $0x0  }
0x24: {  	s3 =	sadd.s32 $0x88, s3;
	s6 =	simm.s32 @!p1 $0x1082;
	[sflag:s4] =	ssyncset.s32 $0xFFFFF086  }
0x25: {  	[simem:s6], [sflag:s4] =	dma.local [hbm:s3], $0xF7A  }
0x26: {  	[smem:$0x3F9C] =	sst s1;
	(tag) =	ssettag s2;
	_ =	strace s9  }
0x27: {  	s1 =	sld [smem:$0x3FAC]  }
0x28: {  	s2 =	sld [smem:$0x3FAD]  }
0x29: {  	s4 =	sld [smem:$0x3FAF]  }
0x2a: {  	p0 =	seq.s32 s5, $0x0;
	s5 =	sld [smem:$0x3FB0]  }
0x2b: {  	s6 =	sld [smem:$0x3FB1]  }
0x2c: {  	s7 =	sld [smem:$0x3FB2]  }
0x2d: {  	s3 =	simm.s32 $0x108;
	s8 =	sld [smem:$0x3FB3]  }
0x2e: {  	s3 =	simm.s32 @!p0 $0x1082;
	s9 =	sld [smem:$0x3FB4]  }
0x2f: {  	lr =	sadd.s32 s0, s3;
	s0 =	sld [smem:$0x3FAB]  }
0x30: {  	s3 =	sld [smem:$0x3FAE]  }
0x31: {  	[smem:$0x3FB7] =	sst s10  }
0x32: {  	s10 =	sld [smem:$0x3FB5];
	_ =	sdelay $0x3  }
0x33: {  	p0 =	seq.s32 s10, $0x1;
	s10 =	sld [smem:$0x3FB7];
	_ =	sdelay $0x3  }
0x34: {  	[smem:$0x3FB7] =	sst s10  }
0x35: {  	s10 =	sld [smem:$0x3FB6];
	_ =	sdelay $0x3  }
0x36: {  	p1 =	seq.s32 s10, $0x1;
	s10 =	sld [smem:$0x3FB7];
	_ =	sdelay $0x3  }
0x37: {  	[smem:$0x3FB7] =	sst s10  }
0x38: {  	s10 =	sld [smem:$0x3FB8]  }
0x39: {  	_ = 	snop;
	(pc) =	sbr.ind lr, $3  }
0x3a: {  	_ = 	snop  }
0x3b: {  	_ = 	snop  }
0x3c: {  	p2 =	seq.s32 s10, $0x1;
	s10 =	sld [smem:$0x3FB7]  }
0x3d: {  	_ =	shalt  }
0x3e: {  	_ =	shalt  }
0x3f: {  	_ =	shalt  }
0x40: {  	_ =	shalt  }
0x41: {  	_ =	shalt  }
0x42: {  	_ =	shalt  }
0x43: {  	_ =	shalt  }
0x44: {  	_ =	shalt  }
0x45: {  	_ =	shalt  }
0x46: {  	_ =	shalt  }
0x47: {  	_ =	shalt  }
0x48: {  	_ =	shalt  }
0x49: {  	_ =	shalt  }
0x4a: {  	_ =	shalt  }
0x4b: {  	_ =	shalt  }
0x4c: {  	_ =	shalt  }
0x4d: {  	_ =	shalt  }
0x4e: {  	_ =	shalt  }
0x4f: {  	_ =	shalt  }
0x50: {  	_ =	shalt  }
0x51: {  	_ =	shalt  }
0x52: {  	_ =	shalt  }
0x53: {  	_ =	shalt  }
0x54: {  	_ =	shalt  }
0x55: {  	_ =	shalt  }
0x56: {  	_ =	shalt  }
0x57: {  	_ =	shalt  }
0x58: {  	_ =	shalt  }
0x59: {  	_ =	shalt  }
0x5a: {  	_ =	shalt  }
0x5b: {  	_ =	shalt  }
0x5c: {  	_ =	shalt  }
0x5d: {  	_ =	shalt  }
0x5e: {  	_ =	shalt  }
0x5f: {  	_ =	shalt  }
0x60: {  	_ =	shalt  }
0x61: {  	_ =	shalt  }
0x62: {  	_ =	shalt  }
0x63: {  	_ =	shalt  }
0x64: {  	_ =	shalt  }
0x65: {  	_ =	shalt  }
0x66: {  	_ =	shalt  }
0x67: {  	_ =	shalt  }
0x68: {  	_ =	shalt  }
0x69: {  	_ =	shalt  }
0x6a: {  	_ =	shalt  }
0x6b: {  	_ =	shalt  }
0x6c: {  	_ =	shalt  }
0x6d: {  	_ =	shalt  }
0x6e: {  	_ =	shalt  }
0x6f: {  	_ =	shalt  }
0x70: {  	_ =	shalt  }
0x71: {  	_ =	shalt  }
0x72: {  	_ =	shalt  }
0x73: {  	_ =	shalt  }
0x74: {  	_ =	shalt  }
0x75: {  	_ =	shalt  }
0x76: {  	_ =	shalt  }
0x77: {  	_ =	shalt  }
0x78: {  	_ =	shalt  }
0x79: {  	_ =	shalt  }
0x7a: {  	_ =	shalt  }
0x7b: {  	_ =	shalt  }
0x7c: {  	_ =	shalt  }
0x7d: {  	_ =	shalt  }
0x7e: {  	_ =	shalt  }
0x7f: {  	_ =	shalt  }
0x80: {  	_ =	shalt  }
0x81: {  	_ =	shalt  }
0x82: {  	_ =	shalt  }
0x83: {  	_ =	shalt  }
0x84: {  	_ =	shalt  }
0x85: {  	_ =	shalt  }
0x86: {  	_ =	shalt  }
0x87: {  	_ =	shalt  }
.Lfunc_end0:
.L_simem_size_0:
called_computation.1_lowered:
.L_overlay_start_0:
0x88: {  	s2 =	sld [smem:$0x3FD9]  }
0x89: {  	s3 =	sld [smem:$0x3FFE];
	_ =	sdelay $0x1  }
0x8a: {  	s1 =	srdreg.scid  }
0x8b: {  	s0 =	sand.u32 $0x1, s1  }
0x8c: {  	s17 =	sshll.u32 s0, $0xA;
	s2 =	sadd.s32 s3, s2  }
0x8d: {  	s2 =	sadd.s32 s2, s17  }
0x8e: {  	[smem:$0x3FC3] =	sst s2  }
0x8f: {  	_ = 	snop  }
0x90: {  	s2 =	sld [smem:$0x3FC9]  }
0x91: {  	s18 =	sld [smem:$0x3FD0];
	(tm) =	ssettm $0x1  }
0x92: {  	s4 =	sld [smem:$0x3FFB];
	_ =	sdelay $0x3  }
0x93: {  	_ =	strace s4  }
0x94: {  	s4 =	sld [smem:$0x3FFC];
	_ =	sdelay $0x3  }
0x95: {  	_ =	strace s4  }
0x96: {  	s4 =	sld [smem:$0x3FFD];
	_ =	sdelay $0x3  }
0x97: {  	_ =	strace s4  }
0x98: {  	_ =	strace $0x8FFFFFFF  }
0x99: {  	s19 =	sld [smem:$0x3FDB];
	_ =	sdelay $0x1  }
0x9a: {  	s5 =	simm.s32 $_scs_section_size  }
0x9b: {  	s6 =	simm.s32 $_size__tile_overlayer_lowered;
	s7 =	simm.s32 $_tile_overlayer_lowered  }
0x9c: {  	s22 =	simm.s32 $0x1BFF;
	s21 =	sshll.u32 s7, $0x1;
	s4 =	sadd.s32 s5, s19  }
0x9d: {  	s8 =	simm.s32 $0x0;
	s20 =	sshll.u32 s6, $0x1;
	s6 =	sadd.s32 s21, s4  }
0x9e: {  	[timem:s8], [sflag:s22] =	dma.local [hbm:s6], s20  }
0x9f: {  	_ =	swait.ge [sflag:s22], s20  }
0xa0: {  	s5 =	ssub.s32 $0x0, s20;
	[sflag:s22] =	ssyncset.done $0x0  }
0xa1: {  	[sflag:s22] =	ssyncadd.s32 s5;
	_ =	sdelay $0x1  }
0xa2: {  	s23 =	simm.s32 $0x1B8B  }
0xa3: {  	_ =	swait.ge [sflag:s23], $0x1  }
0xa4: {  	[sflag:s23] =	ssyncset.done $0x0  }
0xa5: {  	s25 =	simm.s32 $0x1B8E;
	s24 =	sld [smem:$0x3FFE];
	[sflag:s23] =	ssyncadd.s32 $0xFFFFFFFF  }
0xa6: {  	s26 =	simm.s32 $execute0_lowered;
	[smem:$0x3FD2] =	sst s25  }
0xa7: {  	s6 =	sshll.u32 s26, $0x1;
	_ =	strace $0x80000049;
	[dreg:$0x1] =	wrdreg $0xFFFFFFFF  }
0xa8: {  	s28 =	simm.s32 $_size_execute0_lowered;
	s4 =	sadd.s32 s4, s6;
	[dreg:$0x0] =	wrdreg $0x0  }
0xa9: {  	s6 =	sshll.u32 s28, $0x1;
	[dreg:$0x2] =	wrdreg s4  }
0xaa: {  	[dreg:$0x3] =	wrdreg s6  }
0xab: {  	[dreg:$0x4] =	wrdreg $0xC0  }
0xac: {  	_ =	task [dreg:s8], $0x5FFFF  }
0xad: {  	[dreg:$0x1] =	wrdreg $0xFFFFFFFF  }
0xae: {  	[dreg:$0x0] =	wrdreg $0x60  }
0xaf: {  	[dreg:$0x2] =	wrdreg s2  }
0xb0: {  	[dreg:$0x3] =	wrdreg s18  }
0xb1: {  	[dreg:$0x4] =	wrdreg s24  }
0xb2: {  	[dreg:$0x5] =	wrdreg $0x9  }
0xb3: {  	_ =	task.clear_ibuf [dreg:s8], $0x6FFFF;
	_ =	strace $0x90000049  }
0xb4: {  	s29 =	simm.s32 $0x9;
	_ =	strace $0x8000004B  }
0xb5: {  	_ =	swait.ge [sflag:s29], $0x1  }
0xb6: {  	[sflag:s29] =	ssyncadd.s32 $0xFFFFFFFF  }
0xb7: {  	_ =	strace $0x9000004B  }
0xb8: {  	_ =	sfence  }
0xb9: {  	s30 =	sld [smem:$0x0];
	_ =	sdelay $0x2  }
0xba: {  	s31 =	sshll.u32 s1, $0xD;
	s1 =	sshrl.u32 s1, $0x2  }
0xbb: {  	s3 =	sand.u32 $0x4000, s31;
	s1 =	sadd.s32 s1, s30  }
0xbc: {  	s0 =	sor.u32 s3, s0;
	s1 =	sshll.u32 s1, $0x11  }
0xbd: {  	s0 =	sor.u32 s1, s0  }
0xbe: {  	s0 =	sadd.s32 $0x8F2B, s0  }
0xbf: {  	[sflag:s0] =	ssyncadd.remote.s32 $0x1  }
0xc0: {  	_ =	sfence.sel $0xFFFF  }
0xc1: {  	[dreg:$0x0] =	wrdreg $0xFFFFFFFF;
	(pc) =	sbr.abs _section_cstart, $3  }
0xc2: {  	[dreg:$0x1] =	wrdreg $0xFFFFFFFF  }
0xc3: {  	_ =	task.clear_ibuf [dreg:s8], $0x2FFFF;
	_ =	strace $0x9FFFFFFF  }
0xc4: {  	(tm) =	ssettm $0x7FFFFFFF  }
0xc5: {  	_ =	shalt  }
tec
execute0_lowered:
.L_overlay_start_1:
0x0: {  	(tag) =	ssettag $0x1  }
0x1: {  	s0 =	rddreg [dreg:$0x0]  }
0x2: {  	s1 =	rddreg [dreg:$0x1];
	s2 =	srdreg.scid  }
0x3: {  	s5 =	stileid.u32;
	s4 =	rddreg [dreg:$0x2];
	s10 =	simm.s32 $0x200  }
0x4: {  	s11 =	simm.s32 $0xC00;
	s12 =	simm.s32 $0x80;
	s13 =	simm.s32 $0x1600  }
0x5: {  	s19 =	simm.s32 $0x5600;
	s28 =	simm.s32 $0x12600;
	s29 =	simm.s32 $0x900  }
0x6: {  	s30 =	simm.s32 $0x13600;
	s31 =	simm.s32 $0x980;
	s14 =	simm.s32 $0x15600  }
0x7: {  	s15 =	simm.s32 $0xA80;
	s16 =	simm.s32 $0x16600;
	s17 =	simm.s32 $0xB00  }
0x8: {  	s18 =	simm.s32 $0x17600;
	s20 =	simm.s32 $0xB80;
	s21 =	simm.s32 $0x18600  }
0x9: {  	s22 =	simm.s32 $0x1;
	s23 =	simm.s32 $0x19600;
	s24 =	simm.s32 $0x0  }
0xa: {  	s3 =	sand.u32 $0x1, s2;
	s5 =	sshll.u32 s5, $0x1;
	s2 =	simm.s32 $0x0  }
0xb: {  	s5 =	sor.u32 s3, s5;
	[smem:$0x7FF] =	sst s2;
	s7 =	ssub.s32 $0x2, s3  }
0xc: {  	s3 =	sadd.s32 $0xC00, s4;
	s6 =	smul.u32 $0x140, s5;
	s8 =	sshrl.u32 s7, $0x1  }
0xd: {  	_ =	strace $0x8000004A;
	s26 =	sshll.u32 s5, $0x6;
	s8 =	ssub.s32 s7, s8  }
0xe: {  	s9 =	sadd.s32 s6, s4;
	s4 =	sadd.s32 s0, s26;
	s5 =	sadd.s32 s1, s6  }
0xf: {  	s8 =	smax.u32 s8, $0x1;
	s1 =	simm.s32 $0x14600;
	s0 =	simm.s32 $0xA00  }
0x10: {  	s6 =	sadd.s32 $0x2626600, s9;
	s7 =	sadd.s32 $0x7A1E00, s9;
	s9 =	simm.s32 $0x2  }
.LBB2_1:
0x11: {  	[tilespmem:s2], [sflag:$0x2] =	stream.linear.gather [hbm4b:s4+s2], $0x200, $0x38;
	[tilespmem:$0x1A000] =	vst v63  }
0x12: {  	_ =	swait.ge [sflag:s9], $0x200  }
0x13: {  	[sflag:s9] =	ssyncset.done $0x0  }
0x14: {  	[sflag:s9] =	ssyncadd.s32 $0xFFFFFE00  }
0x15: {  	[tilespmem:s10], [sflag:$0x2] =	stream.linear.gather [hbm4b:s5+s2], $0xA00, $0x38;
	[tilespmem:$0x1A000] =	vst v63  }
0x16: {  	_ =	swait.ge [sflag:s9], $0xA00  }
0x17: {  	[sflag:s9] =	ssyncset.done $0x0  }
0x18: {  	[sflag:s9] =	ssyncadd.s32 $0xFFFFF600  }
0x19: {  	[tilespmem:s11], [sflag:$0x2] =	stream.linear.gather [hbm4b:s6+s2], $0xA00, $0x38;
	[tilespmem:$0x1A000] =	vst v63  }
0x1a: {  	_ =	swait.ge [sflag:s9], $0xA00  }
0x1b: {  	[sflag:s9] =	ssyncset.done $0x0  }
0x1c: {  	[sflag:s9] =	ssyncadd.s32 $0xFFFFF600  }
0x1d: {  	[tilespmem:s13], [sflag:$0x1] =	stream.indirect.gather [hbm4b:s3+s12], $0x20, s2, s12, $0xb8;
	[tilespmem:$0x1A000] =	vst v63  }
0x1e: {  	s25 =	simm.s32 $0x2600  }
0x1f: {  	[tilespmem:s25], [sflag:$0x1] =	stream.indirect.gather [hbm4b:s3+s12], $0x20, s12, s12, $0xb8;
	[tilespmem:$0x1A000] =	vst v63  }
0x20: {  	s26 =	simm.s32 $0x3600;
	s25 =	simm.s32 $0x100  }
0x21: {  	[tilespmem:s26], [sflag:$0x1] =	stream.indirect.gather [hbm4b:s3+s12], $0x20, s25, s12, $0xb8;
	[tilespmem:$0x1A000] =	vst v63  }
0x22: {  	s25 =	simm.s32 $0x180;
	s26 =	simm.s32 $0x4600  }
0x23: {  	[tilespmem:s26], [sflag:$0x1] =	stream.indirect.gather [hbm4b:s3+s12], $0x20, s25, s12, $0xb8;
	[tilespmem:$0x1A000] =	vst v63  }
0x24: {  	_ = 	snop  }
0x25: {  	[tilespmem:s19], [sflag:$0x1] =	stream.indirect.gather [hbm4b:s3+s12], $0x20, s10, s12, $0xb8;
	[tilespmem:$0x1A000] =	vst v63  }
0x26: {  	s25 =	simm.s32 $0x280;
	s26 =	simm.s32 $0x6600  }
0x27: {  	[tilespmem:s26], [sflag:$0x1] =	stream.indirect.gather [hbm4b:s3+s12], $0x20, s25, s12, $0xb8;
	[tilespmem:$0x1A000] =	vst v63  }
0x28: {  	s25 =	simm.s32 $0x300;
	s26 =	simm.s32 $0x7600  }
0x29: {  	[tilespmem:s26], [sflag:$0x1] =	stream.indirect.gather [hbm4b:s3+s12], $0x20, s25, s12, $0xb8;
	[tilespmem:$0x1A000] =	vst v63  }
0x2a: {  	s25 =	simm.s32 $0x380;
	s26 =	simm.s32 $0x8600  }
0x2b: {  	[tilespmem:s26], [sflag:$0x1] =	stream.indirect.gather [hbm4b:s3+s12], $0x20, s25, s12, $0xb8;
	[tilespmem:$0x1A000] =	vst v63  }
0x2c: {  	s25 =	simm.s32 $0x400;
	s26 =	simm.s32 $0x9600  }
0x2d: {  	[tilespmem:s26], [sflag:$0x1] =	stream.indirect.gather [hbm4b:s3+s12], $0x20, s25, s12, $0xb8;
	[tilespmem:$0x1A000] =	vst v63  }
0x2e: {  	s25 =	simm.s32 $0x480;
	s26 =	simm.s32 $0xA600  }
0x2f: {  	[tilespmem:s26], [sflag:$0x1] =	stream.indirect.gather [hbm4b:s3+s12], $0x20, s25, s12, $0xb8;
	[tilespmem:$0x1A000] =	vst v63  }
0x30: {  	s25 =	simm.s32 $0x500;
	s26 =	simm.s32 $0xB600  }
0x31: {  	[tilespmem:s26], [sflag:$0x1] =	stream.indirect.gather [hbm4b:s3+s12], $0x20, s25, s12, $0xb8;
	[tilespmem:$0x1A000] =	vst v63  }
0x32: {  	s25 =	simm.s32 $0x580;
	s26 =	simm.s32 $0xC600  }
0x33: {  	[tilespmem:s26], [sflag:$0x1] =	stream.indirect.gather [hbm4b:s3+s12], $0x20, s25, s12, $0xb8;
	[tilespmem:$0x1A000] =	vst v63  }
0x34: {  	s25 =	simm.s32 $0x600;
	s26 =	simm.s32 $0xD600  }
0x35: {  	[tilespmem:s26], [sflag:$0x1] =	stream.indirect.gather [hbm4b:s3+s12], $0x20, s25, s12, $0xb8;
	[tilespmem:$0x1A000] =	vst v63  }
0x36: {  	s25 =	simm.s32 $0x680;
	s26 =	simm.s32 $0xE600  }
0x37: {  	[tilespmem:s26], [sflag:$0x1] =	stream.indirect.gather [hbm4b:s3+s12], $0x20, s25, s12, $0xb8;
	[tilespmem:$0x1A000] =	vst v63  }
0x38: {  	s25 =	simm.s32 $0x700;
	s26 =	simm.s32 $0xF600  }
0x39: {  	[tilespmem:s26], [sflag:$0x1] =	stream.indirect.gather [hbm4b:s3+s12], $0x20, s25, s12, $0xb8;
	[tilespmem:$0x1A000] =	vst v63  }
0x3a: {  	s25 =	simm.s32 $0x780;
	s26 =	simm.s32 $0x10600  }
0x3b: {  	[tilespmem:s26], [sflag:$0x1] =	stream.indirect.gather [hbm4b:s3+s12], $0x20, s25, s12, $0xb8;
	[tilespmem:$0x1A000] =	vst v63  }
0x3c: {  	s25 =	simm.s32 $0x800;
	s26 =	simm.s32 $0x11600  }
0x3d: {  	[tilespmem:s26], [sflag:$0x1] =	stream.indirect.gather [hbm4b:s3+s12], $0x20, s25, s12, $0xb8;
	[tilespmem:$0x1A000] =	vst v63  }
0x3e: {  	s26 =	simm.s32 $0x880  }
0x3f: {  	[tilespmem:s28], [sflag:$0x1] =	stream.indirect.gather [hbm4b:s3+s12], $0x20, s26, s12, $0xb8;
	[tilespmem:$0x1A000] =	vst v63  }
0x40: {  	_ = 	snop  }
0x41: {  	[tilespmem:s30], [sflag:$0x1] =	stream.indirect.gather [hbm4b:s3+s12], $0x20, s29, s12, $0xb8;
	[tilespmem:$0x1A000] =	vst v63  }
0x42: {  	_ = 	snop  }
0x43: {  	[tilespmem:s1], [sflag:$0x1] =	stream.indirect.gather [hbm4b:s3+s12], $0x20, s31, s12, $0xb8;
	[tilespmem:$0x1A000] =	vst v63  }
0x44: {  	_ = 	snop  }
0x45: {  	[tilespmem:s14], [sflag:$0x1] =	stream.indirect.gather [hbm4b:s3+s12], $0x20, s0, s12, $0xb8;
	[tilespmem:$0x1A000] =	vst v63  }
0x46: {  	_ = 	snop  }
0x47: {  	[tilespmem:s16], [sflag:$0x1] =	stream.indirect.gather [hbm4b:s3+s12], $0x20, s15, s12, $0xb8;
	[tilespmem:$0x1A000] =	vst v63  }
0x48: {  	_ = 	snop  }
0x49: {  	[tilespmem:s18], [sflag:$0x1] =	stream.indirect.gather [hbm4b:s3+s12], $0x20, s17, s12, $0xb8;
	[tilespmem:$0x1A000] =	vst v63  }
0x4a: {  	_ = 	snop  }
0x4b: {  	[tilespmem:s21], [sflag:$0x1] =	stream.indirect.gather [hbm4b:s3+s12], $0x20, s20, s12, $0xb8;
	[tilespmem:$0x1A000] =	vst v63  }
0x4c: {  	_ =	swait.ge [sflag:s22], $0x1000  }
0x4d: {  	[sflag:s22] =	ssyncset.done $0x0  }
0x4e: {  	[sflag:s22] =	ssyncadd.s32 $0xFFFFF000  }
0x4f: {  	_ =	swait.ge [sflag:s22], $0x1000  }
0x50: {  	[sflag:s22] =	ssyncset.done $0x0  }
0x51: {  	[sflag:s22] =	ssyncadd.s32 $0xFFFFF000  }
0x52: {  	_ =	swait.ge [sflag:s22], $0x1000  }
0x53: {  	[sflag:s22] =	ssyncset.done $0x0  }
0x54: {  	[sflag:s22] =	ssyncadd.s32 $0xFFFFF000  }
0x55: {  	_ =	swait.ge [sflag:s22], $0x1000  }
0x56: {  	[sflag:s22] =	ssyncset.done $0x0  }
0x57: {  	[sflag:s22] =	ssyncadd.s32 $0xFFFFF000  }
0x58: {  	_ =	swait.ge [sflag:s22], $0x1000  }
0x59: {  	[sflag:s22] =	ssyncset.done $0x0  }
0x5a: {  	[sflag:s22] =	ssyncadd.s32 $0xFFFFF000  }
0x5b: {  	_ =	swait.ge [sflag:s22], $0x1000  }
0x5c: {  	[sflag:s22] =	ssyncset.done $0x0  }
0x5d: {  	[sflag:s22] =	ssyncadd.s32 $0xFFFFF000  }
0x5e: {  	_ =	swait.ge [sflag:s22], $0x1000  }
0x5f: {  	[sflag:s22] =	ssyncset.done $0x0  }
0x60: {  	[sflag:s22] =	ssyncadd.s32 $0xFFFFF000  }
0x61: {  	_ =	swait.ge [sflag:s22], $0x1000  }
0x62: {  	[sflag:s22] =	ssyncset.done $0x0  }
0x63: {  	[sflag:s22] =	ssyncadd.s32 $0xFFFFF000  }
0x64: {  	_ =	swait.ge [sflag:s22], $0x1000  }
0x65: {  	[sflag:s22] =	ssyncset.done $0x0  }
0x66: {  	[sflag:s22] =	ssyncadd.s32 $0xFFFFF000  }
0x67: {  	_ =	swait.ge [sflag:s22], $0x1000  }
0x68: {  	[sflag:s22] =	ssyncset.done $0x0  }
0x69: {  	[sflag:s22] =	ssyncadd.s32 $0xFFFFF000  }
0x6a: {  	_ =	swait.ge [sflag:s22], $0x1000  }
0x6b: {  	[sflag:s22] =	ssyncset.done $0x0  }
0x6c: {  	[sflag:s22] =	ssyncadd.s32 $0xFFFFF000  }
0x6d: {  	_ =	swait.ge [sflag:s22], $0x1000  }
0x6e: {  	[sflag:s22] =	ssyncset.done $0x0  }
0x6f: {  	[sflag:s22] =	ssyncadd.s32 $0xFFFFF000  }
0x70: {  	_ =	swait.ge [sflag:s22], $0x1000  }
0x71: {  	[sflag:s22] =	ssyncset.done $0x0  }
0x72: {  	[sflag:s22] =	ssyncadd.s32 $0xFFFFF000  }
0x73: {  	_ =	swait.ge [sflag:s22], $0x1000  }
0x74: {  	[sflag:s22] =	ssyncset.done $0x0  }
0x75: {  	[sflag:s22] =	ssyncadd.s32 $0xFFFFF000  }
0x76: {  	_ =	swait.ge [sflag:s22], $0x1000  }
0x77: {  	[sflag:s22] =	ssyncset.done $0x0  }
0x78: {  	[sflag:s22] =	ssyncadd.s32 $0xFFFFF000  }
0x79: {  	_ =	swait.ge [sflag:s22], $0x1000  }
0x7a: {  	[sflag:s22] =	ssyncset.done $0x0  }
0x7b: {  	[sflag:s22] =	ssyncadd.s32 $0xFFFFF000  }
0x7c: {  	_ =	swait.ge [sflag:s22], $0x1000  }
0x7d: {  	[sflag:s22] =	ssyncset.done $0x0  }
0x7e: {  	[sflag:s22] =	ssyncadd.s32 $0xFFFFF000  }
0x7f: {  	_ =	swait.ge [sflag:s22], $0x1000  }
0x80: {  	[sflag:s22] =	ssyncset.done $0x0  }
0x81: {  	[sflag:s22] =	ssyncadd.s32 $0xFFFFF000  }
0x82: {  	_ =	swait.ge [sflag:s22], $0x1000  }
0x83: {  	[sflag:s22] =	ssyncset.done $0x0  }
0x84: {  	[sflag:s22] =	ssyncadd.s32 $0xFFFFF000  }
0x85: {  	_ =	swait.ge [sflag:s22], $0x1000  }
0x86: {  	[sflag:s22] =	ssyncset.done $0x0  }
0x87: {  	[sflag:s22] =	ssyncadd.s32 $0xFFFFF000  }
0x88: {  	_ =	swait.ge [sflag:s22], $0x1000  }
0x89: {  	[sflag:s22] =	ssyncset.done $0x0  }
0x8a: {  	[sflag:s22] =	ssyncadd.s32 $0xFFFFF000  }
0x8b: {  	_ =	swait.ge [sflag:s22], $0x1000  }
0x8c: {  	[sflag:s22] =	ssyncset.done $0x0  }
0x8d: {  	[sflag:s22] =	ssyncadd.s32 $0xFFFFF000  }
0x8e: {  	_ =	swait.ge [sflag:s22], $0x1000  }
0x8f: {  	[sflag:s22] =	ssyncset.done $0x0  }
0x90: {  	[sflag:s22] =	ssyncadd.s32 $0xFFFFF000  }
0x91: {  	_ =	swait.ge [sflag:s22], $0x1000  }
0x92: {  	[sflag:s22] =	ssyncset.done $0x0  }
0x93: {  	s25 =	simm.s32 $0x0;
	[sflag:s22] =	ssyncadd.s32 $0xFFFFF000  }
.LBB2_2:
0x94: {  	v0 =	vlaneseq.u32  }
0x95: {  	v0 =	vor.u32 s25, v0  }
0x96: {  	v48 =	vshll.u32 v0, $0x5  }
0x97: {  	v17 =	vor.u32 $0x1, v48  }
0x98: {  	v30 =	vor.u32 $0x2, v48  }
0x99: {  	v13 =	vmul.u32 $0x5, v0;
	v47 =	vmul.u32 $0xA0, v0;
	v35 =	vor.u32 $0x3, v48  }
0x9a: {  	v40 =	vor.u32 $0x4, v48  }
0x9b: {  	v1 =	vadd.s32 $0x1, v13;
	v18 =	vor.u32 $0x1, v47  }
0x9c: {  	v2 =	vadd.s32 $0x2, v13;
	v31 =	vor.u32 $0x2, v47;
	v27 =	vshll.u32 v1, $0x5;
	v7 =	vld.idx.msk [tilespmem:v17+s13+$0x0], $0xffff  }
0x9d: {  	v3 =	vadd.s32 $0x3, v13;
	v25 =	vshll.u32 v2, $0x5;
	v19 =	vor.u32 $0x1, v27;
	v63 =	vld.idx.msk [tilespmem:v30+s13+$0x0], $0xffff  }
0x9e: {  	v4 =	vadd.s32 $0x4, v13;
	v28 =	vshll.u32 v3, $0x5;
	v24 =	vor.u32 $0x1, v25;
	v61 =	vld.idx.msk [tilespmem:v35+s13+$0x0], $0xffff  }
0x9f: {  	v22 =	vshll.u32 v4, $0x5;
	v26 =	vor.u32 $0x1, v28;
	v57 =	vld.idx.msk [tilespmem:v40+s13+$0x0], $0xffff  }
0xa0: {  	v29 =	vor.u32 $0x1, v22;
	v6 =	vld.idx.msk [tilespmem:v18+s19+$0x0], $0xffff  }
0xa1: {  	[tilespmem:$0x1FF20] =	vst v1;
	v5 =	vor.u32 $0x2, v22;
	v1 =	vld.idx.msk [tilespmem:v31+s19+$0x0], $0xffff  }
0xa2: {  	[tilespmem:$0x1FF90] =	vst v2;
	v8 =	vor.u32 $0x3, v22;
	v2 =	vld.idx.msk [tilespmem:v19+s19+$0x0], $0xffff  }
0xa3: {  	[tilespmem:$0x1FFD0] =	vst v3;
	v9 =	vor.u32 $0x4, v22;
	v3 =	vld.idx.msk [tilespmem:v24+s19+$0x0], $0xffff  }
0xa4: {  	[tilespmem:$0x1FFF0] =	vst v4;
	v10 =	vor.u32 $0x5, v22;
	v4 =	vld.idx.msk [tilespmem:v26+s19+$0x0], $0xffff  }
0xa5: {  	v52 =	vor.u32 $0x6, v48;
	v0 =	vld.idx.msk [tilespmem:v29+s19+$0x0], $0xffff  }
0xa6: {  	v32 =	vor.u32 $0x2, v27;
	v5 =	vld.idx.msk [tilespmem:v5+s19+$0x0], $0xffff  }
0xa7: {  	v33 =	vor.u32 $0x2, v25;
	v8 =	vld.idx.msk [tilespmem:v8+s19+$0x0], $0xffff  }
0xa8: {  	v34 =	vor.u32 $0x2, v28;
	v9 =	vld.idx.msk [tilespmem:v9+s19+$0x0], $0xffff  }
0xa9: {  	v36 =	vor.u32 $0x3, v47;
	v10 =	vld.idx.msk [tilespmem:v10+s19+$0x0], $0xffff  }
0xaa: {  	v39 =	vor.u32 $0x3, v28;
	v24 =	vld.idx.msk [tilespmem:v52+s13+$0x0], $0xffff  }
0xab: {  	v44 =	vor.u32 $0x4, v28;
	[tilespmem:$0x1F980] =	vst v3;
	v3 =	vld.idx.msk [tilespmem:v32+s19+$0x0], $0xffff  }
0xac: {  	v45 =	vor.u32 $0x5, v48;
	[tilespmem:$0x1F990] =	vst v4;
	v4 =	vld.idx.msk [tilespmem:v33+s19+$0x0], $0xffff  }
0xad: {  	v51 =	vor.u32 $0x5, v28;
	[tilespmem:$0x1F9A0] =	vst v0;
	v0 =	vld.idx.msk [tilespmem:v34+s19+$0x0], $0xffff  }
0xae: {  	v56 =	vor.u32 $0x6, v28;
	[tilespmem:$0x1F970] =	vst v2;
	v2 =	vld.idx.msk [tilespmem:v36+s19+$0x0], $0xffff  }
0xaf: {  	v11 =	vor.u32 $0x7, v48;
	[tilespmem:$0x1F9E0] =	vst v5;
	v5 =	vld.idx.msk [tilespmem:v39+s19+$0x0], $0xffff  }
0xb0: {  	v14 =	vor.u32 $0x7, v22;
	[tilespmem:$0x1FA20] =	vst v8;
	v8 =	vld.idx.msk [tilespmem:v44+s19+$0x0], $0xffff  }
0xb1: {  	v16 =	vor.u32 $0x8, v47;
	v36 =	vld.idx.msk [tilespmem:v45+s13+$0x0], $0xffff  }
0xb2: {  	v23 =	vor.u32 $0x9, v47;
	[tilespmem:$0x1FA60] =	vst v9;
	v9 =	vld.idx.msk [tilespmem:v51+s19+$0x0], $0xffff  }
0xb3: {  	v37 =	vor.u32 $0x3, v27;
	[tilespmem:$0x1FAA0] =	vst v10;
	v10 =	vld.idx.msk [tilespmem:v56+s19+$0x0], $0xffff  }
0xb4: {  	v38 =	vor.u32 $0x3, v25;
	v34 =	vld.idx.msk [tilespmem:v11+s13+$0x0], $0xffff  }
0xb5: {  	v41 =	vor.u32 $0x4, v47;
	v11 =	vld.idx.msk [tilespmem:v14+s19+$0x0], $0xffff  }
0xb6: {  	v43 =	vor.u32 $0x4, v25;
	v32 =	vld.idx.msk [tilespmem:v16+s19+$0x0], $0xffff  }
0xb7: {  	v50 =	vor.u32 $0x5, v25;
	v33 =	vld.idx.msk [tilespmem:v23+s19+$0x0], $0xffff  }
0xb8: {  	v55 =	vor.u32 $0x6, v25;
	[tilespmem:$0x1F9C0] =	vst v4;
	v4 =	vld.idx.msk [tilespmem:v37+s19+$0x0], $0xffff  }
0xb9: {  	v59 =	vor.u32 $0x7, v47;
	[tilespmem:$0x1F9D0] =	vst v0;
	v0 =	vld.idx.msk [tilespmem:v38+s19+$0x0], $0xffff  }
0xba: {  	v62 =	vor.u32 $0x7, v25;
	[tilespmem:$0x1F9B0] =	vst v3;
	v3 =	vld.idx.msk [tilespmem:v41+s19+$0x0], $0xffff  }
0xbb: {  	v15 =	vor.u32 $0x8, v48;
	[tilespmem:$0x1FA10] =	vst v5;
	v5 =	vld.idx.msk [tilespmem:v43+s19+$0x0], $0xffff  }
0xbc: {  	v19 =	vor.u32 $0x8, v28;
	[tilespmem:$0x1FA50] =	vst v8;
	v8 =	vld.idx.msk [tilespmem:v50+s19+$0x0], $0xffff  }
0xbd: {  	v39 =	vor.u32 $0xA, v48;
	[tilespmem:$0x1FA90] =	vst v9;
	v9 =	vld.idx.msk [tilespmem:v55+s19+$0x0], $0xffff  }
0xbe: {  	v42 =	vor.u32 $0x4, v27;
	v38 =	vld.idx.msk [tilespmem:v59+s19+$0x0], $0xffff  }
0xbf: {  	v46 =	vor.u32 $0x5, v47;
	[tilespmem:$0x1FAD0] =	vst v10;
	v10 =	vld.idx.msk [tilespmem:v62+s19+$0x0], $0xffff  }
0xc0: {  	v49 =	vor.u32 $0x5, v27;
	v37 =	vld.idx.msk [tilespmem:v15+s13+$0x0], $0xffff  }
0xc1: {  	v54 =	vor.u32 $0x6, v27;
	[tilespmem:$0x1FB20] =	vst v11;
	v11 =	vld.idx.msk [tilespmem:v19+s19+$0x0], $0xffff  }
0xc2: {  	v60 =	vor.u32 $0x7, v27;
	v51 =	vld.idx.msk [tilespmem:v39+s13+$0x0], $0xffff  }
0xc3: {  	v17 =	vor.u32 $0x8, v27;
	[tilespmem:$0x1FA00] =	vst v0;
	v0 =	vld.idx.msk [tilespmem:v42+s19+$0x0], $0xffff  }
0xc4: {  	v21 =	vor.u32 $0x9, v48;
	[tilespmem:$0x1F9F0] =	vst v4;
	v4 =	vld.idx.msk [tilespmem:v46+s19+$0x0], $0xffff  }
0xc5: {  	v29 =	vor.u32 $0x9, v25;
	[tilespmem:$0x1FA40] =	vst v5;
	v5 =	vld.idx.msk [tilespmem:v49+s19+$0x0], $0xffff  }
0xc6: {  	v19 =	vor.u32 $0xD, v47;
	[tilespmem:$0x1FA80] =	vst v8;
	v8 =	vld.idx.msk [tilespmem:v54+s19+$0x0], $0xffff  }
0xc7: {  	v53 =	vor.u32 $0x6, v47;
	[tilespmem:$0x1FAC0] =	vst v9;
	v9 =	vld.idx.msk [tilespmem:v60+s19+$0x0], $0xffff  }
0xc8: {  	v58 =	vor.u32 $0x6, v22;
	[tilespmem:$0x1FB00] =	vst v10;
	v10 =	vld.idx.msk [tilespmem:v17+s19+$0x0], $0xffff  }
0xc9: {  	v20 =	vor.u32 $0x8, v22;
	v42 =	vld.idx.msk [tilespmem:v21+s13+$0x0], $0xffff  }
0xca: {  	v31 =	vor.u32 $0x9, v22;
	[tilespmem:$0x1FB50] =	vst v11;
	v11 =	vld.idx.msk [tilespmem:v29+s19+$0x0], $0xffff  }
0xcb: {  	v40 =	vor.u32 $0xA, v47;
	v35 =	vld.idx.msk [tilespmem:v19+s19+$0x0], $0xffff  }
0xcc: {  	v41 =	vor.u32 $0xA, v27;
	[tilespmem:$0x1FA70] =	vst v5;
	v5 =	vld.idx.msk [tilespmem:v53+s19+$0x0], $0xffff  }
0xcd: {  	v45 =	vor.u32 $0xA, v22;
	[tilespmem:$0x1FA30] =	vst v0;
	v0 =	vld.idx.msk [tilespmem:v58+s19+$0x0], $0xffff  }
0xce: {  	v46 =	vor.u32 $0xB, v48;
	[tilespmem:$0x1FAB0] =	vst v8;
	v8 =	vld.idx.msk [tilespmem:v20+s19+$0x0], $0xffff  }
0xcf: {  	v49 =	vor.u32 $0xB, v47;
	[tilespmem:$0x1FAF0] =	vst v9;
	v9 =	vld.idx.msk [tilespmem:v31+s19+$0x0], $0xffff  }
0xd0: {  	v12 =	vor.u32 $0x7, v28;
	v31 =	vld.idx.msk [tilespmem:v40+s19+$0x0], $0xffff  }
0xd1: {  	v30 =	vor.u32 $0x9, v28;
	[tilespmem:$0x1FB80] =	vst v11;
	v11 =	vld.idx.msk [tilespmem:v41+s19+$0x0], $0xffff  }
0xd2: {  	v44 =	vor.u32 $0xA, v28;
	[tilespmem:$0x1FB30] =	vst v10;
	v10 =	vld.idx.msk [tilespmem:v45+s19+$0x0], $0xffff  }
0xd3: {  	v59 =	vor.u32 $0xB, v28;
	v54 =	vld.idx.msk [tilespmem:v46+s13+$0x0], $0xffff  }
0xd4: {  	v17 =	vor.u32 $0xC, v22;
	v55 =	vld.idx.msk [tilespmem:v49+s19+$0x0], $0xffff  }
0xd5: {  	v53 =	vor.u32 $0x10, v48;
	[tilespmem:$0x1FAE0] =	vst v0;
	v0 =	vld.idx.msk [tilespmem:v12+s19+$0x0], $0xffff  }
0xd6: {  	v18 =	vor.u32 $0x8, v25;
	[tilespmem:$0x1FB60] =	vst v8;
	v8 =	vld.idx.msk [tilespmem:v30+s19+$0x0], $0xffff  }
0xd7: {  	v43 =	vor.u32 $0xA, v25;
	[tilespmem:$0x1FBA0] =	vst v9;
	v9 =	vld.idx.msk [tilespmem:v44+s19+$0x0], $0xffff  }
0xd8: {  	v58 =	vor.u32 $0xB, v25;
	[tilespmem:$0x1FBE0] =	vst v10;
	v10 =	vld.idx.msk [tilespmem:v59+s19+$0x0], $0xffff  }
0xd9: {  	v62 =	vor.u32 $0xC, v48;
	[tilespmem:$0x1FBB0] =	vst v11;
	v11 =	vld.idx.msk [tilespmem:v17+s19+$0x0], $0xffff  }
0xda: {  	v12 =	vor.u32 $0xC, v47;
	v17 =	vld.idx.msk [tilespmem:v53+s13+$0x0], $0xffff  }
0xdb: {  	v15 =	vor.u32 $0xC, v25;
	[tilespmem:$0x1FB10] =	vst v0;
	v0 =	vld.idx.msk [tilespmem:v18+s19+$0x0], $0xffff  }
0xdc: {  	v23 =	vor.u32 $0xD, v28;
	[tilespmem:$0x1FB90] =	vst v8;
	v8 =	vld.idx.msk [tilespmem:v43+s19+$0x0], $0xffff  }
0xdd: {  	v30 =	vor.u32 $0xE, v47;
	[tilespmem:$0x1FBD0] =	vst v9;
	v9 =	vld.idx.msk [tilespmem:v58+s19+$0x0], $0xffff  }
0xde: {  	v26 =	vor.u32 $0x9, v27;
	v58 =	vld.idx.msk [tilespmem:v62+s13+$0x0], $0xffff  }
0xdf: {  	v50 =	vor.u32 $0xB, v27;
	v59 =	vld.idx.msk [tilespmem:v12+s19+$0x0], $0xffff  }
0xe0: {  	v14 =	vor.u32 $0xC, v27;
	[tilespmem:$0x1FC10] =	vst v10;
	v10 =	vld.idx.msk [tilespmem:v15+s19+$0x0], $0xffff  }
0xe1: {  	v20 =	vor.u32 $0xD, v27;
	[tilespmem:$0x1FC70] =	vst v11;
	v11 =	vld.idx.msk [tilespmem:v23+s19+$0x0], $0xffff  }
0xe2: {  	v40 =	vor.u32 $0xE, v25;
	v56 =	vld.idx.msk [tilespmem:v30+s19+$0x0], $0xffff  }
0xe3: {  	v44 =	vor.u32 $0xF, v48;
	[tilespmem:$0x1FB40] =	vst v0;
	v0 =	vld.idx.msk [tilespmem:v26+s19+$0x0], $0xffff  }
0xe4: {  	v62 =	vor.u32 $0x10, v47;
	[tilespmem:$0x1FBC0] =	vst v8;
	v8 =	vld.idx.msk [tilespmem:v50+s19+$0x0], $0xffff  }
0xe5: {  	v12 =	vor.u32 $0x10, v25;
	[tilespmem:$0x1FC00] =	vst v9;
	v9 =	vld.idx.msk [tilespmem:v14+s19+$0x0], $0xffff  }
0xe6: {  	v60 =	vor.u32 $0xB, v22;
	[tilespmem:$0x1FC40] =	vst v10;
	v10 =	vld.idx.msk [tilespmem:v20+s19+$0x0], $0xffff  }
0xe7: {  	v18 =	vor.u32 $0xD, v48;
	[tilespmem:$0x1FCA0] =	vst v11;
	v11 =	vld.idx.msk [tilespmem:v40+s19+$0x0], $0xffff  }
0xe8: {  	v26 =	vor.u32 $0xD, v22;
	v20 =	vld.idx.msk [tilespmem:v44+s13+$0x0], $0xffff  }
0xe9: {  	v43 =	vor.u32 $0xE, v22;
	v40 =	vld.idx.msk [tilespmem:v62+s19+$0x0], $0xffff  }
0xea: {  	v52 =	vor.u32 $0xF, v22;
	v44 =	vld.idx.msk [tilespmem:v12+s19+$0x0], $0xffff  }
0xeb: {  	v16 =	vor.u32 $0xC, v28;
	[tilespmem:$0x1FB70] =	vst v0;
	v0 =	vld.idx.msk [tilespmem:v60+s19+$0x0], $0xffff  }
0xec: {  	v14 =	vor.u32 $0x11, v25;
	v60 =	vld.idx.msk [tilespmem:v18+s13+$0x0], $0xffff  }
0xed: {  	v41 =	vor.u32 $0xE, v28;
	[tilespmem:$0x1FBF0] =	vst v8;
	v8 =	vld.idx.msk [tilespmem:v26+s19+$0x0], $0xffff  }
0xee: {  	v46 =	vor.u32 $0xF, v27;
	[tilespmem:$0x1FC20] =	vst v9;
	v9 =	vld.idx.msk [tilespmem:v43+s19+$0x0], $0xffff  }
0xef: {  	v50 =	vor.u32 $0xF, v28;
	v26 =	vld.idx.msk [tilespmem:v52+s19+$0x0], $0xffff  }
0xf0: {  	v21 =	vor.u32 $0xD, v25;
	[tilespmem:$0x1FC30] =	vst v0;
	v0 =	vld.idx.msk [tilespmem:v16+s19+$0x0], $0xffff  }
0xf1: {  	v52 =	vor.u32 $0x12, v48;
	v19 =	vld.idx.msk [tilespmem:v14+s19+$0x0], $0xffff  }
0xf2: {  	v49 =	vor.u32 $0xF, v25;
	[tilespmem:$0x1FCC0] =	vst v8;
	v8 =	vld.idx.msk [tilespmem:v41+s19+$0x0], $0xffff  }
0xf3: {  	v29 =	vor.u32 $0xE, v48;
	[tilespmem:$0x1FCD0] =	vst v11;
	v11 =	vld.idx.msk [tilespmem:v46+s19+$0x0], $0xffff  }
0xf4: {  	[tilespmem:$0x1FD00] =	vst v9;
	v9 =	vld.idx.msk [tilespmem:v50+s19+$0x0], $0xffff;
	v41 =	vor.u32 $0x11, v48  }
0xf5: {  	v39 =	vor.u32 $0xE, v27;
	[tilespmem:$0x1FC60] =	vst v0;
	v0 =	vld.idx.msk [tilespmem:v21+s19+$0x0], $0xffff  }
0xf6: {  	v45 =	vor.u32 $0xF, v47;
	[tilespmem:$0x1FDB0] =	vst v19;
	v19 =	vld.idx.msk [tilespmem:v52+s13+$0x0], $0xffff  }
0xf7: {  	v23 =	vor.u32 $0x10, v27;
	[tilespmem:$0x1FCF0] =	vst v8;
	v8 =	vld.idx.msk [tilespmem:v49+s19+$0x0], $0xffff  }
0xf8: {  	v21 =	vld.idx.msk [tilespmem:v29+s13+$0x0], $0xffff;
	v29 =	vor.u32 $0x10, v28  }
0xf9: {  	v50 =	vor.u32 $0x11, v22;
	v18 =	vld.idx.msk [tilespmem:v41+s13+$0x0], $0xffff  }
0xfa: {  	v16 =	vor.u32 $0x12, v28;
	[tilespmem:$0x1FC90] =	vst v0;
	v0 =	vld.idx.msk [tilespmem:v39+s19+$0x0], $0xffff  }
0xfb: {  	v30 =	vor.u32 $0x10, v22;
	v39 =	vld.idx.msk [tilespmem:v45+s19+$0x0], $0xffff  }
0xfc: {  	[tilespmem:$0x1FD20] =	vst v8;
	v8 =	vld.idx.msk [tilespmem:v23+s19+$0x0], $0xffff;
	v45 =	vor.u32 $0x11, v27  }
0xfd: {  	v41 =	vor.u32 $0x13, v48;
	v46 =	vld.idx.msk [tilespmem:v29+s19+$0x0], $0xffff  }
0xfe: {  	v23 =	vor.u32 $0x12, v27;
	v29 =	vld.idx.msk [tilespmem:v50+s19+$0x0], $0xffff  }
0xff: {  	v62 =	vor.u32 $0x12, v47;
	v50 =	vld.idx.msk [tilespmem:v16+s19+$0x0], $0xffff  }
0x100: {  	v49 =	vor.u32 $0x11, v28;
	[tilespmem:$0x1FC80] =	vst v0;
	v0 =	vld.idx.msk [tilespmem:v30+s19+$0x0], $0xffff  }
0x101: {  	[tilespmem:$0x1FD60] =	vst v44;
	v53 =	vld.idx.msk [tilespmem:v45+s19+$0x0], $0xffff;
	v30 =	vor.u32 $0x12, v22  }
0x102: {  	v15 =	vld.idx.msk [tilespmem:v41+s13+$0x0], $0xffff;
	[tilespmem:$0x1FD80] =	vst v46;
	v46 =	vor.u32 $0x13, v47  }
0x103: {  	[tilespmem:$0x1FD50] =	vst v26;
	v52 =	vor.u32 $0x13, v25;
	v44 =	vld.idx.msk [tilespmem:v23+s19+$0x0], $0xffff  }
0x104: {  	v41 =	vor.u32 $0x14, v47;
	[tilespmem:$0x1FCE0] =	vst v8;
	v45 =	vld.idx.msk [tilespmem:v62+s19+$0x0], $0xffff  }
0x105: {  	v26 =	vor.u32 $0x12, v25;
	[tilespmem:$0x1FD90] =	vst v0;
	v0 =	vld.idx.msk [tilespmem:v49+s19+$0x0], $0xffff  }
0x106: {  	[tilespmem:$0x1FD10] =	vst v53;
	v8 =	vld.idx.msk [tilespmem:v30+s19+$0x0], $0xffff;
	v53 =	vor.u32 $0x13, v22  }
0x107: {  	[tilespmem:$0x1FE10] =	vst v50;
	v62 =	vld.idx.msk [tilespmem:v46+s19+$0x0], $0xffff;
	v46 =	vor.u32 $0x14, v27  }
0x108: {  	v50 =	vor.u32 $0x14, v25;
	[tilespmem:$0x1FD40] =	vst v44;
	v44 =	vld.idx.msk [tilespmem:v52+s19+$0x0], $0xffff  }
0x109: {  	v30 =	vor.u32 $0x14, v28;
	v52 =	vld.idx.msk [tilespmem:v41+s19+$0x0], $0xffff  }
0x10a: {  	[tilespmem:$0x1FDC0] =	vst v0;
	v0 =	vld.idx.msk [tilespmem:v26+s19+$0x0], $0xffff  }
0x10b: {  	v49 =	vor.u32 $0x13, v27;
	v12 =	vld.idx.msk [tilespmem:v53+s19+$0x0], $0xffff  }
0x10c: {  	v23 =	vor.u32 $0x13, v28;
	v16 =	vld.idx.msk [tilespmem:v46+s19+$0x0], $0xffff  }
0x10d: {  	v26 =	vor.u32 $0x14, v48;
	v46 =	vld.idx.msk [tilespmem:v50+s19+$0x0], $0xffff  }
0x10e: {  	[tilespmem:$0x1FD30] =	vst v9;
	v50 =	vld.idx.msk [tilespmem:v30+s19+$0x0], $0xffff  }
0x10f: {  	[tilespmem:$0x1FE20] =	vst v44;
	v53 =	vor.u32 $0x15, v47;
	v44 =	vld.idx.msk [tilespmem:v47+s19+$0x0], $0xffff  }
0x110: {  	v9 =	vor.u32 $0x15, v28;
	[tilespmem:$0x1FDE0] =	vst v0;
	v0 =	vld.idx.msk [tilespmem:v49+s19+$0x0], $0xffff  }
0x111: {  	v41 =	vor.u32 $0x15, v27;
	v49 =	vld.idx.msk [tilespmem:v23+s19+$0x0], $0xffff  }
0x112: {  	[tilespmem:$0x1FE90] =	vst v12;
	v12 =	vld.idx.msk [tilespmem:v26+s13+$0x0], $0xffff  }
0x113: {  	v23 =	vld.idx.msk [tilespmem:v48+s13+$0x0], $0xffff  }
0x114: {  	[tilespmem:$0x1FC50] =	vst v10;
	v30 =	vld.idx.msk [tilespmem:v53+s19+$0x0], $0xffff  }
0x115: {  	[tilespmem:$0x1FDF0] =	vst v29;
	v26 =	vor.u32 $0x14, v22;
	v53 =	vld.idx.msk [tilespmem:v9+s19+$0x0], $0xffff  }
0x116: {  	v10 =	vld.idx.msk [tilespmem:v41+s19+$0x0], $0xffff;
	[tilespmem:$0x1FE40] =	vst v46;
	v46 =	vor.u32 $0x15, v25  }
0x117: {  	v29 =	vor.u32 $0x16, v27;
	[tilespmem:$0x1FE50] =	vst v8  }
0x118: {  	[tilespmem:$0x1FEA0] =	vst v50;
	v50 =	vor.u32 $0x16, v48  }
0x119: {  	[tilespmem:$0x1FE60] =	vst v49;
	v49 =	vor.u32 $0x15, v48  }
0x11a: {  	v8 =	vld.idx.msk [tilespmem:v26+s19+$0x0], $0xffff;
	v44 =	vmul.f32 v44, v23;
	[tilespmem:$0x1FED0] =	vst v53;
	v53 =	vor.u32 $0x16, v25  }
0x11b: {  	[tilespmem:$0x1FDD0] =	vst v10;
	v10 =	vor.u32 $0x16, v22;
	v26 =	vld.idx.msk [tilespmem:v46+s19+$0x0], $0xffff  }
0x11c: {  	v6 =	vmul.f32 v6, v7;
	v43 =	vor.u32 $0x11, v47;
	v46 =	vld.idx.msk [tilespmem:v29+s19+$0x0], $0xffff;
	v44 =	vadd.f32 $0.0e+00, v44  }
0x11d: {  	v14 =	vld.idx.msk [tilespmem:v50+s13+$0x0], $0xffff;
	v50 =	vor.u32 $0x17, v28  }
0x11e: {  	v1 =	vmul.f32 v1, v63;
	[tilespmem:$0x1FDA0] =	vst v16;
	v9 =	vor.u32 $0x16, v28;
	v6 =	vadd.f32 v6, v44;
	v16 =	vld.idx.msk [tilespmem:v49+s13+$0x0], $0xffff  }
0x11f: {  	v49 =	vor.u32 $0x15, v22;
	v53 =	vld.idx.msk [tilespmem:v53+s19+$0x0], $0xffff  }
0x120: {  	[tilespmem:$0x1F960] =	vst v7;
	v2 =	vmul.f32 v2, v61;
	v29 =	vld.idx.msk [tilespmem:v10+s19+$0x0], $0xffff;
	v44 =	vor.u32 $0x17, v47;
	v1 =	vadd.f32 v1, v6  }
0x121: {  	v43 =	vld.idx.msk [tilespmem:v43+s19+$0x0], $0xffff;
	[tilespmem:$0x1FE00] =	vst v46;
	v46 =	vor.u32 $0x17, v27  }
0x122: {  	v7 =	vmul.f32 v3, v57;
	[tilespmem:$0x1FCB0] =	vst v11;
	v41 =	vor.u32 $0x17, v22;
	v50 =	vld.idx.msk [tilespmem:v50+s19+$0x0], $0xffff;
	v1 =	vadd.f32 v2, v1  }
0x123: {  	v11 =	vor.u32 $0x16, v47;
	[tilespmem:$0x1FEE0] =	vst v8;
	v6 =	vld.idx.msk [tilespmem:v9+s19+$0x0], $0xffff  }
0x124: {  	v8 =	vld.idx.msk [tilespmem:v49+s19+$0x0], $0xffff;
	[tilespmem:$0x1FE80] =	vst v53;
	v49 =	vor.u32 $0x17, v25;
	v1 =	vadd.f32 v7, v1;
	v53 =	vmul.f32 v4, v36  }
0x125: {  	[tilespmem:$0x1FF60] =	vst v29;
	v29 =	vld.idx.msk [tilespmem:v44+s19+$0x0], $0xffff;
	v44 =	vor.u32 $0x18, v47  }
0x126: {  	v3 =	vor.u32 $0x18, v25;
	v10 =	vmul.f32 v5, v24;
	v9 =	vld.idx.msk [tilespmem:v46+s19+$0x0], $0xffff;
	v1 =	vadd.f32 v53, v1  }
0x127: {  	v41 =	vld.idx.msk [tilespmem:v41+s19+$0x0], $0xffff;
	[tilespmem:$0x1FF10] =	vst v50;
	v50 =	vor.u32 $0x18, v22  }
0x128: {  	[tilespmem:$0x1FE70] =	vst v26;
	v26 =	vld.idx.msk [tilespmem:v11+s19+$0x0], $0xffff;
	v11 =	vor.u32 $0x17, v48;
	v53 =	vmul.f32 v38, v34;
	v1 =	vadd.f32 v10, v1  }
0x129: {  	v46 =	vor.u32 $0x18, v27;
	v49 =	vld.idx.msk [tilespmem:v49+s19+$0x0], $0xffff  }
0x12a: {  	v7 =	vmul.f32 v32, v37;
	v32 =	vld.idx.msk [tilespmem:v44+s19+$0x0], $0xffff;
	[tilespmem:$0x1FF30] =	vst v8;
	v8 =	vor.u32 $0x18, v48;
	v1 =	vadd.f32 v53, v1  }
0x12b: {  	v44 =	vor.u32 $0x19, v47;
	[tilespmem:$0x1FE30] =	vst v9;
	v9 =	vmul.f32 v33, v42;
	v33 =	vld.idx.msk [tilespmem:v3+s19+$0x0], $0xffff  }
0x12c: {  	v5 =	vor.u32 $0x19, v28;
	v4 =	vld.idx.msk [tilespmem:v50+s19+$0x0], $0xffff;
	v1 =	vadd.f32 v7, v1  }
0x12d: {  	[tilespmem:$0x1FF80] =	vst v41;
	v41 =	vor.u32 $0x1A, v28;
	v11 =	vld.idx.msk [tilespmem:v11+s13+$0x0], $0xffff  }
0x12e: {  	v53 =	vld.idx.msk [tilespmem:v46+s19+$0x0], $0xffff;
	v46 =	vmul.f32 v31, v51;
	[tilespmem:$0x1FEB0] =	vst v49;
	v49 =	vor.u32 $0x18, v28;
	v1 =	vadd.f32 v9, v1  }
0x12f: {  	[tilespmem:$0x1FF00] =	vst v6;
	v10 =	vld.idx.msk [tilespmem:v8+s13+$0x0], $0xffff;
	v8 =	vor.u32 $0x19, v48  }
0x130: {  	v6 =	vor.u32 $0x19, v22;
	v7 =	vmul.f32 v55, v54;
	[tilespmem:$0x1FEC0] =	vst v33;
	v33 =	vld.idx.msk [tilespmem:v44+s19+$0x0], $0xffff;
	v1 =	vadd.f32 v46, v1  }
0x131: {  	v3 =	vor.u32 $0x19, v27;
	[tilespmem:$0x1FFA0] =	vst v4;
	v4 =	vld.idx.msk [tilespmem:v5+s19+$0x0], $0xffff  }
0x132: {  	v55 =	vor.u32 $0x1A, v47;
	v1 =	vadd.f32 v7, v1;
	v7 =	vmul.f32 v39, v20;
	v39 =	vld.idx.msk [tilespmem:v41+s19+$0x0], $0xffff  }
0x133: {  	v50 =	vor.u32 $0x1A, v22;
	v38 =	vld.idx.msk [tilespmem:v49+s19+$0x0], $0xffff;
	v49 =	vmul.f32 v59, v58  }
0x134: {  	v9 =	vld.idx.msk [tilespmem:v8+s13+$0x0], $0xffff;
	v8 =	vor.u32 $0x1A, v48  }
0x135: {  	v31 =	vor.u32 $0x1A, v25;
	v5 =	vmul.f32 v35, v60;
	v35 =	vld.idx.msk [tilespmem:v6+s19+$0x0], $0xffff;
	v1 =	vadd.f32 v49, v1  }
0x136: {  	v46 =	vld.idx.msk [tilespmem:v3+s19+$0x0], $0xffff;
	v49 =	vmul.f32 v56, v21;
	v56 =	vor.u32 $0x1B, v22  }
0x137: {  	v6 =	vor.u32 $0x1B, v48;
	v1 =	vadd.f32 v5, v1;
	v5 =	vld.idx.msk [tilespmem:v55+s19+$0x0], $0xffff  }
0x138: {  	v55 =	vld.idx.msk [tilespmem:v50+s19+$0x0], $0xffff;
	[tilespmem:$0x1FF40] =	vst v38;
	v38 =	vor.u32 $0x19, v25  }
0x139: {  	[tilespmem:$0x1FF70] =	vst v39;
	v39 =	vor.u32 $0x1B, v25;
	v8 =	vld.idx.msk [tilespmem:v8+s13+$0x0], $0xffff  }
0x13a: {  	v1 =	vadd.f32 v49, v1;
	v49 =	vld.idx.msk [tilespmem:v31+s19+$0x0], $0xffff;
	v31 =	vor.u32 $0x1B, v27  }
0x13b: {  	[tilespmem:$0x1FFB0] =	vst v35;
	v50 =	vor.u32 $0x1B, v28;
	v35 =	vld.idx.msk [tilespmem:v56+s19+$0x0], $0xffff  }
0x13c: {  	v41 =	vmul.f32 v40, v17;
	v56 =	vor.u32 $0x1C, v22;
	v1 =	vadd.f32 v7, v1;
	v7 =	vld.idx.msk [tilespmem:v6+s13+$0x0], $0xffff  }
0x13d: {  	v59 =	vld.idx.msk [tilespmem:v38+s19+$0x0], $0xffff;
	v38 =	vor.u32 $0x1A, v27  }
0x13e: {  	[tilespmem:$0x1FF50] =	vst v4;
	v4 =	vmul.f32 v43, v18;
	v6 =	vor.u32 $0x1C, v48;
	v40 =	vld.idx.msk [tilespmem:v39+s19+$0x0], $0xffff;
	v1 =	vadd.f32 v41, v1  }
0x13f: {  	v41 =	vld.idx.msk [tilespmem:v31+s19+$0x0], $0xffff;
	v31 =	vor.u32 $0x1C, v47  }
0x140: {  	v45 =	vmul.f32 v45, v19;
	[tilespmem:$0x1FFC0] =	vst v55;
	v39 =	vor.u32 $0x1C, v27;
	v55 =	vld.idx.msk [tilespmem:v50+s19+$0x0], $0xffff;
	v1 =	vadd.f32 v4, v1  }
0x141: {  	v50 =	vor.u32 $0x1C, v28;
	v56 =	vld.idx.msk [tilespmem:v56+s19+$0x0], $0xffff  }
0x142: {  	[tilespmem:$0x1FD70] =	vst v0;
	v0 =	vor.u32 $0x1C, v25;
	v44 =	vld.idx.msk [tilespmem:v38+s19+$0x0], $0xffff;
	v38 =	vadd.f32 v45, v1;
	v45 =	vmul.f32 v62, v15  }
0x143: {  	v6 =	vld.idx.msk [tilespmem:v6+s13+$0x0], $0xffff;
	[tilespmem:$0x1FEF0] =	vst v59;
	v59 =	vor.u32 $0x1B, v47  }
0x144: {  	[tilespmem:$0x1FFE0] =	vst v35;
	v4 =	vmul.f32 v52, v12;
	v35 =	vor.u32 $0x1D, v48;
	v52 =	vld.idx.msk [tilespmem:v31+s19+$0x0], $0xffff;
	v38 =	vadd.f32 v45, v38  }
0x145: {  	v31 =	vld.idx.msk [tilespmem:v39+s19+$0x0], $0xffff;
	v39 =	vor.u32 $0x1D, v47  }
0x146: {  	v30 =	vmul.f32 v30, v16;
	v50 =	vld.idx.msk [tilespmem:v50+s19+$0x0], $0xffff;
	v1 =	vor.u32 $0x1D, v27;
	v45 =	vadd.f32 v4, v38  }
0x147: {  	v2 =	vor.u32 $0x1E, v48;
	v38 =	vld.idx.msk [tilespmem:v0+s19+$0x0], $0xffff  }
0x148: {  	v26 =	vmul.f32 v26, v14;
	v4 =	vor.u32 $0x1E, v47;
	v59 =	vld.idx.msk [tilespmem:v59+s19+$0x0], $0xffff;
	v45 =	vadd.f32 v30, v45  }
0x149: {  	v62 =	vor.u32 $0x1D, v25;
	v30 =	vld.idx.msk [tilespmem:v35+s13+$0x0], $0xffff  }
0x14a: {  	v43 =	vor.u32 $0x1D, v28;
	v35 =	vmul.f32 v29, v11;
	v39 =	vld.idx.msk [tilespmem:v39+s19+$0x0], $0xffff;
	v0 =	vadd.f32 v26, v45  }
0x14b: {  	v3 =	vor.u32 $0x1D, v22;
	v29 =	vld.idx.msk [tilespmem:v1+s19+$0x0], $0xffff;
	v45 =	vmul.f32 v32, v10  }
0x14c: {  	v26 =	vmul.f32 v33, v9;
	v33 =	vor.u32 $0x1F, v48;
	v48 =	vld.idx.msk [tilespmem:v2+s13+$0x0], $0xffff;
	v0 =	vadd.f32 v35, v0  }
0x14d: {  	v1 =	vor.u32 $0x1E, v27;
	v4 =	vld.idx.msk [tilespmem:v4+s19+$0x0], $0xffff  }
0x14e: {  	v2 =	vor.u32 $0x1F, v47;
	v35 =	vld.idx.msk [tilespmem:v62+s19+$0x0], $0xffff;
	v0 =	vadd.f32 v45, v0  }
0x14f: {  	v62 =	vld.idx.msk [tilespmem:v43+s19+$0x0], $0xffff;
	v43 =	vor.u32 $0x1E, v25  }
0x150: {  	v5 =	vmul.f32 v5, v8;
	v45 =	vld.idx.msk [tilespmem:v3+s19+$0x0], $0xffff;
	v0 =	vadd.f32 v26, v0  }
0x151: {  	v32 =	vmul.f32 v59, v7;
	v59 =	vmul.f32 v52, v6;
	v52 =	vor.u32 $0x1E, v22;
	v47 =	vld.idx.msk [tilespmem:v33+s13+$0x0], $0xffff  }
0x152: {  	v26 =	vld.idx.msk [tilespmem:v1+s19+$0x0], $0xffff;
	v1 =	vadd.f32 v5, v0  }
0x153: {  	v2 =	vld.idx.msk [tilespmem:v2+s19+$0x0], $0xffff  }
0x154: {  	v3 =	vld.idx.msk [tilespmem:v43+s19+$0x0], $0xffff;
	v1 =	vadd.f32 v32, v1  }
0x155: {  	v43 =	vld.idx.msk [tilespmem:v27+s19+$0x0], $0xffff  }
0x156: {  	v33 =	vor.u32 $0x1E, v28;
	v52 =	vld.idx.msk [tilespmem:v52+s19+$0x0], $0xffff;
	v0 =	vmul.f32 v39, v30;
	v1 =	vadd.f32 v59, v1  }
0x157: {  	v27 =	vor.u32 $0x1F, v27;
	v39 =	vld.idx.msk [tilespmem:v25+s19+$0x0], $0xffff  }
0x158: {  	v4 =	vmul.f32 v4, v48;
	v5 =	vor.u32 $0x1F, v25;
	v25 =	vld.idx.msk [tilespmem:v22+s19+$0x0], $0xffff;
	v1 =	vadd.f32 v0, v1  }
0x159: {  	v0 =	vld.idx.msk [tilespmem:v13+s11+$0x0], $0xffff  }
0x15a: {  	v2 =	vmul.f32 v2, v47;
	v59 =	vld.idx.msk [tilespmem:v28+s19+$0x0], $0xffff;
	v4 =	vadd.f32 v4, v1  }
0x15b: {  	v28 =	vor.u32 $0x1F, v28;
	v1 =	vld.idx.msk [tilespmem:v33+s19+$0x0], $0xffff  }
0x15c: {  	v32 =	vmul.f32 v43, v23;
	v33 =	vor.u32 $0x1F, v22;
	v22 =	vld.idx.msk [tilespmem:v27+s19+$0x0], $0xffff;
	v2 =	vadd.f32 v2, v4  }
0x15d: {  	v27 =	vld [tilespmem:$0x1F960]  }
0x15e: {  	v39 =	vmul.f32 v39, v23;
	v0 =	vmul.f32 v0, v2;
	v2 =	vadd.f32 $0.0e+00, v32;
	v32 =	vld [tilespmem:$0x1F970]  }
0x15f: {  	v25 =	vmul.f32 v25, v23;
	v43 =	vmul.f32 v59, v23;
	v23 =	vld.idx.msk [tilespmem:v5+s19+$0x0], $0xffff  }
0x160: {  	v28 =	vld.idx.msk [tilespmem:v28+s19+$0x0], $0xffff  }
0x161: {  	v5 =	vadd.f32 $0.0e+00, v39;
	v39 =	vld [tilespmem:$0x1F980]  }
0x162: {  	v59 =	vld [tilespmem:$0x1F990]  }
0x163: {  	v4 =	vmul.f32 v32, v27;
	v32 =	vld.idx.msk [tilespmem:v33+s19+$0x0], $0xffff  }
0x164: {  	[tilespmem:v13+s23+$0x0] =	vst.idx.msk $0xffff, v0;
	v13 =	vld [tilespmem:$0x1F9A0];
	_ =	sdelay $0x1  }
0x165: {  	v39 =	vmul.f32 v39, v27  }
0x166: {  	v59 =	vmul.f32 v59, v27;
	v33 =	vadd.f32 $0.0e+00, v43;
	v43 =	vld [tilespmem:$0x1F9B0]  }
0x167: {  	v2 =	vadd.f32 v4, v2;
	v4 =	vadd.f32 v39, v5;
	v39 =	vld [tilespmem:$0x1F9E0]  }
0x168: {  	v0 =	vmul.f32 v13, v27;
	v13 =	vadd.f32 v59, v33;
	v33 =	vld [tilespmem:$0x1F9D0]  }
0x169: {  	v59 =	vld [tilespmem:$0x1F9C0]  }
0x16a: {  	v25 =	vadd.f32 $0.0e+00, v25  }
0x16b: {  	v5 =	vmul.f32 v43, v63  }
0x16c: {  	v43 =	vld [tilespmem:$0x1F9F0];
	v0 =	vadd.f32 v0, v25  }
0x16d: {  	v27 =	vld [tilespmem:$0x1FA10];
	v2 =	vadd.f32 v5, v2;
	v5 =	vmul.f32 v33, v63;
	v33 =	vmul.f32 v39, v63  }
0x16e: {  	v25 =	vmul.f32 v59, v63;
	v59 =	vld [tilespmem:$0x1FA00]  }
0x16f: {  	v0 =	vadd.f32 v33, v0;
	v33 =	vld [tilespmem:$0x1FA20];
	_ =	sdelay $0x2  }
0x170: {  	v39 =	vld [tilespmem:$0x1FA30];
	v4 =	vadd.f32 v25, v4;
	v25 =	vmul.f32 v43, v61  }
0x171: {  	v5 =	vadd.f32 v5, v13;
	v43 =	vld [tilespmem:$0x1FA40];
	v63 =	vmul.f32 v59, v61  }
0x172: {  	v13 =	vmul.f32 v27, v61;
	v2 =	vadd.f32 v25, v2;
	v25 =	vmul.f32 v33, v61;
	v61 =	vld [tilespmem:$0x1FA50]  }
0x173: {  	v4 =	vadd.f32 v63, v4;
	v63 =	vld [tilespmem:$0x1FA60];
	_ =	sdelay $0x1  }
0x174: {  	v5 =	vadd.f32 v13, v5;
	v13 =	vmul.f32 v39, v57;
	v39 =	vld [tilespmem:$0x1FA80]  }
0x175: {  	v33 =	vld [tilespmem:$0x1FA70]  }
0x176: {  	v59 =	vmul.f32 v43, v57;
	v43 =	vld [tilespmem:$0x1FA90]  }
0x177: {  	v0 =	vadd.f32 v25, v0;
	v25 =	vmul.f32 v61, v57;
	v27 =	vmul.f32 v63, v57;
	v57 =	vld [tilespmem:$0x1FAA0]  }
0x178: {  	v61 =	vld [tilespmem:$0x1FAB0]  }
0x179: {  	v63 =	vld [tilespmem:$0x1FAC0]  }
0x17a: {  	v2 =	vadd.f32 v13, v2;
	v13 =	vmul.f32 v33, v36;
	v33 =	vld [tilespmem:$0x1FBA0]  }
0x17b: {  	v5 =	vadd.f32 v25, v5;
	v25 =	vmul.f32 v39, v36;
	v39 =	vld [tilespmem:$0x1FAD0]  }
0x17c: {  	v4 =	vadd.f32 v59, v4;
	v2 =	vadd.f32 v13, v2;
	v13 =	vmul.f32 v43, v36;
	v43 =	vld [tilespmem:$0x1FAE0]  }
0x17d: {  	v59 =	vmul.f32 v57, v36;
	v57 =	vld [tilespmem:$0x1FAF0]  }
0x17e: {  	v4 =	vadd.f32 v25, v4;
	v25 =	vmul.f32 v61, v24;
	v61 =	vld [tilespmem:$0x1FB10]  }
0x17f: {  	v0 =	vadd.f32 v27, v0;
	v27 =	vmul.f32 v63, v24;
	v63 =	vld [tilespmem:$0x1FB20]  }
0x180: {  	v36 =	vld [tilespmem:$0x1FB30]  }
0x181: {  	v0 =	vadd.f32 v59, v0;
	v59 =	vld [tilespmem:$0x1FB00]  }
0x182: {  	v5 =	vadd.f32 v13, v5;
	v13 =	vmul.f32 v39, v24;
	v39 =	vld [tilespmem:$0x1FB40]  }
0x183: {  	v24 =	vmul.f32 v43, v24;
	v43 =	vld [tilespmem:$0x1FB50]  }
0x184: {  	v4 =	vadd.f32 v27, v4;
	v5 =	vadd.f32 v13, v5;
	v13 =	vmul.f32 v57, v34;
	v57 =	vld [tilespmem:$0x1FB60]  }
0x185: {  	v0 =	vadd.f32 v24, v0;
	v24 =	vmul.f32 v61, v34;
	v27 =	vmul.f32 v63, v34;
	v61 =	vld [tilespmem:$0x1FB80]  }
0x186: {  	v2 =	vadd.f32 v25, v2;
	v25 =	vmul.f32 v59, v34;
	v59 =	vld [tilespmem:$0x1FB70]  }
0x187: {  	v0 =	vadd.f32 v27, v0;
	v27 =	vld [tilespmem:$0x1FB90]  }
0x188: {  	v34 =	vld [tilespmem:$0x1FBB0]  }
0x189: {  	v2 =	vadd.f32 v13, v2;
	v13 =	vmul.f32 v36, v37;
	v36 =	vld [tilespmem:$0x1FBC0]  }
0x18a: {  	v5 =	vadd.f32 v24, v5;
	v24 =	vmul.f32 v39, v37;
	v39 =	vld [tilespmem:$0x1FBE0]  }
0x18b: {  	v2 =	vadd.f32 v13, v2;
	v13 =	vmul.f32 v43, v37;
	v43 =	vld [tilespmem:$0x1FBF0]  }
0x18c: {  	v4 =	vadd.f32 v25, v4;
	v25 =	vmul.f32 v57, v37;
	v37 =	vld [tilespmem:$0x1FBD0]  }
0x18d: {  	v57 =	vld [tilespmem:$0x1FC10]  }
0x18e: {  	v63 =	vmul.f32 v61, v42;
	v61 =	vld [tilespmem:$0x1FC30]  }
0x18f: {  	v4 =	vadd.f32 v24, v4;
	v5 =	vadd.f32 v13, v5;
	v24 =	vmul.f32 v59, v42;
	v59 =	vld [tilespmem:$0x1FC20]  }
0x190: {  	v0 =	vadd.f32 v25, v0;
	v13 =	vmul.f32 v27, v42;
	v25 =	vmul.f32 v36, v51;
	v36 =	vld [tilespmem:$0x1FC60]  }
0x191: {  	v4 =	vadd.f32 v63, v4;
	v63 =	vld [tilespmem:$0x1FC40]  }
0x192: {  	v5 =	vadd.f32 v13, v5;
	v13 =	vmul.f32 v34, v51;
	v34 =	vld [tilespmem:$0x1FC50]  }
0x193: {  	v2 =	vadd.f32 v24, v2;
	v24 =	vmul.f32 v33, v42;
	v42 =	vmul.f32 v39, v51;
	v39 =	vld [tilespmem:$0x1FC80]  }
0x194: {  	v33 =	vld [tilespmem:$0x1FD40]  }
0x195: {  	v0 =	vadd.f32 v24, v0;
	v24 =	vmul.f32 v37, v51;
	v51 =	vld [tilespmem:$0x1FC00]  }
0x196: {  	v37 =	vld [tilespmem:$0x1FC70]  }
0x197: {  	v2 =	vadd.f32 v13, v2;
	v13 =	vmul.f32 v43, v54;
	v43 =	vld [tilespmem:$0x1FCA0]  }
0x198: {  	v4 =	vadd.f32 v25, v4;
	v25 =	vmul.f32 v59, v58;
	v59 =	vld [tilespmem:$0x1FCE0];
	v5 =	vadd.f32 v24, v5  }
0x199: {  	v0 =	vadd.f32 v42, v0;
	v2 =	vadd.f32 v13, v2;
	v13 =	vmul.f32 v57, v54;
	v42 =	vld [tilespmem:$0x1FC90]  }
0x19a: {  	v57 =	vld [tilespmem:$0x1FCC0];
	v24 =	vmul.f32 v51, v54  }
0x19b: {  	v27 =	vmul.f32 v63, v58;
	v63 =	vld [tilespmem:$0x1FD10];
	v5 =	vadd.f32 v13, v5;
	v2 =	vadd.f32 v25, v2  }
0x19c: {  	v13 =	vmul.f32 v34, v60;
	v4 =	vadd.f32 v24, v4;
	v24 =	vmul.f32 v61, v54;
	v54 =	vld [tilespmem:$0x1FCB0]  }
0x19d: {  	v34 =	vld [tilespmem:$0x1FD50]  }
0x19e: {  	v25 =	vmul.f32 v37, v58;
	v37 =	vld [tilespmem:$0x1FD70];
	v2 =	vadd.f32 v13, v2;
	v13 =	vmul.f32 v39, v21  }
0x19f: {  	v51 =	vmul.f32 v43, v60;
	v43 =	vld [tilespmem:$0x1FDA0];
	v0 =	vadd.f32 v24, v0;
	v24 =	vmul.f32 v36, v58  }
0x1a0: {  	v2 =	vadd.f32 v13, v2;
	v4 =	vadd.f32 v27, v4;
	v58 =	vld [tilespmem:$0x1FCD0]  }
0x1a1: {  	v39 =	vld [tilespmem:$0x1FD80];
	v5 =	vadd.f32 v24, v5;
	v24 =	vmul.f32 v42, v60;
	v13 =	vmul.f32 v54, v20  }
0x1a2: {  	v61 =	vld [tilespmem:$0x1FD00];
	v0 =	vadd.f32 v25, v0;
	v25 =	vmul.f32 v59, v17  }
0x1a3: {  	v4 =	vadd.f32 v24, v4;
	v24 =	vmul.f32 v57, v60;
	v60 =	vld [tilespmem:$0x1FCF0];
	v2 =	vadd.f32 v13, v2  }
0x1a4: {  	v27 =	vld [tilespmem:$0x1FD30]  }
0x1a5: {  	v13 =	vmul.f32 v58, v21;
	v2 =	vadd.f32 v25, v2;
	v25 =	vld [tilespmem:$0x1FD20]  }
0x1a6: {  	v36 =	vld [tilespmem:$0x1FD60]  }
0x1a7: {  	v42 =	vld [tilespmem:$0x1FD90];
	v5 =	vadd.f32 v51, v5;
	v4 =	vadd.f32 v13, v4;
	v13 =	vmul.f32 v63, v18  }
0x1a8: {  	v59 =	vld [tilespmem:$0x1FDF0];
	v0 =	vadd.f32 v24, v0;
	v24 =	vmul.f32 v60, v21;
	v21 =	vmul.f32 v61, v21  }
0x1a9: {  	v54 =	vld [tilespmem:$0x1FDC0];
	v2 =	vadd.f32 v13, v2;
	v13 =	vmul.f32 v27, v20  }
0x1aa: {  	v51 =	vld [tilespmem:$0x1FDB0];
	v5 =	vadd.f32 v24, v5;
	v0 =	vadd.f32 v21, v0;
	v21 =	vmul.f32 v25, v20  }
0x1ab: {  	v57 =	vld [tilespmem:$0x1FDD0];
	v20 =	vmul.f32 v34, v20  }
0x1ac: {  	v58 =	vld [tilespmem:$0x1FDE0];
	v24 =	vmul.f32 v33, v19;
	v5 =	vadd.f32 v13, v5;
	v4 =	vadd.f32 v21, v4  }
0x1ad: {  	v63 =	vld [tilespmem:$0x1FE20];
	v21 =	vmul.f32 v36, v17;
	v0 =	vadd.f32 v20, v0;
	v20 =	vmul.f32 v39, v17  }
0x1ae: {  	v60 =	vld [tilespmem:$0x1FE00];
	v2 =	vadd.f32 v24, v2;
	v13 =	vmul.f32 v37, v15  }
0x1af: {  	v61 =	vld [tilespmem:$0x1FE10];
	v4 =	vadd.f32 v21, v4;
	v5 =	vadd.f32 v20, v5;
	v21 =	vmul.f32 v54, v18  }
0x1b0: {  	v33 =	vld [tilespmem:$0x1FE60];
	v2 =	vadd.f32 v13, v2;
	v13 =	vmul.f32 v43, v12  }
0x1b1: {  	v17 =	vmul.f32 v42, v17;
	v20 =	vmul.f32 v51, v18;
	v5 =	vadd.f32 v21, v5;
	v21 =	vld [tilespmem:$0x1FE30]  }
0x1b2: {  	v27 =	vmul.f32 v53, v10;
	v24 =	vld [tilespmem:$0x1FE40];
	v2 =	vadd.f32 v13, v2;
	v13 =	vmul.f32 v57, v16  }
0x1b3: {  	v25 =	vld [tilespmem:$0x1FE50];
	v0 =	vadd.f32 v17, v0;
	v17 =	vmul.f32 v58, v19;
	v4 =	vadd.f32 v20, v4  }
0x1b4: {  	v34 =	vld [tilespmem:$0x1FE70];
	v42 =	vmul.f32 v44, v8;
	v2 =	vadd.f32 v13, v2;
	v13 =	vmul.f32 v60, v14  }
0x1b5: {  	v20 =	vmul.f32 v63, v15;
	v4 =	vadd.f32 v17, v4;
	v17 =	vmul.f32 v61, v19  }
0x1b6: {  	v37 =	vld [tilespmem:$0x1FE80];
	v18 =	vmul.f32 v59, v18;
	v2 =	vadd.f32 v13, v2;
	v13 =	vmul.f32 v21, v11  }
0x1b7: {  	v39 =	vld [tilespmem:$0x1FE90];
	v5 =	vadd.f32 v17, v5;
	v4 =	vadd.f32 v20, v4;
	v17 =	vmul.f32 v24, v12  }
0x1b8: {  	v44 =	vld [tilespmem:$0x1FEB0];
	v0 =	vadd.f32 v18, v0;
	v18 =	vmul.f32 v25, v19;
	v2 =	vadd.f32 v13, v2  }
0x1b9: {  	v43 =	vld [tilespmem:$0x1FEA0];
	v19 =	vmul.f32 v34, v16;
	v4 =	vadd.f32 v17, v4;
	v17 =	vmul.f32 v33, v15  }
0x1ba: {  	v36 =	vmul.f32 v46, v9;
	v51 =	vld [tilespmem:$0x1FEC0];
	v2 =	vadd.f32 v27, v2  }
0x1bb: {  	v53 =	vld [tilespmem:$0x1FED0];
	v5 =	vadd.f32 v17, v5;
	v4 =	vadd.f32 v19, v4;
	v17 =	vmul.f32 v37, v14  }
0x1bc: {  	v58 =	vld [tilespmem:$0x1FEF0];
	v0 =	vadd.f32 v18, v0;
	v15 =	vmul.f32 v39, v15;
	v2 =	vadd.f32 v36, v2  }
0x1bd: {  	v46 =	vmul.f32 v41, v7;
	v18 =	vmul.f32 v44, v11;
	v24 =	vld [tilespmem:$0x1FF20];
	v4 =	vadd.f32 v17, v4  }
0x1be: {  	v59 =	vmul.f32 v29, v30;
	v60 =	vld [tilespmem:$0x1FF00];
	v0 =	vadd.f32 v15, v0;
	v2 =	vadd.f32 v42, v2  }
0x1bf: {  	v29 =	vld [tilespmem:$0x1FF30];
	v15 =	vmul.f32 v51, v10;
	v17 =	vmul.f32 v43, v12;
	v4 =	vadd.f32 v18, v4  }
0x1c0: {  	v54 =	vmul.f32 v31, v6;
	v21 =	vld [tilespmem:$0x1FF10];
	v13 =	vmul.f32 v53, v16;
	v2 =	vadd.f32 v46, v2  }
0x1c1: {  	v31 =	vld [tilespmem:$0x1FF40];
	v5 =	vadd.f32 v17, v5;
	v4 =	vadd.f32 v15, v4;
	v15 =	vmul.f32 v58, v9  }
0x1c2: {  	v57 =	vld [tilespmem:$0x1FEE0];
	v63 =	vmul.f32 v26, v48;
	v26 =	vmul.f32 v40, v7;
	v2 =	vadd.f32 v54, v2  }
0x1c3: {  	v40 =	vld [tilespmem:$0x1FF90];
	v5 =	vadd.f32 v13, v5;
	v4 =	vadd.f32 v15, v4;
	v15 =	vmul.f32 v60, v14  }
0x1c4: {  	v35 =	vmul.f32 v35, v30;
	v61 =	vmul.f32 v49, v8;
	v34 =	vld [tilespmem:$0x1FF50];
	v2 =	vadd.f32 v59, v2  }
0x1c5: {  	v33 =	vmul.f32 v38, v6;
	v25 =	vld.idx.msk [tilespmem:v24+s11+$0x0], $0xffff;
	v13 =	vmul.f32 v21, v11;
	v5 =	vadd.f32 v15, v5  }
0x1c6: {  	v27 =	vmul.f32 v22, v47;
	v36 =	vld [tilespmem:$0x1FF60];
	v4 =	vadd.f32 v61, v4;
	v2 =	vadd.f32 v63, v2  }
0x1c7: {  	v37 =	vld [tilespmem:$0x1FF70];
	v12 =	vmul.f32 v57, v12;
	v5 =	vadd.f32 v13, v5;
	v13 =	vmul.f32 v31, v10  }
0x1c8: {  	v39 =	vld [tilespmem:$0x1FF80];
	v16 =	vmul.f32 v29, v16;
	v4 =	vadd.f32 v26, v4;
	v2 =	vadd.f32 v27, v2  }
0x1c9: {  	v0 =	vadd.f32 v12, v0;
	v5 =	vadd.f32 v13, v5;
	v13 =	vmul.f32 v34, v9  }
0x1ca: {  	v3 =	vmul.f32 v3, v48;
	v44 =	vld [tilespmem:$0x1FFA0];
	v4 =	vadd.f32 v33, v4;
	v2 =	vmul.f32 v25, v2  }
0x1cb: {  	v49 =	vld [tilespmem:$0x1FFB0];
	v0 =	vadd.f32 v16, v0;
	v14 =	vmul.f32 v36, v14;
	v5 =	vadd.f32 v13, v5  }
0x1cc: {  	v54 =	vld [tilespmem:$0x1FFD0];
	v13 =	vmul.f32 v37, v8;
	v38 =	vadd.f32 v35, v4;
	[tilespmem:v24+s23+$0x0] =	vst.idx.msk $0xffff, v2  }
0x1cd: {  	v43 =	vmul.f32 v23, v47;
	v0 =	vadd.f32 v14, v0;
	v4 =	vmul.f32 v39, v11;
	v41 =	vld.idx.msk [tilespmem:v40+s11+$0x0], $0xffff  }
0x1ce: {  	v42 =	vmul.f32 v55, v7;
	v5 =	vadd.f32 v13, v5;
	v2 =	vadd.f32 v3, v38  }
0x1cf: {  	v51 =	vld [tilespmem:$0x1FFC0];
	v0 =	vadd.f32 v4, v0;
	v4 =	vmul.f32 v44, v10  }
0x1d0: {  	v46 =	vmul.f32 v50, v6;
	v3 =	vadd.f32 v42, v5;
	v2 =	vadd.f32 v43, v2  }
0x1d1: {  	v57 =	vld [tilespmem:$0x1FFE0];
	v0 =	vadd.f32 v4, v0;
	v4 =	vmul.f32 v49, v9  }
0x1d2: {  	v50 =	vmul.f32 v62, v30;
	v3 =	vadd.f32 v46, v3;
	v2 =	vmul.f32 v41, v2  }
0x1d3: {  	v1 =	vmul.f32 v1, v48;
	v0 =	vadd.f32 v4, v0  }
0x1d4: {  	v62 =	vld [tilespmem:$0x1FFF0];
	v4 =	vmul.f32 v51, v8;
	v53 =	vadd.f32 v50, v3;
	[tilespmem:v40+s23+$0x0] =	vst.idx.msk $0xffff, v2  }
0x1d5: {  	v58 =	vmul.f32 v28, v47;
	v55 =	vld.idx.msk [tilespmem:v54+s11+$0x0], $0xffff  }
0x1d6: {  	v0 =	vadd.f32 v4, v0;
	v4 =	vmul.f32 v57, v7;
	v1 =	vadd.f32 v1, v53;
	_ =	sdelay $0x1  }
0x1d7: {  	v59 =	vmul.f32 v56, v6;
	v0 =	vadd.f32 v4, v0;
	v1 =	vadd.f32 v58, v1;
	_ =	sdelay $0x1  }
0x1d8: {  	v60 =	vmul.f32 v45, v30;
	v0 =	vadd.f32 v59, v0;
	v1 =	vmul.f32 v55, v1;
	_ =	sdelay $0x1  }
0x1d9: {  	v61 =	vmul.f32 v52, v48;
	v0 =	vadd.f32 v60, v0;
	[tilespmem:v54+s23+$0x0] =	vst.idx.msk $0xffff, v1  }
0x1da: {  	v1 =	vld.idx.msk [tilespmem:v62+s11+$0x0], $0xffff  }
0x1db: {  	v63 =	vmul.f32 v32, v47;
	v0 =	vadd.f32 v61, v0  }
0x1dc: {  	p0 =	sne.s32 s25, $0x1F0  }
.Ltmp0:
0x1dd: {  	v0 =	vadd.f32 v63, v0;
	(pc) =	sbr.rel @p0 .LBB2_2-.Ltmp0, $3  }
0x1de: {  	_ = 	snop  }
0x1df: {  	v0 =	vmul.f32 v1, v0;
	_ =	sdelay $0x1  }
0x1e0: {  	s25 =	sadd.s32 $0x10, s25;
	[tilespmem:v62+s23+$0x0] =	vst.idx.msk $0xffff, v0  }
0x1e1: {  	s24 =	sadd.s32 $0x1, s24  }
0x1e2: {  	p0 =	sne.s32 s24, s8  }
.Ltmp1:
0x1e3: {  	_ = 	snop;
	(pc) =	sbr.rel @p0 .LBB2_1-.Ltmp1, $4  }
0x1e4: {  	[hbm4b:s7+s2] =	stream.linear.scatter [tilespmem:s23], [sflag:$0x2], $0xA00, $0x38;
	[tilespmem:$0x1A000] =	vst v63  }
0x1e5: {  	_ =	swait.ge [sflag:s9], $0xA00  }
0x1e6: {  	[sflag:s9] =	ssyncset.done $0x0  }
0x1e7: {  	[sflag:s9] =	ssyncadd.s32 $0xFFFFF600  }
0x1e8: {  	_ =	sfence.sel $0x180000  }
0x1e9: {  	[bflag:$0x0] =	sbarrier.arrive $0xFFFF  }
0x1ea: {  	_ =	strace $0x9000004A  }
0x1eb: {  	s0 =	stileid.u32;
	[bflag:$0x2] =	sbarrier.arrive $0xFFFF  }
0x1ec: {  	p0 =	sne.s32 s0, $0x0;
	s0 =	rddreg [dreg:$0x3]  }
0x1ed: {  	s0 =	sadd.s32 @!p0 $0x100000, s0  }
0x1ee: {  	[sflag:s0] =	ssyncadd.tile.s32 @!p0 $0x1;
	_ =	shalt  }
.Lfunc_end2:
_tile_overlayer_lowered:
.L_overlay_start_2:
0x1ef: {  	(tag) =	ssettag $0x2  }
0x1f0: {  	s0 =	rddreg [dreg:$0x0];
	s2 =	stileid.u32  }
0x1f1: {  	s1 =	rddreg [dreg:$0x1];
	p0 =	sne.s32 s2, $0x0  }
0x1f2: {  	s3 =	rddreg [dreg:$0x2];
	[bflag:$0x3] =	sbarrier.arrive $0xFFFF;
	s2 =	simm.s32 @!p0 $0x1C02  }
0x1f3: {  	[timem:s3], [sflag:s2] =	dma.local @!p0 [hbm:s0], s1  }
0x1f4: {  	s0 =	simm.s32 @!p0 $0x2  }
0x1f5: {  	_ =	swait.ge @!p0 [sflag:s0], s1  }
0x1f6: {  	s1 =	ssub.s32 @!p0 $0x0, s1;
	[sflag:s0] =	ssyncset.done @!p0 $0x0  }
0x1f7: {  	[sflag:s0] =	ssyncadd.s32 @!p0 s1  }
0x1f8: {  	[bflag:$0x3] =	sbarrier.arrive $0xFFFF  }
0x1f9: {  	_ =	shalt  }

// kernel: sparse-core-data-format-call.cloned.1.call-start
scs
called_computation_lowered:
.L_overlay_start_0:
0x0: {  	s1 =	sld [smem:$0x3FD9]  }
0x1: {  	s2 =	sld [smem:$0x3FFE];
	_ =	sdelay $0x1  }
0x2: {  	s3 =	srdreg.scid  }
0x3: {  	s0 =	sand.u32 $0x1, s3  }
0x4: {  	s17 =	sshll.u32 s0, $0xA;
	s1 =	sadd.s32 s2, s1  }
0x5: {  	s1 =	sadd.s32 s1, s17  }
0x6: {  	[smem:$0x3FC3] =	sst s1  }
0x7: {  	_ = 	snop  }
0x8: {  	(tm) =	ssettm $0x1  }
0x9: {  	s18 =	sld [smem:$0x3FFB];
	_ =	sdelay $0x3  }
0xa: {  	_ =	strace s18  }
0xb: {  	s1 =	sld [smem:$0x3FFC];
	_ =	sdelay $0x3  }
0xc: {  	_ =	strace s1  }
0xd: {  	s1 =	sld [smem:$0x3FFD];
	_ =	sdelay $0x3  }
0xe: {  	_ =	strace s1  }
0xf: {  	_ =	strace $0x8FFFFFFF  }
0x10: {  	s19 =	sld [smem:$0x3FDB];
	_ =	sdelay $0x1  }
0x11: {  	s20 =	simm.s32 $_scs_section_size  }
0x12: {  	s4 =	simm.s32 $_size__tile_overlayer_lowered;
	s5 =	simm.s32 $_tile_overlayer_lowered  }
0x13: {  	s23 =	simm.s32 $0x1BFF;
	s22 =	sshll.u32 s5, $0x1;
	s1 =	sadd.s32 s20, s19  }
0x14: {  	s6 =	simm.s32 $0x0;
	s21 =	sshll.u32 s4, $0x1;
	s4 =	sadd.s32 s22, s1  }
0x15: {  	[timem:s6], [sflag:s23] =	dma.local [hbm:s4], s21  }
0x16: {  	_ =	swait.ge [sflag:s23], s21  }
0x17: {  	s2 =	ssub.s32 $0x0, s21;
	[sflag:s23] =	ssyncset.done $0x0  }
0x18: {  	[sflag:s23] =	ssyncadd.s32 s2;
	_ =	sdelay $0x1  }
0x19: {  	s24 =	simm.s32 $0x1B8B  }
0x1a: {  	_ =	swait.ge [sflag:s24], $0x1  }
0x1b: {  	[sflag:s24] =	ssyncset.done $0x0  }
0x1c: {  	s26 =	simm.s32 $0x1B8E;
	s25 =	sld [smem:$0x3FFE];
	[sflag:s24] =	ssyncadd.s32 $0xFFFFFFFF  }
0x1d: {  	s27 =	simm.s32 $execute0_lowered;
	[smem:$0x3FD2] =	sst s26  }
0x1e: {  	s4 =	sshll.u32 s27, $0x1;
	_ =	strace $0x80000046;
	[dreg:$0x1] =	wrdreg $0xFFFFFFFF  }
0x1f: {  	s28 =	simm.s32 $_size_execute0_lowered;
	s1 =	sadd.s32 s1, s4;
	[dreg:$0x0] =	wrdreg $0x0  }
0x20: {  	s4 =	sshll.u32 s28, $0x1;
	[dreg:$0x2] =	wrdreg s1  }
0x21: {  	[dreg:$0x3] =	wrdreg s4  }
0x22: {  	[dreg:$0x4] =	wrdreg $0xC0  }
0x23: {  	_ =	task [dreg:s6], $0x5FFFF  }
0x24: {  	[dreg:$0x1] =	wrdreg $0xFFFFFFFF  }
0x25: {  	[dreg:$0x0] =	wrdreg $0x60  }
0x26: {  	[dreg:$0x2] =	wrdreg s25  }
0x27: {  	[dreg:$0x3] =	wrdreg $0x9  }
0x28: {  	_ =	task.clear_ibuf [dreg:s6], $0x4FFFF;
	_ =	strace $0x90000046  }
0x29: {  	s29 =	simm.s32 $0x9;
	_ =	strace $0x80000048  }
0x2a: {  	_ =	swait.ge [sflag:s29], $0x1  }
0x2b: {  	[sflag:s29] =	ssyncadd.s32 $0xFFFFFFFF  }
0x2c: {  	_ =	strace $0x90000048  }
0x2d: {  	_ =	sfence  }
0x2e: {  	s30 =	sld [smem:$0x0];
	_ =	sdelay $0x2  }
0x2f: {  	s31 =	sshll.u32 s3, $0xD;
	s3 =	sshrl.u32 s3, $0x2  }
0x30: {  	s2 =	sand.u32 $0x4000, s31;
	s1 =	sadd.s32 s3, s30  }
0x31: {  	s0 =	sor.u32 s2, s0;
	s1 =	sshll.u32 s1, $0x11  }
0x32: {  	s0 =	sor.u32 s1, s0  }
0x33: {  	s0 =	sadd.s32 $0x8F2B, s0  }
0x34: {  	[sflag:s0] =	ssyncadd.remote.s32 $0x1  }
0x35: {  	_ =	sfence.sel $0xFFFF  }
0x36: {  	[dreg:$0x0] =	wrdreg $0xFFFFFFFF;
	(pc) =	sbr.abs _section_cstart, $3  }
0x37: {  	[dreg:$0x1] =	wrdreg $0xFFFFFFFF  }
0x38: {  	_ =	task.clear_ibuf [dreg:s6], $0x2FFFF;
	_ =	strace $0x9FFFFFFF  }
0x39: {  	(tm) =	ssettm $0x7FFFFFFF  }
tec
execute0_lowered:
.L_overlay_start_1:
0x0: {  	(tag) =	ssettag $0x1  }
0x1: {  	s0 =	srdreg.scid  }
0x2: {  	s6 =	rddreg [dreg:$0x0];
	s7 =	simm.s32 $0x1;
	s1 =	sshll.u32 s0, $0x4  }
0x3: {  	s8 =	simm.s32 $0x2;
	s0 =	stileid.u32;
	s1 =	sand.u32 $0x10, s1  }
0x4: {  	s13 =	simm.s32 $0x0;
	s12 =	simm.s32 $0x0;
	s1 =	sor.u32 s0, s1  }
0x5: {  	s10 =	simm.s32 $0x0;
	s3 =	sadd.s32 $0xC00, s6;
	s2 =	sshll.u32 s1, $0x7  }
0x6: {  	s11 =	simm.s32 $0x0;
	s6 =	sadd.s32 $0x7A1E00, s6;
	s5 =	ssub.s32 $0x1E8480, s2  }
.Ltmp0:
0x7: {  	s1 =	rddreg [dreg:$0x1];
	s4 =	sand.u32 $0xF80, s5;
	(pc) =	sbr.rel .LBB1_1-.Ltmp0, $4  }
0x8: {  	_ =	strace $0x80000047;
	s9 =	smov.u32 s2;
	p0 =	sne.s32 s4, $0x0  }
0x9: {  	s5 =	sshrl.u32 s5, $0xC;
	s4 =	simm.s32 $0x1;
	s7 =	simm.s32 @!p0 $0x0  }
0xa: {  	[sflag:s4] =	ssyncpa.u1 $0x0;
	p0 =	por $0x0, $0x0;
	s5 =	sadd.s32 s7, s5  }
0xb: {  	[sflag:s8] =	ssyncpa.u1 $0x0;
	s8 =	simm.s32 $0x80;
	s7 =	sadd.s32 $0x1, s5  }
.LBB1_4:
0xc: {  	s13 =	sshll.u32 s13, $0x7;
	s19 =	sshll.u32 s12, $0x3  }
0xd: {  	v5 =	vld [tilespmem:s17+$0xFFFFFFD0];
	[tilespmem:s16+$0x840 ss:$0x21] =	vst.msk $0xffff, v4;
	s20 =	sand.u32 $0xFFFFFC00, s13;
	s19 =	sand.u32 $0xFFFFFC00, s19  }
0xe: {  	v58 =	vld [tilespmem:s17+$0xFFFFFFE0];
	[tilespmem:s16+$0xA50 ss:$0x21] =	vst.msk $0xffff, v3;
	s13 =	sand.u32 $0x380, s13;
	s19 =	sadd.s32 s19, s20  }
0xf: {  	s18 =	sshra.s32 s18, $0x2;
	v59 =	vld [tilespmem:s17+$0xFFFFFFF0];
	[tilespmem:s16+$0xC60 ss:$0x21] =	vst.msk $0xffff, v2;
	s13 =	sor.u32 s13, s19  }
0x10: {  	v60 =	vld [tilespmem:s17+$0x0];
	[tilespmem:s16+$0x0 ss:$0x21] =	vst.msk $0xffff, v0;
	s15 =	sadd.s32 s18, s15;
	s13 =	sshrl.u32 s13, $0x7  }
0x11: {  	v61 =	vld [tilespmem:s17+$0x10];
	[tilespmem:s15+$0xE70 ss:$0x21] =	vst.msk $0xffff, v1;
	s28 =	smulhi.u32 $0x218DEF5, s13  }
0x12: {  	v62 =	vld [tilespmem:s17+$0x20];
	[tilespmem:s15+$0x210 ss:$0x21] =	vst.msk $0xffff, v5  }
0x13: {  	v63 =	vld [tilespmem:s17+$0xFFFFFFC0];
	[tilespmem:s15+$0x420 ss:$0x21] =	vst.msk $0xffff, v58;
	s16 =	sshrl.u32 s28, $0xE  }
0x14: {  	[tilespmem:s15+$0x630 ss:$0x21] =	vst.msk $0xffff, v59;
	s16 =	smul.u32 $0x1E8480, s16  }
0x15: {  	s29 =	sshrl.u32 s12, $0x3;
	[tilespmem:s15+$0x840 ss:$0x21] =	vst.msk $0xffff, v60  }
0x16: {  	s31 =	sand.u32 $0x7, s12;
	s30 =	sand.u32 $0xF, s29;
	[tilespmem:s15+$0xA50 ss:$0x21] =	vst.msk $0xffff, v61;
	s13 =	ssub.s32 s13, s16  }
0x17: {  	s12 =	sshll.u32 s31, $0x12;
	[tilespmem:s15+$0xC60 ss:$0x21] =	vst.msk $0xffff, v62;
	s16 =	sadd.s32 s6, s30;
	s13 =	sshll.u32 s13, $0x4  }
0x18: {  	s12 =	sor.u32 $0x20, s12;
	[tilespmem:s15+$0x0 ss:$0x21] =	vst.msk $0xffff, v63;
	s13 =	sadd.s32 s13, s16  }
0x19: {  	[hbm4b:s13+s12] =	stream.strided.scatter [tilespmem:s14], [sflag:$0x2], $0x1000, s8, s12, $0x10;
	[tilespmem:$0x4100] =	vst v63  }
.LBB1_5:
0x1a: {  	s14 =	sadd.s32 $0x1000, s9  }
0x1b: {  	s12 =	sadd.s32 $0x20, s10;
	s16 =	smov.u32 s10;
	p2 =	sgt.s32 s14, $0x1E847F  }
0x1c: {  	s16 =	smov.u32 @p2 s12  }
0x1d: {  	s14 =	smov.u32 @p2 s2;
	p2 =	sgt.s32 s16, $0x1F  }
0x1e: {  	s16 =	simm.s32 @p2 $0x0;
	p2 =	sne.s32 s11, s7  }
.Ltmp1:
0x1f: {  	p1 =	slt.u32 s11, $0x2;
	(pc) =	sbr.rel @!p2 .LBB1_6-.Ltmp1, $4  }
0x20: {  	s15 =	simm.s32 @!p1 $0x2  }
0x21: {  	s13 =	smov.u32 s9;
	p0 =	por !p0, !p0;
	_ =	swait.ge @!p1 [sflag:s15], $0x1000  }
0x22: {  	s12 =	smov.u32 s10;
	[sflag:s15] =	ssyncset.done @!p1 $0x0;
	s9 =	smov.u32 s14  }
0x23: {  	s11 =	sadd.s32 $0x1, s11;
	[sflag:s15] =	ssyncadd.s32 @!p1 $0xFFFFF000;
	s10 =	smov.u32 s16  }
.LBB1_1:
0x24: {  	p1 =	sge.u32 s11, s5  }
0x25: {  	s14 =	sshrl.u32 @!p1 s10, $0x3  }
0x26: {  	s15 =	sshll.u32 @!p1 s9, $0x3;
	s14 =	smul.u32 @!p1 $0xF42400, s14  }
0x27: {  	s16 =	sshll.u32 @!p1 s10, $0x7;
	s15 =	sand.u32 @!p1 $0xFFFFFC00, s15  }
0x28: {  	s14 =	sadd.s32 @!p1 s14, s15;
	s15 =	sand.u32 @!p1 $0x380, s16  }
0x29: {  	s16 =	sand.u32 @!p1 $0x7F, s9;
	s14 =	sor.u32 @!p1 s15, s14  }
0x2a: {  	s15 =	sor.u32 @!p1 s16, s14  }
0x2b: {  	s16 =	smulhi.u32 @!p1 $0x431BDE83, s15;
	_ =	sdelay $0x1  }
0x2c: {  	s14 =	smulhi.u32 @!p1 $0x431BDE83, s14;
	s16 =	sshrl.u32 @!p1 s16, $0x13  }
0x2d: {  	s16 =	smul.u32 @!p1 $0x1E8480, s16  }
0x2e: {  	s31 =	sadd.s32 $0xFFFFFFFF, s11;
	s17 =	sxor.u32 @!p1 $0xFFFFFFFF, s11;
	s14 =	sshrl.u32 @!p1 s14, $0x13  }
0x2f: {  	s17 =	sshll.u32 @!p1 s17, $0xC;
	s14 =	sand.u32 @!p1 $0x1F, s14;
	s15 =	ssub.s32 @!p1 s15, s16  }
0x30: {  	s14 =	smul.u32 @!p1 $0x3D090, s14;
	s16 =	sshrl.u32 @!p1 s15, $0x3;
	s15 =	sand.u32 @!p1 $0x7, s15  }
0x31: {  	s17 =	sand.u32 @!p1 $0x1000, s17;
	s16 =	sadd.s32 @!p1 s3, s16;
	s15 =	sshll.u32 @!p1 s15, $0x12  }
0x32: {  	s14 =	sadd.s32 @!p1 s14, s16;
	s15 =	sor.u32 @!p1 $0x400, s15;
	s16 =	simm.s32 @!p1 $0xF42400  }
0x33: {  	[tilespmem:s17], [sflag:$0x1] =	stream.strided.gather @!p1 [hbm4b:s14+s15], $0x1000, s16, s15, $0x38;
	[tilespmem:$0x4100] =	vst v63  }
0x34: {  	p1 =	sge.u32 s31, s5  }
.Ltmp2:
0x35: {  	_ = 	snop;
	(pc) =	sbr.rel @p1 .LBB1_5-.Ltmp2, $1  }
0x36: {  	_ =	sdelay $0x3  }
0x37: {  	s14 =	simm.s32 $0x1  }
0x38: {  	_ =	swait.ge [sflag:s4], $0x1000;
	s14 =	simm.s32 @!p0 $0x0  }
0x39: {  	[sflag:s4] =	ssyncset.done $0x0;
	s15 =	sshll.u32 s14, $0xC  }
0x3a: {  	[sflag:s4] =	ssyncadd.s32 $0xFFFFF000;
	s17 =	sor.u32 $0x40, s15  }
0x3b: {  	s14 =	smul.u32 $0x4200, s14;
	v0 =	vld [tilespmem:s17+$0x30]  }
0x3c: {  	v1 =	vld [tilespmem:s17+$0xFFFFFFD0]  }
0x3d: {  	s14 =	sshrl.u32 s14, $0x2;
	v5 =	vld [tilespmem:s17+$0xFFFFFFE0]  }
0x3e: {  	v6 =	vld [tilespmem:s17+$0xFFFFFFF0];
	s15 =	sor.u32 $0x2000, s14  }
0x3f: {  	s31 =	sand.u32 $0x1, s11;
	v4 =	vld [tilespmem:s17+$0x0];
	s16 =	sadd.s32 $0x0, s15  }
0x40: {  	v3 =	vld [tilespmem:s17+$0x10];
	s14 =	smul.u32 $0x4200, s31;
	[tilespmem:s16+$0xE70 ss:$0x21] =	vst.msk $0xffff, v0  }
0x41: {  	v2 =	vld [tilespmem:s17+$0x20];
	[tilespmem:s16+$0x210 ss:$0x21] =	vst.msk $0xffff, v1  }
0x42: {  	s14 =	sshrl.u32 s14, $0x2;
	v0 =	vld [tilespmem:s17+$0xFFFFFFC0];
	[tilespmem:s16+$0x420 ss:$0x21] =	vst.msk $0xffff, v5;
	s17 =	sadd.s32 $0x80, s17  }
0x43: {  	s18 =	simm.s32 $0x4;
	s19 =	simm.s32 $0x8;
	s14 =	sor.u32 $0x2000, s14;
	[tilespmem:s16+$0x630 ss:$0x21] =	vst.msk $0xffff, v6;
	v1 =	vld [tilespmem:s17+$0x30]  }
.LBB1_3:
0x44: {  	p1 =	sne.s32 s19, $0x7C;
	v5 =	vld [tilespmem:s17+$0xFFFFFFD0];
	[tilespmem:s16+$0x840 ss:$0x21] =	vst.msk $0xffff, v4  }
0x45: {  	v6 =	vld [tilespmem:s17+$0xFFFFFFE0];
	[tilespmem:s16+$0xA50 ss:$0x21] =	vst.msk $0xffff, v3  }
0x46: {  	s20 =	sshra.s32 s18, $0x2;
	s18 =	smov.u32 s19;
	v7 =	vld [tilespmem:s17+$0xFFFFFFF0];
	[tilespmem:s16+$0xC60 ss:$0x21] =	vst.msk $0xffff, v2  }
.Ltmp3:
0x47: {  	v4 =	vld [tilespmem:s17+$0x0];
	[tilespmem:s16+$0x0 ss:$0x21] =	vst.msk $0xffff, v0;
	s16 =	sadd.s32 s20, s15;
	(pc) =	sbr.rel @p1 .LBB1_3-.Ltmp3, $4  }
0x48: {  	v3 =	vld [tilespmem:s17+$0x10];
	[tilespmem:s16+$0xE70 ss:$0x21] =	vst.msk $0xffff, v1  }
0x49: {  	[tilespmem:s16+$0x210 ss:$0x21] =	vst.msk $0xffff, v5;
	v2 =	vld [tilespmem:s17+$0x20]  }
0x4a: {  	v0 =	vld [tilespmem:s17+$0xFFFFFFC0];
	[tilespmem:s16+$0x420 ss:$0x21] =	vst.msk $0xffff, v6;
	s17 =	sadd.s32 $0x80, s17  }
0x4b: {  	s19 =	sadd.s32 $0x4, s19;
	v1 =	vld [tilespmem:s17+$0x30];
	[tilespmem:s16+$0x630 ss:$0x21] =	vst.msk $0xffff, v7  }
.Ltmp4:
0x4c: {  	_ = 	snop;
	(pc) =	sbr.rel .LBB1_4-.Ltmp4, $1  }
0x4d: {  	_ =	sdelay $0x3  }
.LBB1_6:
0x4e: {  	_ =	sfence.sel $0x180000  }
0x4f: {  	s2 =	simm.s32 $0x1;
	[bflag:$0x0] =	sbarrier.arrive $0xFFFF  }
0x50: {  	s31 =	simm.s32 $0x2;
	[sflag:s2] =	ssyncpa.u1 $0x1  }
0x51: {  	[sflag:s31] =	ssyncpa.u1 $0x1  }
0x52: {  	p0 =	sne.s32 s0, $0x0;
	_ =	strace $0x90000047  }
0x53: {  	s0 =	sadd.s32 @!p0 $0x100000, s1;
	[bflag:$0x2] =	sbarrier.arrive $0xFFFF  }
0x54: {  	[sflag:s0] =	ssyncadd.tile.s32 @!p0 $0x1;
	_ =	shalt  }
.Lfunc_end1:
_tile_overlayer_lowered:
.L_overlay_start_2:
0x55: {  	(tag) =	ssettag $0x2  }
0x56: {  	s0 =	rddreg [dreg:$0x0];
	s2 =	stileid.u32  }
0x57: {  	s1 =	rddreg [dreg:$0x1];
	p0 =	sne.s32 s2, $0x0  }
0x58: {  	s3 =	rddreg [dreg:$0x2];
	[bflag:$0x3] =	sbarrier.arrive $0xFFFF;
	s2 =	simm.s32 @!p0 $0x1C01  }
0x59: {  	[timem:s3], [sflag:s2] =	dma.local @!p0 [hbm:s0], s1  }
0x5a: {  	s0 =	simm.s32 @!p0 $0x1  }
0x5b: {  	_ =	swait.ge @!p0 [sflag:s0], s1  }
0x5c: {  	s1 =	ssub.s32 @!p0 $0x0, s1;
	[sflag:s0] =	ssyncset.done @!p0 $0x0  }
0x5d: {  	[sflag:s0] =	ssyncadd.s32 @!p0 s1  }
0x5e: {  	[bflag:$0x3] =	sbarrier.arrive $0xFFFF  }
0x5f: {  	_ =	shalt  }

</sc_bundles>
